<compile_context>
chip_gen: v7x
topology: tpu7x:2x2x1
jax: 0.10.2.dev20260603
libtpu: 0.0.44.dev20260713+nightly
codegen_flags: <defaults>
</compile_context>

<pallas_src>
import functools

import jax
import jax.numpy as jnp
from jax import lax
from jax.experimental import pallas as pl
from jax.experimental.pallas import tpu as pltpu
from jax.experimental.pallas import tpu_sc as plsc

N_NODES = 10000
N_EDGES = 160000
INPUT_DIM = 256
EMB_DIM = 64
NUM_LAYER = 5
NUM_CLASS = 10
NUM_GRAPHS = 128

NC = 2
NS = 16
NW = NC * NS

CHUNK = 128
CPT = 40
E_PAD = NW * CPT * CHUNK
N_PAD = 10112
ROWS_PER_TILE = N_PAD // NS


def _make_segsum(D):
    mesh = plsc.VectorSubcoreMesh(core_axis_name="c", subcore_axis_name="s")

    @functools.partial(
        pl.kernel,
        out_type=jax.ShapeDtypeStruct((NC, N_PAD, D), jnp.float32),
        mesh=mesh,
        scratch_types=[
            pltpu.VMEM((CPT, CHUNK), jnp.int32),
            pltpu.VMEM((CPT, CHUNK), jnp.int32),
            pltpu.VMEM((CHUNK, D), jnp.float32),
            pltpu.VMEM_SHARED((N_PAD, D), jnp.float32),
            pltpu.SemaphoreType.DMA,
        ],
        compiler_params=pltpu.CompilerParams(use_tc_tiling_on_sc=False),
    )
    def segsum(h_hbm, srcs_hbm, dsts_hbm, zeros_hbm, out_hbm,
               src_v, dst_v, rows_v, agg_sh, sem):
        c = lax.axis_index("c")
        s = lax.axis_index("s")
        wid = s * NC + c
        base = s * ROWS_PER_TILE
        pltpu.sync_copy(zeros_hbm.at[pl.ds(base, ROWS_PER_TILE)],
                        agg_sh.at[pl.ds(base, ROWS_PER_TILE)])
        pltpu.sync_copy(srcs_hbm.at[wid], src_v)
        pltpu.sync_copy(dsts_hbm.at[wid], dst_v)
        plsc.subcore_barrier()

        @pl.loop(0, CPT)
        def _(j):
            pltpu.async_copy(h_hbm.at[src_v.at[j]], rows_v, sem).wait()
            pltpu.sync_copy(rows_v, agg_sh.at[dst_v.at[j]], add=True)

        plsc.subcore_barrier()
        pltpu.sync_copy(agg_sh.at[pl.ds(base, ROWS_PER_TILE)],
                        out_hbm.at[c, pl.ds(base, ROWS_PER_TILE)])

    return segsum


_segsum_128 = _make_segsum(2 * EMB_DIM)
_segsum_64 = _make_segsum(EMB_DIM)


def _rowmask():
    return lax.broadcasted_iota(jnp.int32, (N_PAD, 1), 0) < N_NODES


def _bn_relu(m, gamma, beta, relu):
    mask = _rowmask()
    m = jnp.where(mask, m, 0.0)
    mean = jnp.sum(m, axis=0, keepdims=True) * (1.0 / N_NODES)
    cent = jnp.where(mask, m - mean, 0.0)
    var = jnp.sum(cent * cent, axis=0, keepdims=True) * (1.0 / N_NODES)
    z = cent / jnp.sqrt(var + 1e-5) * gamma + beta
    z = jnp.where(mask, z, 0.0)
    if relu:
        z = jnp.maximum(z, 0.0)
    return z


def _mlp_bn(z, w1_ref, b1_ref, w2_ref, b2_ref, g_ref, bt_ref, relu):
    t = jnp.maximum(jnp.dot(z, w1_ref[...], preferred_element_type=jnp.float32)
                    + b1_ref[...], 0.0)
    m = jnp.dot(t, w2_ref[...], preferred_element_type=jnp.float32) + b2_ref[...]
    return _bn_relu(m, g_ref[...], bt_ref[...], relu=relu)


def _layer0_body(x_ref, aggl_ref, aggr_ref, w1_ref, b1_ref, w2_ref, b2_ref,
                 g_ref, bt_ref, eps_ref, o_ref):
    agg = jnp.concatenate([aggl_ref[0] + aggl_ref[1], aggr_ref[0] + aggr_ref[1]],
                          axis=1)
    z = (1.0 + eps_ref[0, 0]) * x_ref[...] + agg
    o_ref[...] = _mlp_bn(z, w1_ref, b1_ref, w2_ref, b2_ref, g_ref, bt_ref, True)


def _layer_body(h_ref, agg_ref, w1_ref, b1_ref, w2_ref, b2_ref, g_ref, bt_ref,
                eps_ref, o_ref):
    z = (1.0 + eps_ref[0, 0]) * h_ref[...] + agg_ref[0] + agg_ref[1]
    o_ref[...] = _mlp_bn(z, w1_ref, b1_ref, w2_ref, b2_ref, g_ref, bt_ref, True)


def _last_body(h_ref, agg_ref, w1_ref, b1_ref, w2_ref, b2_ref, g_ref, bt_ref,
               eps_ref, batch_ref, wh1_ref, wh2_ref, o_ref):
    z = (1.0 + eps_ref[0, 0]) * h_ref[...] + agg_ref[0] + agg_ref[1]
    h = _mlp_bn(z, w1_ref, b1_ref, w2_ref, b2_ref, g_ref, bt_ref, False)
    gid = lax.broadcasted_iota(jnp.int32, (N_PAD, NUM_GRAPHS), 1)
    onehot = (batch_ref[...] == gid).astype(jnp.float32)
    sums = lax.dot_general(onehot, h, (((0,), (0,)), ((), ())),
                           preferred_element_type=jnp.float32,
                           precision=lax.Precision.HIGHEST)
    counts = jnp.sum(onehot, axis=0, keepdims=True)
    hg = sums / jnp.maximum(counts, 1.0).T
    o_ref[...] = jnp.dot(jnp.dot(hg, wh1_ref[...], preferred_element_type=jnp.float32),
                         wh2_ref[...], preferred_element_type=jnp.float32)


def kernel(x, edge_index, batch, node_coords, params):
    del node_coords
    f32 = jnp.float32
    src = edge_index[0]
    dst = edge_index[1]
    src_p = jnp.concatenate(
        [src, jnp.zeros((E_PAD - N_EDGES,), jnp.int32)]).reshape(NW, CPT, CHUNK)
    dst_p = jnp.concatenate(
        [dst, jnp.full((E_PAD - N_EDGES,), N_NODES, jnp.int32)]).reshape(NW, CPT, CHUNK)
    x_p = jnp.pad(x, ((0, N_PAD - N_NODES), (0, 0)))
    batch_p = jnp.pad(batch, (0, N_PAD - N_NODES),
                      constant_values=NUM_GRAPHS).reshape(N_PAD, 1)
    z128 = jnp.zeros((N_PAD, 2 * EMB_DIM), f32)
    z64 = jnp.zeros((N_PAD, EMB_DIM), f32)

    P = params
    r1 = lambda a: a.reshape(1, -1)
    eps = [P["eps"][i].reshape(1, 1) for i in range(NUM_LAYER)]

    aggl = _segsum_128(x_p[:, :128], src_p, dst_p, z128)
    aggr = _segsum_128(x_p[:, 128:], src_p, dst_p, z128)
    h = pl.pallas_call(
        _layer0_body,
        out_shape=jax.ShapeDtypeStruct((N_PAD, EMB_DIM), f32),
    )(x_p, aggl, aggr, P["W1"][0], r1(P["b1"][0]), P["W2"][0], r1(P["b2"][0]),
      r1(P["gamma"][0]), r1(P["beta"][0]), eps[0])

    for i in range(1, NUM_LAYER - 1):
        agg = _segsum_64(h, src_p, dst_p, z64)
        h = pl.pallas_call(
            _layer_body,
            out_shape=jax.ShapeDtypeStruct((N_PAD, EMB_DIM), f32),
        )(h, agg, P["W1"][i], r1(P["b1"][i]), P["W2"][i], r1(P["b2"][i]),
          r1(P["gamma"][i]), r1(P["beta"][i]), eps[i])

    i = NUM_LAYER - 1
    agg = _segsum_64(h, src_p, dst_p, z64)
    out = pl.pallas_call(
        _last_body,
        out_shape=jax.ShapeDtypeStruct((NUM_GRAPHS, NUM_CLASS), f32),
    )(h, agg, P["W1"][i], r1(P["b1"][i]), P["W2"][i], r1(P["b2"][i]),
      r1(P["gamma"][i]), r1(P["beta"][i]), eps[i], batch_p, P["Wh1"], P["Wh2"])
    return out

# --- scband reference (transcript-rebuilt; emitter-appended) ---
"""Pipeline reference for scband-gnn-76802605187183 (READ-ONLY COPY).

The authoritative reference and input builder live on the scoring server;
editing this copy changes nothing except your own understanding.
"""

import jax, jax.numpy as jnp
import numpy as np

N_NODES = 10000
N_EDGES = 160000
INPUT_DIM = 256
EMB_DIM = 64
NUM_LAYER = 5
NUM_CLASS = 10
NUM_GRAPHS = 128


def setup_inputs(seed: int = 0) -> dict:
    key = jax.random.key(seed)
    ks = jax.random.split(key, 64)
    x = jax.random.normal(ks[0], (N_NODES, INPUT_DIM), dtype=jnp.float32)
    edge_index = jax.random.randint(ks[1], (2, N_EDGES), 0, N_NODES, dtype=jnp.int32)
    batch = jnp.sort(jax.random.randint(ks[2], (N_NODES,), 0, NUM_GRAPHS, dtype=jnp.int32))
    node_coords = jax.random.uniform(ks[3], (N_NODES, 2), dtype=jnp.float32)

    # GIN per-layer MLP params: Linear(in, 2*emb) -> ReLU -> Linear(2*emb, emb), then BatchNorm
    W1, b1, W2, b2, gamma, beta, eps = [], [], [], [], [], [], []
    kidx = 4
    for i in range(NUM_LAYER):
        d_in = INPUT_DIM if i == 0 else EMB_DIM
        hidden = 2 * EMB_DIM
        W1.append(jax.random.normal(ks[kidx], (d_in, hidden), dtype=jnp.float32) * np.sqrt(2.0 / d_in)); kidx += 1
        b1.append(jnp.zeros((hidden,), dtype=jnp.float32))
        W2.append(jax.random.normal(ks[kidx], (hidden, EMB_DIM), dtype=jnp.float32) * np.sqrt(2.0 / hidden)); kidx += 1
        b2.append(jnp.zeros((EMB_DIM,), dtype=jnp.float32))
        gamma.append(jnp.ones((EMB_DIM,), dtype=jnp.float32))
        beta.append(jnp.zeros((EMB_DIM,), dtype=jnp.float32))
        eps.append(jnp.zeros((), dtype=jnp.float32))
    Wh1 = jax.random.normal(ks[kidx], (EMB_DIM, EMB_DIM), dtype=jnp.float32) * np.sqrt(2.0 / EMB_DIM); kidx += 1
    Wh2 = jax.random.normal(ks[kidx], (EMB_DIM, NUM_CLASS), dtype=jnp.float32) * np.sqrt(2.0 / EMB_DIM); kidx += 1
    params = {"W1": W1, "b1": b1, "W2": W2, "b2": b2, "gamma": gamma, "beta": beta,
              "eps": eps, "Wh1": Wh1, "Wh2": Wh2}
    return {"x": x, "edge_index": edge_index, "batch": batch, "node_coords": node_coords, "params": params}


def _gnn_forward(x, node_coords, params, edge_index, batch):
    # GNN_node: stack of GINConv layers (JK='last', drop_ratio=0 inside gnn_node)
    src = edge_index[0]
    dst = edge_index[1]
    h = x
    for i in range(NUM_LAYER):
        # message passing: gather over src, scatter-add into dst
        msgs = jnp.take(h, src, axis=0)
        agg = jax.ops.segment_sum(msgs, dst, num_segments=N_NODES)
        z = (1.0 + params["eps"][i]) * h + agg
        # GIN MLP
        z = jax.nn.relu(z @ params["W1"][i] + params["b1"][i])
        z = z @ params["W2"][i] + params["b2"][i]
        # BatchNorm (training-mode batch statistics over nodes)
        mean = jnp.mean(z, axis=0)
        var = jnp.var(z, axis=0)
        z = (z - mean) / jnp.sqrt(var + 1e-5) * params["gamma"][i] + params["beta"][i]
        h = jax.nn.relu(z) if i < NUM_LAYER - 1 else z
    # global_mean_pool over graph ids
    sums = jax.ops.segment_sum(h, batch, num_segments=NUM_GRAPHS)
    counts = jax.ops.segment_sum(jnp.ones((N_NODES, 1), dtype=h.dtype), batch, num_segments=NUM_GRAPHS)
    h_graph = sums / jnp.clip(counts, 1.0)
    # graph_pred_head: Linear(emb, emb, bias=False) -> Linear(emb, num_class, bias=False)
    return (h_graph @ params["Wh1"]) @ params["Wh2"]


def reference(x, edge_index, batch, node_coords, params):
    return _gnn_forward(x, node_coords, params, edge_index, batch)

if __name__ == "__main__":
    import jax
    _d = setup_inputs()
    print(jax.jit(kernel)(*tuple(_d.values())))

</pallas_src>

<mosaic_0001>
#map = affine_map<(d0, d1) -> (0, 0)>
#map1 = affine_map<(d0, d1) -> (0, 0, 0)>
module attributes {stable_mosaic.version = 14 : i64} {
  func.func @segsum(%arg0: i32, %arg1: i32, %arg2: memref<10112x128xf32, #tpu.memory_space<hbm>>, %arg3: memref<32x40x128xi32, #tpu.memory_space<hbm>>, %arg4: memref<32x40x128xi32, #tpu.memory_space<hbm>>, %arg5: memref<10112x128xf32, #tpu.memory_space<hbm>>, %arg6: memref<2x10112x128xf32, #tpu.memory_space<hbm>>, %arg7: memref<40x128xi32, #tpu.memory_space<vmem>>, %arg8: memref<40x128xi32, #tpu.memory_space<vmem>>, %arg9: memref<128x128xf32, #tpu.memory_space<vmem>>, %arg10: memref<10112x128xf32, #tpu.memory_space<vmem_shared>>, %arg11: memref<!tpu.dma_semaphore, #tpu.memory_space<semaphore_mem>>) attributes {dimension_semantics = [#tpu.dimension_semantics<core_parallel>, #tpu.dimension_semantics<subcore_parallel>], iteration_bounds = array<i64: 2, 16>, scalar_prefetch = 0 : i64, scratch_operands = 5 : i64, tpu.core_type = #tpu.core_type<sc_vector_subcore>, window_params = [{transform_indices = #map}, {transform_indices = #map1}, {transform_indices = #map1}, {transform_indices = #map}, {transform_indices = #map1}]} {
    %mul3A = arith.constant 2 : i32
    %mul3A_0 = arith.muli %arg1, %mul3A : i32
    %add3A = arith.addi %mul3A_0, %arg0 : i32
    %mul3A_1 = arith.constant 632 : i32
    %mul3A_2 = arith.muli %arg1, %mul3A_1 : i32
    "tpu.region"() ({
      %run_scoped3A = tpu.sem_alloc : memref<!tpu.dma_semaphore, #tpu.memory_space<semaphore_mem>>
      %dma_start3A = arith.constant 0 : i32
      %dma_start3A_8 = tpu.memref_slice %arg10[%mul3A_2, %dma_start3A] : memref<10112x128xf32, #tpu.memory_space<vmem_shared>> -> memref<632x128xf32, #tpu.memory_space<vmem_shared>>
      %dma_start3A_9 = arith.constant 0 : i32
      %dma_start3A_10 = tpu.memref_slice %arg5[%mul3A_2, %dma_start3A_9] : memref<10112x128xf32, #tpu.memory_space<hbm>> -> memref<632x128xf32, #tpu.memory_space<hbm>>
      tpu.enqueue_dma source(%dma_start3A_10 : memref<632x128xf32, #tpu.memory_space<hbm>>) target(%dma_start3A_8 : memref<632x128xf32, #tpu.memory_space<vmem_shared>>) target_semaphore(%run_scoped3A : memref<!tpu.dma_semaphore, #tpu.memory_space<semaphore_mem>>)
      %dma_wait3A = arith.constant 0 : i32
      %dma_wait3A_11 = tpu.memref_slice %arg10[%mul3A_2, %dma_wait3A] : memref<10112x128xf32, #tpu.memory_space<vmem_shared>> -> memref<632x128xf32, #tpu.memory_space<vmem_shared>>
      %dma_wait3A_12 = arith.constant 0 : i32
      %dma_wait3A_13 = tpu.memref_slice %arg5[%mul3A_2, %dma_wait3A_12] : memref<10112x128xf32, #tpu.memory_space<hbm>> -> memref<632x128xf32, #tpu.memory_space<hbm>>
      tpu.wait_dma2 semaphore(%run_scoped3A : memref<!tpu.dma_semaphore, #tpu.memory_space<semaphore_mem>>) src(%dma_wait3A_13 : memref<632x128xf32, #tpu.memory_space<hbm>>) dst(%dma_wait3A_11 : memref<632x128xf32, #tpu.memory_space<vmem_shared>>)
      tpu.yield
    }) : () -> ()
    "tpu.region"() ({
      %run_scoped3A = tpu.sem_alloc : memref<!tpu.dma_semaphore, #tpu.memory_space<semaphore_mem>>
      %dma_start3A = arith.constant 0 : i32
      %dma_start3A_8 = arith.constant 0 : i32
      %dma_start3A_9 = tpu.memref_slice %arg3[%add3A, %dma_start3A, %dma_start3A_8] : memref<32x40x128xi32, #tpu.memory_space<hbm>> -> memref<1x40x128xi32, #tpu.memory_space<hbm>>
      %dma_start3A_10 = tpu.memref_squeeze %dma_start3A_9 : memref<1x40x128xi32, #tpu.memory_space<hbm>> -> memref<40x128xi32, #tpu.memory_space<hbm>>
      %dma_start3A_11 = arith.constant 0 : i32
      %dma_start3A_12 = arith.constant 0 : i32
      %dma_start3A_13 = tpu.memref_slice %arg3[%add3A, %dma_start3A_11, %dma_start3A_12] : memref<32x40x128xi32, #tpu.memory_space<hbm>> -> memref<1x40x128xi32, #tpu.memory_space<hbm>>
      %dma_start3A_14 = tpu.memref_squeeze %dma_start3A_13 : memref<1x40x128xi32, #tpu.memory_space<hbm>> -> memref<40x128xi32, #tpu.memory_space<hbm>>
      tpu.enqueue_dma source(%dma_start3A_14 : memref<40x128xi32, #tpu.memory_space<hbm>>) target(%arg7 : memref<40x128xi32, #tpu.memory_space<vmem>>) target_semaphore(%run_scoped3A : memref<!tpu.dma_semaphore, #tpu.memory_space<semaphore_mem>>)
      %dma_wait3A = arith.constant 0 : i32
      %dma_wait3A_15 = arith.constant 0 : i32
      %dma_wait3A_16 = tpu.memref_slice %arg3[%add3A, %dma_wait3A, %dma_wait3A_15] : memref<32x40x128xi32, #tpu.memory_space<hbm>> -> memref<1x40x128xi32, #tpu.memory_space<hbm>>
      %dma_wait3A_17 = tpu.memref_squeeze %dma_wait3A_16 : memref<1x40x128xi32, #tpu.memory_space<hbm>> -> memref<40x128xi32, #tpu.memory_space<hbm>>
      %dma_wait3A_18 = arith.constant 0 : i32
      %dma_wait3A_19 = arith.constant 0 : i32
      %dma_wait3A_20 = tpu.memref_slice %arg3[%add3A, %dma_wait3A_18, %dma_wait3A_19] : memref<32x40x128xi32, #tpu.memory_space<hbm>> -> memref<1x40x128xi32, #tpu.memory_space<hbm>>
      %dma_wait3A_21 = tpu.memref_squeeze %dma_wait3A_20 : memref<1x40x128xi32, #tpu.memory_space<hbm>> -> memref<40x128xi32, #tpu.memory_space<hbm>>
      tpu.wait_dma2 semaphore(%run_scoped3A : memref<!tpu.dma_semaphore, #tpu.memory_space<semaphore_mem>>) src(%dma_wait3A_21 : memref<40x128xi32, #tpu.memory_space<hbm>>) dst(%arg7 : memref<40x128xi32, #tpu.memory_space<vmem>>)
      tpu.yield
    }) : () -> ()
    "tpu.region"() ({
      %run_scoped3A = tpu.sem_alloc : memref<!tpu.dma_semaphore, #tpu.memory_space<semaphore_mem>>
      %dma_start3A = arith.constant 0 : i32
      %dma_start3A_8 = arith.constant 0 : i32
      %dma_start3A_9 = tpu.memref_slice %arg4[%add3A, %dma_start3A, %dma_start3A_8] : memref<32x40x128xi32, #tpu.memory_space<hbm>> -> memref<1x40x128xi32, #tpu.memory_space<hbm>>
      %dma_start3A_10 = tpu.memref_squeeze %dma_start3A_9 : memref<1x40x128xi32, #tpu.memory_space<hbm>> -> memref<40x128xi32, #tpu.memory_space<hbm>>
      %dma_start3A_11 = arith.constant 0 : i32
      %dma_start3A_12 = arith.constant 0 : i32
      %dma_start3A_13 = tpu.memref_slice %arg4[%add3A, %dma_start3A_11, %dma_start3A_12] : memref<32x40x128xi32, #tpu.memory_space<hbm>> -> memref<1x40x128xi32, #tpu.memory_space<hbm>>
      %dma_start3A_14 = tpu.memref_squeeze %dma_start3A_13 : memref<1x40x128xi32, #tpu.memory_space<hbm>> -> memref<40x128xi32, #tpu.memory_space<hbm>>
      tpu.enqueue_dma source(%dma_start3A_14 : memref<40x128xi32, #tpu.memory_space<hbm>>) target(%arg8 : memref<40x128xi32, #tpu.memory_space<vmem>>) target_semaphore(%run_scoped3A : memref<!tpu.dma_semaphore, #tpu.memory_space<semaphore_mem>>)
      %dma_wait3A = arith.constant 0 : i32
      %dma_wait3A_15 = arith.constant 0 : i32
      %dma_wait3A_16 = tpu.memref_slice %arg4[%add3A, %dma_wait3A, %dma_wait3A_15] : memref<32x40x128xi32, #tpu.memory_space<hbm>> -> memref<1x40x128xi32, #tpu.memory_space<hbm>>
      %dma_wait3A_17 = tpu.memref_squeeze %dma_wait3A_16 : memref<1x40x128xi32, #tpu.memory_space<hbm>> -> memref<40x128xi32, #tpu.memory_space<hbm>>
      %dma_wait3A_18 = arith.constant 0 : i32
      %dma_wait3A_19 = arith.constant 0 : i32
      %dma_wait3A_20 = tpu.memref_slice %arg4[%add3A, %dma_wait3A_18, %dma_wait3A_19] : memref<32x40x128xi32, #tpu.memory_space<hbm>> -> memref<1x40x128xi32, #tpu.memory_space<hbm>>
      %dma_wait3A_21 = tpu.memref_squeeze %dma_wait3A_20 : memref<1x40x128xi32, #tpu.memory_space<hbm>> -> memref<40x128xi32, #tpu.memory_space<hbm>>
      tpu.wait_dma2 semaphore(%run_scoped3A : memref<!tpu.dma_semaphore, #tpu.memory_space<semaphore_mem>>) src(%dma_wait3A_21 : memref<40x128xi32, #tpu.memory_space<hbm>>) dst(%arg8 : memref<40x128xi32, #tpu.memory_space<vmem>>)
      tpu.yield
    }) : () -> ()
    %barrier3A = arith.constant 0 : index
    tpu.barrier barrier_id(%barrier3A)
    %scan3A = arith.constant 0 : i32
    %scan3A_3 = arith.constant 40 : i32
    %scan3A_4 = arith.addi %scan3A, %scan3A_3 : i32
    %scan3A_5 = arith.constant 1 : i32
    scf.for %scan3A_8 = %scan3A to %scan3A_4 step %scan3A_5  : i32 {
      %mul3A_9 = arith.constant 1 : i32
      %mul3A_10 = arith.muli %scan3A_8, %mul3A_9 : i32
      %add3A_11 = arith.constant 0 : i32
      %add3A_12 = arith.addi %add3A_11, %mul3A_10 : i32
      %dma_start3A = arith.constant 0 : i32
      %dma_start3A_13 = tpu.memref_slice %arg7[%add3A_12, %dma_start3A] : memref<40x128xi32, #tpu.memory_space<vmem>> -> memref<1x128xi32, #tpu.memory_space<vmem>>
      %dma_start3A_14 = tpu.memref_squeeze %dma_start3A_13 : memref<1x128xi32, #tpu.memory_space<vmem>> -> memref<128xi32, #tpu.memory_space<vmem>>
      %dma_start3A_15 = arith.constant 0 : i32
      %dma_start3A_16 = arith.constant 0 : i32
      %dma_start3A_17 = tpu.memref_slice %arg2[%dma_start3A_15, %dma_start3A_16] : memref<10112x128xf32, #tpu.memory_space<hbm>> -> memref<10112x128xf32, #tpu.memory_space<hbm>>
      tpu.enqueue_indirect_dma source(%dma_start3A_17 : memref<10112x128xf32, #tpu.memory_space<hbm>>) target(%arg9 : memref<128x128xf32, #tpu.memory_space<vmem>>) offsets(%dma_start3A_14 : memref<128xi32, #tpu.memory_space<vmem>>) semaphore(%arg11 : memref<!tpu.dma_semaphore, #tpu.memory_space<semaphore_mem>>)
      %dma_wait3A = arith.constant 0 : i32
      %dma_wait3A_18 = tpu.memref_slice %arg7[%add3A_12, %dma_wait3A] : memref<40x128xi32, #tpu.memory_space<vmem>> -> memref<1x128xi32, #tpu.memory_space<vmem>>
      %dma_wait3A_19 = tpu.memref_squeeze %dma_wait3A_18 : memref<1x128xi32, #tpu.memory_space<vmem>> -> memref<128xi32, #tpu.memory_space<vmem>>
      %dma_wait3A_20 = arith.constant 0 : i32
      %dma_wait3A_21 = arith.constant 0 : i32
      %dma_wait3A_22 = tpu.memref_slice %arg2[%dma_wait3A_20, %dma_wait3A_21] : memref<10112x128xf32, #tpu.memory_space<hbm>> -> memref<10112x128xf32, #tpu.memory_space<hbm>>
      tpu.wait_indirect_dma semaphore(%arg11 : memref<!tpu.dma_semaphore, #tpu.memory_space<semaphore_mem>>) src(%dma_wait3A_22 : memref<10112x128xf32, #tpu.memory_space<hbm>>) dst(%arg9 : memref<128x128xf32, #tpu.memory_space<vmem>>)
      "tpu.region"() ({
        %run_scoped3A = tpu.sem_alloc : memref<!tpu.dma_semaphore, #tpu.memory_space<semaphore_mem>>
        %dma_start3A_23 = arith.constant 0 : i32
        %dma_start3A_24 = tpu.memref_slice %arg8[%add3A_12, %dma_start3A_23] : memref<40x128xi32, #tpu.memory_space<vmem>> -> memref<1x128xi32, #tpu.memory_space<vmem>>
        %dma_start3A_25 = tpu.memref_squeeze %dma_start3A_24 : memref<1x128xi32, #tpu.memory_space<vmem>> -> memref<128xi32, #tpu.memory_space<vmem>>
        %dma_start3A_26 = arith.constant 0 : i32
        %dma_start3A_27 = arith.constant 0 : i32
        %dma_start3A_28 = tpu.memref_slice %arg10[%dma_start3A_26, %dma_start3A_27] : memref<10112x128xf32, #tpu.memory_space<vmem_shared>> -> memref<10112x128xf32, #tpu.memory_space<vmem_shared>>
        tpu.enqueue_indirect_dma source(%arg9 : memref<128x128xf32, #tpu.memory_space<vmem>>) target(%dma_start3A_28 : memref<10112x128xf32, #tpu.memory_space<vmem_shared>>) offsets(%dma_start3A_25 : memref<128xi32, #tpu.memory_space<vmem>>) semaphore(%run_scoped3A : memref<!tpu.dma_semaphore, #tpu.memory_space<semaphore_mem>>) {add = true}
        %dma_wait3A_29 = arith.constant 0 : i32
        %dma_wait3A_30 = tpu.memref_slice %arg8[%add3A_12, %dma_wait3A_29] : memref<40x128xi32, #tpu.memory_space<vmem>> -> memref<1x128xi32, #tpu.memory_space<vmem>>
        %dma_wait3A_31 = tpu.memref_squeeze %dma_wait3A_30 : memref<1x128xi32, #tpu.memory_space<vmem>> -> memref<128xi32, #tpu.memory_space<vmem>>
        %dma_wait3A_32 = arith.constant 0 : i32
        %dma_wait3A_33 = arith.constant 0 : i32
        %dma_wait3A_34 = tpu.memref_slice %arg10[%dma_wait3A_32, %dma_wait3A_33] : memref<10112x128xf32, #tpu.memory_space<vmem_shared>> -> memref<10112x128xf32, #tpu.memory_space<vmem_shared>>
        tpu.wait_indirect_dma semaphore(%run_scoped3A : memref<!tpu.dma_semaphore, #tpu.memory_space<semaphore_mem>>) src(%arg9 : memref<128x128xf32, #tpu.memory_space<vmem>>) dst(%dma_wait3A_34 : memref<10112x128xf32, #tpu.memory_space<vmem_shared>>)
        tpu.yield
      }) : () -> ()
    }
    %scan3A_6 = arith.constant 40 : i32
    %barrier3A_7 = arith.constant 0 : index
    tpu.barrier barrier_id(%barrier3A_7)
    "tpu.region"() ({
      %run_scoped3A = tpu.sem_alloc : memref<!tpu.dma_semaphore, #tpu.memory_space<semaphore_mem>>
      %dma_start3A = arith.constant 0 : i32
      %dma_start3A_8 = tpu.memref_slice %arg6[%arg0, %mul3A_2, %dma_start3A] : memref<2x10112x128xf32, #tpu.memory_space<hbm>> -> memref<1x632x128xf32, #tpu.memory_space<hbm>>
      %dma_start3A_9 = tpu.memref_squeeze %dma_start3A_8 : memref<1x632x128xf32, #tpu.memory_space<hbm>> -> memref<632x128xf32, #tpu.memory_space<hbm>>
      %dma_start3A_10 = arith.constant 0 : i32
      %dma_start3A_11 = tpu.memref_slice %arg10[%mul3A_2, %dma_start3A_10] : memref<10112x128xf32, #tpu.memory_space<vmem_shared>> -> memref<632x128xf32, #tpu.memory_space<vmem_shared>>
      tpu.enqueue_dma source(%dma_start3A_11 : memref<632x128xf32, #tpu.memory_space<vmem_shared>>) target(%dma_start3A_9 : memref<632x128xf32, #tpu.memory_space<hbm>>) target_semaphore(%run_scoped3A : memref<!tpu.dma_semaphore, #tpu.memory_space<semaphore_mem>>)
      %dma_wait3A = arith.constant 0 : i32
      %dma_wait3A_12 = tpu.memref_slice %arg6[%arg0, %mul3A_2, %dma_wait3A] : memref<2x10112x128xf32, #tpu.memory_space<hbm>> -> memref<1x632x128xf32, #tpu.memory_space<hbm>>
      %dma_wait3A_13 = tpu.memref_squeeze %dma_wait3A_12 : memref<1x632x128xf32, #tpu.memory_space<hbm>> -> memref<632x128xf32, #tpu.memory_space<hbm>>
      %dma_wait3A_14 = arith.constant 0 : i32
      %dma_wait3A_15 = tpu.memref_slice %arg10[%mul3A_2, %dma_wait3A_14] : memref<10112x128xf32, #tpu.memory_space<vmem_shared>> -> memref<632x128xf32, #tpu.memory_space<vmem_shared>>
      tpu.wait_dma2 semaphore(%run_scoped3A : memref<!tpu.dma_semaphore, #tpu.memory_space<semaphore_mem>>) src(%dma_wait3A_15 : memref<632x128xf32, #tpu.memory_space<vmem_shared>>) dst(%dma_wait3A_13 : memref<632x128xf32, #tpu.memory_space<hbm>>)
      tpu.yield
    }) : () -> ()
    return
  }
}

#map = affine_map<(d0, d1) -> (0, 0)>
#map1 = affine_map<(d0, d1) -> (0, 0, 0)>
module attributes {stable_mosaic.version = 14 : i64} {
  func.func @segsum(%arg0: i32, %arg1: i32, %arg2: memref<10112x128xf32, #tpu.memory_space<hbm>>, %arg3: memref<32x40x128xi32, #tpu.memory_space<hbm>>, %arg4: memref<32x40x128xi32, #tpu.memory_space<hbm>>, %arg5: memref<10112x128xf32, #tpu.memory_space<hbm>>, %arg6: memref<2x10112x128xf32, #tpu.memory_space<hbm>>, %arg7: memref<40x128xi32, #tpu.memory_space<vmem>>, %arg8: memref<40x128xi32, #tpu.memory_space<vmem>>, %arg9: memref<128x128xf32, #tpu.memory_space<vmem>>, %arg10: memref<10112x128xf32, #tpu.memory_space<vmem_shared>>, %arg11: memref<!tpu.dma_semaphore, #tpu.memory_space<semaphore_mem>>) attributes {dimension_semantics = [#tpu.dimension_semantics<core_parallel>, #tpu.dimension_semantics<subcore_parallel>], iteration_bounds = array<i64: 2, 16>, scalar_prefetch = 0 : i64, scratch_operands = 5 : i64, tpu.core_type = #tpu.core_type<sc_vector_subcore>, window_params = [{transform_indices = #map}, {transform_indices = #map1}, {transform_indices = #map1}, {transform_indices = #map}, {transform_indices = #map1}]} {
    %mul3A = arith.constant 2 : i32
    %mul3A_0 = arith.muli %arg1, %mul3A : i32
    %add3A = arith.addi %mul3A_0, %arg0 : i32
    %mul3A_1 = arith.constant 632 : i32
    %mul3A_2 = arith.muli %arg1, %mul3A_1 : i32
    "tpu.region"() ({
      %run_scoped3A = tpu.sem_alloc : memref<!tpu.dma_semaphore, #tpu.memory_space<semaphore_mem>>
      %dma_start3A = arith.constant 0 : i32
      %dma_start3A_8 = tpu.memref_slice %arg10[%mul3A_2, %dma_start3A] : memref<10112x128xf32, #tpu.memory_space<vmem_shared>> -> memref<632x128xf32, #tpu.memory_space<vmem_shared>>
      %dma_start3A_9 = arith.constant 0 : i32
      %dma_start3A_10 = tpu.memref_slice %arg5[%mul3A_2, %dma_start3A_9] : memref<10112x128xf32, #tpu.memory_space<hbm>> -> memref<632x128xf32, #tpu.memory_space<hbm>>
      tpu.enqueue_dma source(%dma_start3A_10 : memref<632x128xf32, #tpu.memory_space<hbm>>) target(%dma_start3A_8 : memref<632x128xf32, #tpu.memory_space<vmem_shared>>) target_semaphore(%run_scoped3A : memref<!tpu.dma_semaphore, #tpu.memory_space<semaphore_mem>>)
      %dma_wait3A = arith.constant 0 : i32
      %dma_wait3A_11 = tpu.memref_slice %arg10[%mul3A_2, %dma_wait3A] : memref<10112x128xf32, #tpu.memory_space<vmem_shared>> -> memref<632x128xf32, #tpu.memory_space<vmem_shared>>
      %dma_wait3A_12 = arith.constant 0 : i32
      %dma_wait3A_13 = tpu.memref_slice %arg5[%mul3A_2, %dma_wait3A_12] : memref<10112x128xf32, #tpu.memory_space<hbm>> -> memref<632x128xf32, #tpu.memory_space<hbm>>
      tpu.wait_dma2 semaphore(%run_scoped3A : memref<!tpu.dma_semaphore, #tpu.memory_space<semaphore_mem>>) src(%dma_wait3A_13 : memref<632x128xf32, #tpu.memory_space<hbm>>) dst(%dma_wait3A_11 : memref<632x128xf32, #tpu.memory_space<vmem_shared>>)
      tpu.yield
    }) : () -> ()
    "tpu.region"() ({
      %run_scoped3A = tpu.sem_alloc : memref<!tpu.dma_semaphore, #tpu.memory_space<semaphore_mem>>
      %dma_start3A = arith.constant 0 : i32
      %dma_start3A_8 = arith.constant 0 : i32
      %dma_start3A_9 = tpu.memref_slice %arg3[%add3A, %dma_start3A, %dma_start3A_8] : memref<32x40x128xi32, #tpu.memory_space<hbm>> -> memref<1x40x128xi32, #tpu.memory_space<hbm>>
      %dma_start3A_10 = tpu.memref_squeeze %dma_start3A_9 : memref<1x40x128xi32, #tpu.memory_space<hbm>> -> memref<40x128xi32, #tpu.memory_space<hbm>>
      %dma_start3A_11 = arith.constant 0 : i32
      %dma_start3A_12 = arith.constant 0 : i32
      %dma_start3A_13 = tpu.memref_slice %arg3[%add3A, %dma_start3A_11, %dma_start3A_12] : memref<32x40x128xi32, #tpu.memory_space<hbm>> -> memref<1x40x128xi32, #tpu.memory_space<hbm>>
      %dma_start3A_14 = tpu.memref_squeeze %dma_start3A_13 : memref<1x40x128xi32, #tpu.memory_space<hbm>> -> memref<40x128xi32, #tpu.memory_space<hbm>>
      tpu.enqueue_dma source(%dma_start3A_14 : memref<40x128xi32, #tpu.memory_space<hbm>>) target(%arg7 : memref<40x128xi32, #tpu.memory_space<vmem>>) target_semaphore(%run_scoped3A : memref<!tpu.dma_semaphore, #tpu.memory_space<semaphore_mem>>)
      %dma_wait3A = arith.constant 0 : i32
      %dma_wait3A_15 = arith.constant 0 : i32
      %dma_wait3A_16 = tpu.memref_slice %arg3[%add3A, %dma_wait3A, %dma_wait3A_15] : memref<32x40x128xi32, #tpu.memory_space<hbm>> -> memref<1x40x128xi32, #tpu.memory_space<hbm>>
      %dma_wait3A_17 = tpu.memref_squeeze %dma_wait3A_16 : memref<1x40x128xi32, #tpu.memory_space<hbm>> -> memref<40x128xi32, #tpu.memory_space<hbm>>
      %dma_wait3A_18 = arith.constant 0 : i32
      %dma_wait3A_19 = arith.constant 0 : i32
      %dma_wait3A_20 = tpu.memref_slice %arg3[%add3A, %dma_wait3A_18, %dma_wait3A_19] : memref<32x40x128xi32, #tpu.memory_space<hbm>> -> memref<1x40x128xi32, #tpu.memory_space<hbm>>
      %dma_wait3A_21 = tpu.memref_squeeze %dma_wait3A_20 : memref<1x40x128xi32, #tpu.memory_space<hbm>> -> memref<40x128xi32, #tpu.memory_space<hbm>>
      tpu.wait_dma2 semaphore(%run_scoped3A : memref<!tpu.dma_semaphore, #tpu.memory_space<semaphore_mem>>) src(%dma_wait3A_21 : memref<40x128xi32, #tpu.memory_space<hbm>>) dst(%arg7 : memref<40x128xi32, #tpu.memory_space<vmem>>)
      tpu.yield
    }) : () -> ()
    "tpu.region"() ({
      %run_scoped3A = tpu.sem_alloc : memref<!tpu.dma_semaphore, #tpu.memory_space<semaphore_mem>>
      %dma_start3A = arith.constant 0 : i32
      %dma_start3A_8 = arith.constant 0 : i32
      %dma_start3A_9 = tpu.memref_slice %arg4[%add3A, %dma_start3A, %dma_start3A_8] : memref<32x40x128xi32, #tpu.memory_space<hbm>> -> memref<1x40x128xi32, #tpu.memory_space<hbm>>
      %dma_start3A_10 = tpu.memref_squeeze %dma_start3A_9 : memref<1x40x128xi32, #tpu.memory_space<hbm>> -> memref<40x128xi32, #tpu.memory_space<hbm>>
      %dma_start3A_11 = arith.constant 0 : i32
      %dma_start3A_12 = arith.constant 0 : i32
      %dma_start3A_13 = tpu.memref_slice %arg4[%add3A, %dma_start3A_11, %dma_start3A_12] : memref<32x40x128xi32, #tpu.memory_space<hbm>> -> memref<1x40x128xi32, #tpu.memory_space<hbm>>
      %dma_start3A_14 = tpu.memref_squeeze %dma_start3A_13 : memref<1x40x128xi32, #tpu.memory_space<hbm>> -> memref<40x128xi32, #tpu.memory_space<hbm>>
      tpu.enqueue_dma source(%dma_start3A_14 : memref<40x128xi32, #tpu.memory_space<hbm>>) target(%arg8 : memref<40x128xi32, #tpu.memory_space<vmem>>) target_semaphore(%run_scoped3A : memref<!tpu.dma_semaphore, #tpu.memory_space<semaphore_mem>>)
      %dma_wait3A = arith.constant 0 : i32
      %dma_wait3A_15 = arith.constant 0 : i32
      %dma_wait3A_16 = tpu.memref_slice %arg4[%add3A, %dma_wait3A, %dma_wait3A_15] : memref<32x40x128xi32, #tpu.memory_space<hbm>> -> memref<1x40x128xi32, #tpu.memory_space<hbm>>
      %dma_wait3A_17 = tpu.memref_squeeze %dma_wait3A_16 : memref<1x40x128xi32, #tpu.memory_space<hbm>> -> memref<40x128xi32, #tpu.memory_space<hbm>>
      %dma_wait3A_18 = arith.constant 0 : i32
      %dma_wait3A_19 = arith.constant 0 : i32
      %dma_wait3A_20 = tpu.memref_slice %arg4[%add3A, %dma_wait3A_18, %dma_wait3A_19] : memref<32x40x128xi32, #tpu.memory_space<hbm>> -> memref<1x40x128xi32, #tpu.memory_space<hbm>>
      %dma_wait3A_21 = tpu.memref_squeeze %dma_wait3A_20 : memref<1x40x128xi32, #tpu.memory_space<hbm>> -> memref<40x128xi32, #tpu.memory_space<hbm>>
      tpu.wait_dma2 semaphore(%run_scoped3A : memref<!tpu.dma_semaphore, #tpu.memory_space<semaphore_mem>>) src(%dma_wait3A_21 : memref<40x128xi32, #tpu.memory_space<hbm>>) dst(%arg8 : memref<40x128xi32, #tpu.memory_space<vmem>>)
      tpu.yield
    }) : () -> ()
    %barrier3A = arith.constant 0 : index
    tpu.barrier barrier_id(%barrier3A)
    %scan3A = arith.constant 0 : i32
    %scan3A_3 = arith.constant 40 : i32
    %scan3A_4 = arith.addi %scan3A, %scan3A_3 : i32
    %scan3A_5 = arith.constant 1 : i32
    scf.for %scan3A_8 = %scan3A to %scan3A_4 step %scan3A_5  : i32 {
      %mul3A_9 = arith.constant 1 : i32
      %mul3A_10 = arith.muli %scan3A_8, %mul3A_9 : i32
      %add3A_11 = arith.constant 0 : i32
      %add3A_12 = arith.addi %add3A_11, %mul3A_10 : i32
      %dma_start3A = arith.constant 0 : i32
      %dma_start3A_13 = tpu.memref_slice %arg7[%add3A_12, %dma_start3A] : memref<40x128xi32, #tpu.memory_space<vmem>> -> memref<1x128xi32, #tpu.memory_space<vmem>>
      %dma_start3A_14 = tpu.memref_squeeze %dma_start3A_13 : memref<1x128xi32, #tpu.memory_space<vmem>> -> memref<128xi32, #tpu.memory_space<vmem>>
      %dma_start3A_15 = arith.constant 0 : i32
      %dma_start3A_16 = arith.constant 0 : i32
      %dma_start3A_17 = tpu.memref_slice %arg2[%dma_start3A_15, %dma_start3A_16] : memref<10112x128xf32, #tpu.memory_space<hbm>> -> memref<10112x128xf32, #tpu.memory_space<hbm>>
      tpu.enqueue_indirect_dma source(%dma_start3A_17 : memref<10112x128xf32, #tpu.memory_space<hbm>>) target(%arg9 : memref<128x128xf32, #tpu.memory_space<vmem>>) offsets(%dma_start3A_14 : memref<128xi32, #tpu.memory_space<vmem>>) semaphore(%arg11 : memref<!tpu.dma_semaphore, #tpu.memory_space<semaphore_mem>>)
      %dma_wait3A = arith.constant 0 : i32
      %dma_wait3A_18 = tpu.memref_slice %arg7[%add3A_12, %dma_wait3A] : memref<40x128xi32, #tpu.memory_space<vmem>> -> memref<1x128xi32, #tpu.memory_space<vmem>>
      %dma_wait3A_19 = tpu.memref_squeeze %dma_wait3A_18 : memref<1x128xi32, #tpu.memory_space<vmem>> -> memref<128xi32, #tpu.memory_space<vmem>>
      %dma_wait3A_20 = arith.constant 0 : i32
      %dma_wait3A_21 = arith.constant 0 : i32
      %dma_wait3A_22 = tpu.memref_slice %arg2[%dma_wait3A_20, %dma_wait3A_21] : memref<10112x128xf32, #tpu.memory_space<hbm>> -> memref<10112x128xf32, #tpu.memory_space<hbm>>
      tpu.wait_indirect_dma semaphore(%arg11 : memref<!tpu.dma_semaphore, #tpu.memory_space<semaphore_mem>>) src(%dma_wait3A_22 : memref<10112x128xf32, #tpu.memory_space<hbm>>) dst(%arg9 : memref<128x128xf32, #tpu.memory_space<vmem>>)
      "tpu.region"() ({
        %run_scoped3A = tpu.sem_alloc : memref<!tpu.dma_semaphore, #tpu.memory_space<semaphore_mem>>
        %dma_start3A_23 = arith.constant 0 : i32
        %dma_start3A_24 = tpu.memref_slice %arg8[%add3A_12, %dma_start3A_23] : memref<40x128xi32, #tpu.memory_space<vmem>> -> memref<1x128xi32, #tpu.memory_space<vmem>>
        %dma_start3A_25 = tpu.memref_squeeze %dma_start3A_24 : memref<1x128xi32, #tpu.memory_space<vmem>> -> memref<128xi32, #tpu.memory_space<vmem>>
        %dma_start3A_26 = arith.constant 0 : i32
        %dma_start3A_27 = arith.constant 0 : i32
        %dma_start3A_28 = tpu.memref_slice %arg10[%dma_start3A_26, %dma_start3A_27] : memref<10112x128xf32, #tpu.memory_space<vmem_shared>> -> memref<10112x128xf32, #tpu.memory_space<vmem_shared>>
        tpu.enqueue_indirect_dma source(%arg9 : memref<128x128xf32, #tpu.memory_space<vmem>>) target(%dma_start3A_28 : memref<10112x128xf32, #tpu.memory_space<vmem_shared>>) offsets(%dma_start3A_25 : memref<128xi32, #tpu.memory_space<vmem>>) semaphore(%run_scoped3A : memref<!tpu.dma_semaphore, #tpu.memory_space<semaphore_mem>>) {add = true}
        %dma_wait3A_29 = arith.constant 0 : i32
        %dma_wait3A_30 = tpu.memref_slice %arg8[%add3A_12, %dma_wait3A_29] : memref<40x128xi32, #tpu.memory_space<vmem>> -> memref<1x128xi32, #tpu.memory_space<vmem>>
        %dma_wait3A_31 = tpu.memref_squeeze %dma_wait3A_30 : memref<1x128xi32, #tpu.memory_space<vmem>> -> memref<128xi32, #tpu.memory_space<vmem>>
        %dma_wait3A_32 = arith.constant 0 : i32
        %dma_wait3A_33 = arith.constant 0 : i32
        %dma_wait3A_34 = tpu.memref_slice %arg10[%dma_wait3A_32, %dma_wait3A_33] : memref<10112x128xf32, #tpu.memory_space<vmem_shared>> -> memref<10112x128xf32, #tpu.memory_space<vmem_shared>>
        tpu.wait_indirect_dma semaphore(%run_scoped3A : memref<!tpu.dma_semaphore, #tpu.memory_space<semaphore_mem>>) src(%arg9 : memref<128x128xf32, #tpu.memory_space<vmem>>) dst(%dma_wait3A_34 : memref<10112x128xf32, #tpu.memory_space<vmem_shared>>)
        tpu.yield
      }) : () -> ()
    }
    %scan3A_6 = arith.constant 40 : i32
    %barrier3A_7 = arith.constant 0 : index
    tpu.barrier barrier_id(%barrier3A_7)
    "tpu.region"() ({
      %run_scoped3A = tpu.sem_alloc : memref<!tpu.dma_semaphore, #tpu.memory_space<semaphore_mem>>
      %dma_start3A = arith.constant 0 : i32
      %dma_start3A_8 = tpu.memref_slice %arg6[%arg0, %mul3A_2, %dma_start3A] : memref<2x10112x128xf32, #tpu.memory_space<hbm>> -> memref<1x632x128xf32, #tpu.memory_space<hbm>>
      %dma_start3A_9 = tpu.memref_squeeze %dma_start3A_8 : memref<1x632x128xf32, #tpu.memory_space<hbm>> -> memref<632x128xf32, #tpu.memory_space<hbm>>
      %dma_start3A_10 = arith.constant 0 : i32
      %dma_start3A_11 = tpu.memref_slice %arg10[%mul3A_2, %dma_start3A_10] : memref<10112x128xf32, #tpu.memory_space<vmem_shared>> -> memref<632x128xf32, #tpu.memory_space<vmem_shared>>
      tpu.enqueue_dma source(%dma_start3A_11 : memref<632x128xf32, #tpu.memory_space<vmem_shared>>) target(%dma_start3A_9 : memref<632x128xf32, #tpu.memory_space<hbm>>) target_semaphore(%run_scoped3A : memref<!tpu.dma_semaphore, #tpu.memory_space<semaphore_mem>>)
      %dma_wait3A = arith.constant 0 : i32
      %dma_wait3A_12 = tpu.memref_slice %arg6[%arg0, %mul3A_2, %dma_wait3A] : memref<2x10112x128xf32, #tpu.memory_space<hbm>> -> memref<1x632x128xf32, #tpu.memory_space<hbm>>
      %dma_wait3A_13 = tpu.memref_squeeze %dma_wait3A_12 : memref<1x632x128xf32, #tpu.memory_space<hbm>> -> memref<632x128xf32, #tpu.memory_space<hbm>>
      %dma_wait3A_14 = arith.constant 0 : i32
      %dma_wait3A_15 = tpu.memref_slice %arg10[%mul3A_2, %dma_wait3A_14] : memref<10112x128xf32, #tpu.memory_space<vmem_shared>> -> memref<632x128xf32, #tpu.memory_space<vmem_shared>>
      tpu.wait_dma2 semaphore(%run_scoped3A : memref<!tpu.dma_semaphore, #tpu.memory_space<semaphore_mem>>) src(%dma_wait3A_15 : memref<632x128xf32, #tpu.memory_space<vmem_shared>>) dst(%dma_wait3A_13 : memref<632x128xf32, #tpu.memory_space<hbm>>)
      tpu.yield
    }) : () -> ()
    return
  }
}

#map = affine_map<(d0, d1) -> (0, 0)>
#map1 = affine_map<(d0, d1) -> (0, 0, 0)>
module attributes {stable_mosaic.version = 14 : i64} {
  func.func @segsum(%arg0: i32, %arg1: i32, %arg2: memref<10112x64xf32, #tpu.memory_space<hbm>>, %arg3: memref<32x40x128xi32, #tpu.memory_space<hbm>>, %arg4: memref<32x40x128xi32, #tpu.memory_space<hbm>>, %arg5: memref<10112x64xf32, #tpu.memory_space<hbm>>, %arg6: memref<2x10112x64xf32, #tpu.memory_space<hbm>>, %arg7: memref<40x128xi32, #tpu.memory_space<vmem>>, %arg8: memref<40x128xi32, #tpu.memory_space<vmem>>, %arg9: memref<128x64xf32, #tpu.memory_space<vmem>>, %arg10: memref<10112x64xf32, #tpu.memory_space<vmem_shared>>, %arg11: memref<!tpu.dma_semaphore, #tpu.memory_space<semaphore_mem>>) attributes {dimension_semantics = [#tpu.dimension_semantics<core_parallel>, #tpu.dimension_semantics<subcore_parallel>], iteration_bounds = array<i64: 2, 16>, scalar_prefetch = 0 : i64, scratch_operands = 5 : i64, tpu.core_type = #tpu.core_type<sc_vector_subcore>, window_params = [{transform_indices = #map}, {transform_indices = #map1}, {transform_indices = #map1}, {transform_indices = #map}, {transform_indices = #map1}]} {
    %mul3A = arith.constant 2 : i32
    %mul3A_0 = arith.muli %arg1, %mul3A : i32
    %add3A = arith.addi %mul3A_0, %arg0 : i32
    %mul3A_1 = arith.constant 632 : i32
    %mul3A_2 = arith.muli %arg1, %mul3A_1 : i32
    "tpu.region"() ({
      %run_scoped3A = tpu.sem_alloc : memref<!tpu.dma_semaphore, #tpu.memory_space<semaphore_mem>>
      %dma_start3A = arith.constant 0 : i32
      %dma_start3A_8 = tpu.memref_slice %arg10[%mul3A_2, %dma_start3A] : memref<10112x64xf32, #tpu.memory_space<vmem_shared>> -> memref<632x64xf32, #tpu.memory_space<vmem_shared>>
      %dma_start3A_9 = arith.constant 0 : i32
      %dma_start3A_10 = tpu.memref_slice %arg5[%mul3A_2, %dma_start3A_9] : memref<10112x64xf32, #tpu.memory_space<hbm>> -> memref<632x64xf32, #tpu.memory_space<hbm>>
      tpu.enqueue_dma source(%dma_start3A_10 : memref<632x64xf32, #tpu.memory_space<hbm>>) target(%dma_start3A_8 : memref<632x64xf32, #tpu.memory_space<vmem_shared>>) target_semaphore(%run_scoped3A : memref<!tpu.dma_semaphore, #tpu.memory_space<semaphore_mem>>)
      %dma_wait3A = arith.constant 0 : i32
      %dma_wait3A_11 = tpu.memref_slice %arg10[%mul3A_2, %dma_wait3A] : memref<10112x64xf32, #tpu.memory_space<vmem_shared>> -> memref<632x64xf32, #tpu.memory_space<vmem_shared>>
      %dma_wait3A_12 = arith.constant 0 : i32
      %dma_wait3A_13 = tpu.memref_slice %arg5[%mul3A_2, %dma_wait3A_12] : memref<10112x64xf32, #tpu.memory_space<hbm>> -> memref<632x64xf32, #tpu.memory_space<hbm>>
      tpu.wait_dma2 semaphore(%run_scoped3A : memref<!tpu.dma_semaphore, #tpu.memory_space<semaphore_mem>>) src(%dma_wait3A_13 : memref<632x64xf32, #tpu.memory_space<hbm>>) dst(%dma_wait3A_11 : memref<632x64xf32, #tpu.memory_space<vmem_shared>>)
      tpu.yield
    }) : () -> ()
    "tpu.region"() ({
      %run_scoped3A = tpu.sem_alloc : memref<!tpu.dma_semaphore, #tpu.memory_space<semaphore_mem>>
      %dma_start3A = arith.constant 0 : i32
      %dma_start3A_8 = arith.constant 0 : i32
      %dma_start3A_9 = tpu.memref_slice %arg3[%add3A, %dma_start3A, %dma_start3A_8] : memref<32x40x128xi32, #tpu.memory_space<hbm>> -> memref<1x40x128xi32, #tpu.memory_space<hbm>>
      %dma_start3A_10 = tpu.memref_squeeze %dma_start3A_9 : memref<1x40x128xi32, #tpu.memory_space<hbm>> -> memref<40x128xi32, #tpu.memory_space<hbm>>
      %dma_start3A_11 = arith.constant 0 : i32
      %dma_start3A_12 = arith.constant 0 : i32
      %dma_start3A_13 = tpu.memref_slice %arg3[%add3A, %dma_start3A_11, %dma_start3A_12] : memref<32x40x128xi32, #tpu.memory_space<hbm>> -> memref<1x40x128xi32, #tpu.memory_space<hbm>>
      %dma_start3A_14 = tpu.memref_squeeze %dma_start3A_13 : memref<1x40x128xi32, #tpu.memory_space<hbm>> -> memref<40x128xi32, #tpu.memory_space<hbm>>
      tpu.enqueue_dma source(%dma_start3A_14 : memref<40x128xi32, #tpu.memory_space<hbm>>) target(%arg7 : memref<40x128xi32, #tpu.memory_space<vmem>>) target_semaphore(%run_scoped3A : memref<!tpu.dma_semaphore, #tpu.memory_space<semaphore_mem>>)
      %dma_wait3A = arith.constant 0 : i32
      %dma_wait3A_15 = arith.constant 0 : i32
      %dma_wait3A_16 = tpu.memref_slice %arg3[%add3A, %dma_wait3A, %dma_wait3A_15] : memref<32x40x128xi32, #tpu.memory_space<hbm>> -> memref<1x40x128xi32, #tpu.memory_space<hbm>>
      %dma_wait3A_17 = tpu.memref_squeeze %dma_wait3A_16 : memref<1x40x128xi32, #tpu.memory_space<hbm>> -> memref<40x128xi32, #tpu.memory_space<hbm>>
      %dma_wait3A_18 = arith.constant 0 : i32
      %dma_wait3A_19 = arith.constant 0 : i32
      %dma_wait3A_20 = tpu.memref_slice %arg3[%add3A, %dma_wait3A_18, %dma_wait3A_19] : memref<32x40x128xi32, #tpu.memory_space<hbm>> -> memref<1x40x128xi32, #tpu.memory_space<hbm>>
      %dma_wait3A_21 = tpu.memref_squeeze %dma_wait3A_20 : memref<1x40x128xi32, #tpu.memory_space<hbm>> -> memref<40x128xi32, #tpu.memory_space<hbm>>
      tpu.wait_dma2 semaphore(%run_scoped3A : memref<!tpu.dma_semaphore, #tpu.memory_space<semaphore_mem>>) src(%dma_wait3A_21 : memref<40x128xi32, #tpu.memory_space<hbm>>) dst(%arg7 : memref<40x128xi32, #tpu.memory_space<vmem>>)
      tpu.yield
    }) : () -> ()
    "tpu.region"() ({
      %run_scoped3A = tpu.sem_alloc : memref<!tpu.dma_semaphore, #tpu.memory_space<semaphore_mem>>
      %dma_start3A = arith.constant 0 : i32
      %dma_start3A_8 = arith.constant 0 : i32
      %dma_start3A_9 = tpu.memref_slice %arg4[%add3A, %dma_start3A, %dma_start3A_8] : memref<32x40x128xi32, #tpu.memory_space<hbm>> -> memref<1x40x128xi32, #tpu.memory_space<hbm>>
      %dma_start3A_10 = tpu.memref_squeeze %dma_start3A_9 : memref<1x40x128xi32, #tpu.memory_space<hbm>> -> memref<40x128xi32, #tpu.memory_space<hbm>>
      %dma_start3A_11 = arith.constant 0 : i32
      %dma_start3A_12 = arith.constant 0 : i32
      %dma_start3A_13 = tpu.memref_slice %arg4[%add3A, %dma_start3A_11, %dma_start3A_12] : memref<32x40x128xi32, #tpu.memory_space<hbm>> -> memref<1x40x128xi32, #tpu.memory_space<hbm>>
      %dma_start3A_14 = tpu.memref_squeeze %dma_start3A_13 : memref<1x40x128xi32, #tpu.memory_space<hbm>> -> memref<40x128xi32, #tpu.memory_space<hbm>>
      tpu.enqueue_dma source(%dma_start3A_14 : memref<40x128xi32, #tpu.memory_space<hbm>>) target(%arg8 : memref<40x128xi32, #tpu.memory_space<vmem>>) target_semaphore(%run_scoped3A : memref<!tpu.dma_semaphore, #tpu.memory_space<semaphore_mem>>)
      %dma_wait3A = arith.constant 0 : i32
      %dma_wait3A_15 = arith.constant 0 : i32
      %dma_wait3A_16 = tpu.memref_slice %arg4[%add3A, %dma_wait3A, %dma_wait3A_15] : memref<32x40x128xi32, #tpu.memory_space<hbm>> -> memref<1x40x128xi32, #tpu.memory_space<hbm>>
      %dma_wait3A_17 = tpu.memref_squeeze %dma_wait3A_16 : memref<1x40x128xi32, #tpu.memory_space<hbm>> -> memref<40x128xi32, #tpu.memory_space<hbm>>
      %dma_wait3A_18 = arith.constant 0 : i32
      %dma_wait3A_19 = arith.constant 0 : i32
      %dma_wait3A_20 = tpu.memref_slice %arg4[%add3A, %dma_wait3A_18, %dma_wait3A_19] : memref<32x40x128xi32, #tpu.memory_space<hbm>> -> memref<1x40x128xi32, #tpu.memory_space<hbm>>
      %dma_wait3A_21 = tpu.memref_squeeze %dma_wait3A_20 : memref<1x40x128xi32, #tpu.memory_space<hbm>> -> memref<40x128xi32, #tpu.memory_space<hbm>>
      tpu.wait_dma2 semaphore(%run_scoped3A : memref<!tpu.dma_semaphore, #tpu.memory_space<semaphore_mem>>) src(%dma_wait3A_21 : memref<40x128xi32, #tpu.memory_space<hbm>>) dst(%arg8 : memref<40x128xi32, #tpu.memory_space<vmem>>)
      tpu.yield
    }) : () -> ()
    %barrier3A = arith.constant 0 : index
    tpu.barrier barrier_id(%barrier3A)
    %scan3A = arith.constant 0 : i32
    %scan3A_3 = arith.constant 40 : i32
    %scan3A_4 = arith.addi %scan3A, %scan3A_3 : i32
    %scan3A_5 = arith.constant 1 : i32
    scf.for %scan3A_8 = %scan3A to %scan3A_4 step %scan3A_5  : i32 {
      %mul3A_9 = arith.constant 1 : i32
      %mul3A_10 = arith.muli %scan3A_8, %mul3A_9 : i32
      %add3A_11 = arith.constant 0 : i32
      %add3A_12 = arith.addi %add3A_11, %mul3A_10 : i32
      %dma_start3A = arith.constant 0 : i32
      %dma_start3A_13 = tpu.memref_slice %arg7[%add3A_12, %dma_start3A] : memref<40x128xi32, #tpu.memory_space<vmem>> -> memref<1x128xi32, #tpu.memory_space<vmem>>
      %dma_start3A_14 = tpu.memref_squeeze %dma_start3A_13 : memref<1x128xi32, #tpu.memory_space<vmem>> -> memref<128xi32, #tpu.memory_space<vmem>>
      %dma_start3A_15 = arith.constant 0 : i32
      %dma_start3A_16 = arith.constant 0 : i32
      %dma_start3A_17 = tpu.memref_slice %arg2[%dma_start3A_15, %dma_start3A_16] : memref<10112x64xf32, #tpu.memory_space<hbm>> -> memref<10112x64xf32, #tpu.memory_space<hbm>>
      tpu.enqueue_indirect_dma source(%dma_start3A_17 : memref<10112x64xf32, #tpu.memory_space<hbm>>) target(%arg9 : memref<128x64xf32, #tpu.memory_space<vmem>>) offsets(%dma_start3A_14 : memref<128xi32, #tpu.memory_space<vmem>>) semaphore(%arg11 : memref<!tpu.dma_semaphore, #tpu.memory_space<semaphore_mem>>)
      %dma_wait3A = arith.constant 0 : i32
      %dma_wait3A_18 = tpu.memref_slice %arg7[%add3A_12, %dma_wait3A] : memref<40x128xi32, #tpu.memory_space<vmem>> -> memref<1x128xi32, #tpu.memory_space<vmem>>
      %dma_wait3A_19 = tpu.memref_squeeze %dma_wait3A_18 : memref<1x128xi32, #tpu.memory_space<vmem>> -> memref<128xi32, #tpu.memory_space<vmem>>
      %dma_wait3A_20 = arith.constant 0 : i32
      %dma_wait3A_21 = arith.constant 0 : i32
      %dma_wait3A_22 = tpu.memref_slice %arg2[%dma_wait3A_20, %dma_wait3A_21] : memref<10112x64xf32, #tpu.memory_space<hbm>> -> memref<10112x64xf32, #tpu.memory_space<hbm>>
      tpu.wait_indirect_dma semaphore(%arg11 : memref<!tpu.dma_semaphore, #tpu.memory_space<semaphore_mem>>) src(%dma_wait3A_22 : memref<10112x64xf32, #tpu.memory_space<hbm>>) dst(%arg9 : memref<128x64xf32, #tpu.memory_space<vmem>>)
      "tpu.region"() ({
        %run_scoped3A = tpu.sem_alloc : memref<!tpu.dma_semaphore, #tpu.memory_space<semaphore_mem>>
        %dma_start3A_23 = arith.constant 0 : i32
        %dma_start3A_24 = tpu.memref_slice %arg8[%add3A_12, %dma_start3A_23] : memref<40x128xi32, #tpu.memory_space<vmem>> -> memref<1x128xi32, #tpu.memory_space<vmem>>
        %dma_start3A_25 = tpu.memref_squeeze %dma_start3A_24 : memref<1x128xi32, #tpu.memory_space<vmem>> -> memref<128xi32, #tpu.memory_space<vmem>>
        %dma_start3A_26 = arith.constant 0 : i32
        %dma_start3A_27 = arith.constant 0 : i32
        %dma_start3A_28 = tpu.memref_slice %arg10[%dma_start3A_26, %dma_start3A_27] : memref<10112x64xf32, #tpu.memory_space<vmem_shared>> -> memref<10112x64xf32, #tpu.memory_space<vmem_shared>>
        tpu.enqueue_indirect_dma source(%arg9 : memref<128x64xf32, #tpu.memory_space<vmem>>) target(%dma_start3A_28 : memref<10112x64xf32, #tpu.memory_space<vmem_shared>>) offsets(%dma_start3A_25 : memref<128xi32, #tpu.memory_space<vmem>>) semaphore(%run_scoped3A : memref<!tpu.dma_semaphore, #tpu.memory_space<semaphore_mem>>) {add = true}
        %dma_wait3A_29 = arith.constant 0 : i32
        %dma_wait3A_30 = tpu.memref_slice %arg8[%add3A_12, %dma_wait3A_29] : memref<40x128xi32, #tpu.memory_space<vmem>> -> memref<1x128xi32, #tpu.memory_space<vmem>>
        %dma_wait3A_31 = tpu.memref_squeeze %dma_wait3A_30 : memref<1x128xi32, #tpu.memory_space<vmem>> -> memref<128xi32, #tpu.memory_space<vmem>>
        %dma_wait3A_32 = arith.constant 0 : i32
        %dma_wait3A_33 = arith.constant 0 : i32
        %dma_wait3A_34 = tpu.memref_slice %arg10[%dma_wait3A_32, %dma_wait3A_33] : memref<10112x64xf32, #tpu.memory_space<vmem_shared>> -> memref<10112x64xf32, #tpu.memory_space<vmem_shared>>
        tpu.wait_indirect_dma semaphore(%run_scoped3A : memref<!tpu.dma_semaphore, #tpu.memory_space<semaphore_mem>>) src(%arg9 : memref<128x64xf32, #tpu.memory_space<vmem>>) dst(%dma_wait3A_34 : memref<10112x64xf32, #tpu.memory_space<vmem_shared>>)
        tpu.yield
      }) : () -> ()
    }
    %scan3A_6 = arith.constant 40 : i32
    %barrier3A_7 = arith.constant 0 : index
    tpu.barrier barrier_id(%barrier3A_7)
    "tpu.region"() ({
      %run_scoped3A = tpu.sem_alloc : memref<!tpu.dma_semaphore, #tpu.memory_space<semaphore_mem>>
      %dma_start3A = arith.constant 0 : i32
      %dma_start3A_8 = tpu.memref_slice %arg6[%arg0, %mul3A_2, %dma_start3A] : memref<2x10112x64xf32, #tpu.memory_space<hbm>> -> memref<1x632x64xf32, #tpu.memory_space<hbm>>
      %dma_start3A_9 = tpu.memref_squeeze %dma_start3A_8 : memref<1x632x64xf32, #tpu.memory_space<hbm>> -> memref<632x64xf32, #tpu.memory_space<hbm>>
      %dma_start3A_10 = arith.constant 0 : i32
      %dma_start3A_11 = tpu.memref_slice %arg10[%mul3A_2, %dma_start3A_10] : memref<10112x64xf32, #tpu.memory_space<vmem_shared>> -> memref<632x64xf32, #tpu.memory_space<vmem_shared>>
      tpu.enqueue_dma source(%dma_start3A_11 : memref<632x64xf32, #tpu.memory_space<vmem_shared>>) target(%dma_start3A_9 : memref<632x64xf32, #tpu.memory_space<hbm>>) target_semaphore(%run_scoped3A : memref<!tpu.dma_semaphore, #tpu.memory_space<semaphore_mem>>)
      %dma_wait3A = arith.constant 0 : i32
      %dma_wait3A_12 = tpu.memref_slice %arg6[%arg0, %mul3A_2, %dma_wait3A] : memref<2x10112x64xf32, #tpu.memory_space<hbm>> -> memref<1x632x64xf32, #tpu.memory_space<hbm>>
      %dma_wait3A_13 = tpu.memref_squeeze %dma_wait3A_12 : memref<1x632x64xf32, #tpu.memory_space<hbm>> -> memref<632x64xf32, #tpu.memory_space<hbm>>
      %dma_wait3A_14 = arith.constant 0 : i32
      %dma_wait3A_15 = tpu.memref_slice %arg10[%mul3A_2, %dma_wait3A_14] : memref<10112x64xf32, #tpu.memory_space<vmem_shared>> -> memref<632x64xf32, #tpu.memory_space<vmem_shared>>
      tpu.wait_dma2 semaphore(%run_scoped3A : memref<!tpu.dma_semaphore, #tpu.memory_space<semaphore_mem>>) src(%dma_wait3A_15 : memref<632x64xf32, #tpu.memory_space<vmem_shared>>) dst(%dma_wait3A_13 : memref<632x64xf32, #tpu.memory_space<hbm>>)
      tpu.yield
    }) : () -> ()
    return
  }
}

#map = affine_map<(d0, d1) -> (0, 0)>
#map1 = affine_map<(d0, d1) -> (0, 0, 0)>
module attributes {stable_mosaic.version = 14 : i64} {
  func.func @segsum(%arg0: i32, %arg1: i32, %arg2: memref<10112x64xf32, #tpu.memory_space<hbm>>, %arg3: memref<32x40x128xi32, #tpu.memory_space<hbm>>, %arg4: memref<32x40x128xi32, #tpu.memory_space<hbm>>, %arg5: memref<10112x64xf32, #tpu.memory_space<hbm>>, %arg6: memref<2x10112x64xf32, #tpu.memory_space<hbm>>, %arg7: memref<40x128xi32, #tpu.memory_space<vmem>>, %arg8: memref<40x128xi32, #tpu.memory_space<vmem>>, %arg9: memref<128x64xf32, #tpu.memory_space<vmem>>, %arg10: memref<10112x64xf32, #tpu.memory_space<vmem_shared>>, %arg11: memref<!tpu.dma_semaphore, #tpu.memory_space<semaphore_mem>>) attributes {dimension_semantics = [#tpu.dimension_semantics<core_parallel>, #tpu.dimension_semantics<subcore_parallel>], iteration_bounds = array<i64: 2, 16>, scalar_prefetch = 0 : i64, scratch_operands = 5 : i64, tpu.core_type = #tpu.core_type<sc_vector_subcore>, window_params = [{transform_indices = #map}, {transform_indices = #map1}, {transform_indices = #map1}, {transform_indices = #map}, {transform_indices = #map1}]} {
    %mul3A = arith.constant 2 : i32
    %mul3A_0 = arith.muli %arg1, %mul3A : i32
    %add3A = arith.addi %mul3A_0, %arg0 : i32
    %mul3A_1 = arith.constant 632 : i32
    %mul3A_2 = arith.muli %arg1, %mul3A_1 : i32
    "tpu.region"() ({
      %run_scoped3A = tpu.sem_alloc : memref<!tpu.dma_semaphore, #tpu.memory_space<semaphore_mem>>
      %dma_start3A = arith.constant 0 : i32
      %dma_start3A_8 = tpu.memref_slice %arg10[%mul3A_2, %dma_start3A] : memref<10112x64xf32, #tpu.memory_space<vmem_shared>> -> memref<632x64xf32, #tpu.memory_space<vmem_shared>>
      %dma_start3A_9 = arith.constant 0 : i32
      %dma_start3A_10 = tpu.memref_slice %arg5[%mul3A_2, %dma_start3A_9] : memref<10112x64xf32, #tpu.memory_space<hbm>> -> memref<632x64xf32, #tpu.memory_space<hbm>>
      tpu.enqueue_dma source(%dma_start3A_10 : memref<632x64xf32, #tpu.memory_space<hbm>>) target(%dma_start3A_8 : memref<632x64xf32, #tpu.memory_space<vmem_shared>>) target_semaphore(%run_scoped3A : memref<!tpu.dma_semaphore, #tpu.memory_space<semaphore_mem>>)
      %dma_wait3A = arith.constant 0 : i32
      %dma_wait3A_11 = tpu.memref_slice %arg10[%mul3A_2, %dma_wait3A] : memref<10112x64xf32, #tpu.memory_space<vmem_shared>> -> memref<632x64xf32, #tpu.memory_space<vmem_shared>>
      %dma_wait3A_12 = arith.constant 0 : i32
      %dma_wait3A_13 = tpu.memref_slice %arg5[%mul3A_2, %dma_wait3A_12] : memref<10112x64xf32, #tpu.memory_space<hbm>> -> memref<632x64xf32, #tpu.memory_space<hbm>>
      tpu.wait_dma2 semaphore(%run_scoped3A : memref<!tpu.dma_semaphore, #tpu.memory_space<semaphore_mem>>) src(%dma_wait3A_13 : memref<632x64xf32, #tpu.memory_space<hbm>>) dst(%dma_wait3A_11 : memref<632x64xf32, #tpu.memory_space<vmem_shared>>)
      tpu.yield
    }) : () -> ()
    "tpu.region"() ({
      %run_scoped3A = tpu.sem_alloc : memref<!tpu.dma_semaphore, #tpu.memory_space<semaphore_mem>>
      %dma_start3A = arith.constant 0 : i32
      %dma_start3A_8 = arith.constant 0 : i32
      %dma_start3A_9 = tpu.memref_slice %arg3[%add3A, %dma_start3A, %dma_start3A_8] : memref<32x40x128xi32, #tpu.memory_space<hbm>> -> memref<1x40x128xi32, #tpu.memory_space<hbm>>
      %dma_start3A_10 = tpu.memref_squeeze %dma_start3A_9 : memref<1x40x128xi32, #tpu.memory_space<hbm>> -> memref<40x128xi32, #tpu.memory_space<hbm>>
      %dma_start3A_11 = arith.constant 0 : i32
      %dma_start3A_12 = arith.constant 0 : i32
      %dma_start3A_13 = tpu.memref_slice %arg3[%add3A, %dma_start3A_11, %dma_start3A_12] : memref<32x40x128xi32, #tpu.memory_space<hbm>> -> memref<1x40x128xi32, #tpu.memory_space<hbm>>
      %dma_start3A_14 = tpu.memref_squeeze %dma_start3A_13 : memref<1x40x128xi32, #tpu.memory_space<hbm>> -> memref<40x128xi32, #tpu.memory_space<hbm>>
      tpu.enqueue_dma source(%dma_start3A_14 : memref<40x128xi32, #tpu.memory_space<hbm>>) target(%arg7 : memref<40x128xi32, #tpu.memory_space<vmem>>) target_semaphore(%run_scoped3A : memref<!tpu.dma_semaphore, #tpu.memory_space<semaphore_mem>>)
      %dma_wait3A = arith.constant 0 : i32
      %dma_wait3A_15 = arith.constant 0 : i32
      %dma_wait3A_16 = tpu.memref_slice %arg3[%add3A, %dma_wait3A, %dma_wait3A_15] : memref<32x40x128xi32, #tpu.memory_space<hbm>> -> memref<1x40x128xi32, #tpu.memory_space<hbm>>
      %dma_wait3A_17 = tpu.memref_squeeze %dma_wait3A_16 : memref<1x40x128xi32, #tpu.memory_space<hbm>> -> memref<40x128xi32, #tpu.memory_space<hbm>>
      %dma_wait3A_18 = arith.constant 0 : i32
      %dma_wait3A_19 = arith.constant 0 : i32
      %dma_wait3A_20 = tpu.memref_slice %arg3[%add3A, %dma_wait3A_18, %dma_wait3A_19] : memref<32x40x128xi32, #tpu.memory_space<hbm>> -> memref<1x40x128xi32, #tpu.memory_space<hbm>>
      %dma_wait3A_21 = tpu.memref_squeeze %dma_wait3A_20 : memref<1x40x128xi32, #tpu.memory_space<hbm>> -> memref<40x128xi32, #tpu.memory_space<hbm>>
      tpu.wait_dma2 semaphore(%run_scoped3A : memref<!tpu.dma_semaphore, #tpu.memory_space<semaphore_mem>>) src(%dma_wait3A_21 : memref<40x128xi32, #tpu.memory_space<hbm>>) dst(%arg7 : memref<40x128xi32, #tpu.memory_space<vmem>>)
      tpu.yield
    }) : () -> ()
    "tpu.region"() ({
      %run_scoped3A = tpu.sem_alloc : memref<!tpu.dma_semaphore, #tpu.memory_space<semaphore_mem>>
      %dma_start3A = arith.constant 0 : i32
      %dma_start3A_8 = arith.constant 0 : i32
      %dma_start3A_9 = tpu.memref_slice %arg4[%add3A, %dma_start3A, %dma_start3A_8] : memref<32x40x128xi32, #tpu.memory_space<hbm>> -> memref<1x40x128xi32, #tpu.memory_space<hbm>>
      %dma_start3A_10 = tpu.memref_squeeze %dma_start3A_9 : memref<1x40x128xi32, #tpu.memory_space<hbm>> -> memref<40x128xi32, #tpu.memory_space<hbm>>
      %dma_start3A_11 = arith.constant 0 : i32
      %dma_start3A_12 = arith.constant 0 : i32
      %dma_start3A_13 = tpu.memref_slice %arg4[%add3A, %dma_start3A_11, %dma_start3A_12] : memref<32x40x128xi32, #tpu.memory_space<hbm>> -> memref<1x40x128xi32, #tpu.memory_space<hbm>>
      %dma_start3A_14 = tpu.memref_squeeze %dma_start3A_13 : memref<1x40x128xi32, #tpu.memory_space<hbm>> -> memref<40x128xi32, #tpu.memory_space<hbm>>
      tpu.enqueue_dma source(%dma_start3A_14 : memref<40x128xi32, #tpu.memory_space<hbm>>) target(%arg8 : memref<40x128xi32, #tpu.memory_space<vmem>>) target_semaphore(%run_scoped3A : memref<!tpu.dma_semaphore, #tpu.memory_space<semaphore_mem>>)
      %dma_wait3A = arith.constant 0 : i32
      %dma_wait3A_15 = arith.constant 0 : i32
      %dma_wait3A_16 = tpu.memref_slice %arg4[%add3A, %dma_wait3A, %dma_wait3A_15] : memref<32x40x128xi32, #tpu.memory_space<hbm>> -> memref<1x40x128xi32, #tpu.memory_space<hbm>>
      %dma_wait3A_17 = tpu.memref_squeeze %dma_wait3A_16 : memref<1x40x128xi32, #tpu.memory_space<hbm>> -> memref<40x128xi32, #tpu.memory_space<hbm>>
      %dma_wait3A_18 = arith.constant 0 : i32
      %dma_wait3A_19 = arith.constant 0 : i32
      %dma_wait3A_20 = tpu.memref_slice %arg4[%add3A, %dma_wait3A_18, %dma_wait3A_19] : memref<32x40x128xi32, #tpu.memory_space<hbm>> -> memref<1x40x128xi32, #tpu.memory_space<hbm>>
      %dma_wait3A_21 = tpu.memref_squeeze %dma_wait3A_20 : memref<1x40x128xi32, #tpu.memory_space<hbm>> -> memref<40x128xi32, #tpu.memory_space<hbm>>
      tpu.wait_dma2 semaphore(%run_scoped3A : memref<!tpu.dma_semaphore, #tpu.memory_space<semaphore_mem>>) src(%dma_wait3A_21 : memref<40x128xi32, #tpu.memory_space<hbm>>) dst(%arg8 : memref<40x128xi32, #tpu.memory_space<vmem>>)
      tpu.yield
    }) : () -> ()
    %barrier3A = arith.constant 0 : index
    tpu.barrier barrier_id(%barrier3A)
    %scan3A = arith.constant 0 : i32
    %scan3A_3 = arith.constant 40 : i32
    %scan3A_4 = arith.addi %scan3A, %scan3A_3 : i32
    %scan3A_5 = arith.constant 1 : i32
    scf.for %scan3A_8 = %scan3A to %scan3A_4 step %scan3A_5  : i32 {
      %mul3A_9 = arith.constant 1 : i32
      %mul3A_10 = arith.muli %scan3A_8, %mul3A_9 : i32
      %add3A_11 = arith.constant 0 : i32
      %add3A_12 = arith.addi %add3A_11, %mul3A_10 : i32
      %dma_start3A = arith.constant 0 : i32
      %dma_start3A_13 = tpu.memref_slice %arg7[%add3A_12, %dma_start3A] : memref<40x128xi32, #tpu.memory_space<vmem>> -> memref<1x128xi32, #tpu.memory_space<vmem>>
      %dma_start3A_14 = tpu.memref_squeeze %dma_start3A_13 : memref<1x128xi32, #tpu.memory_space<vmem>> -> memref<128xi32, #tpu.memory_space<vmem>>
      %dma_start3A_15 = arith.constant 0 : i32
      %dma_start3A_16 = arith.constant 0 : i32
      %dma_start3A_17 = tpu.memref_slice %arg2[%dma_start3A_15, %dma_start3A_16] : memref<10112x64xf32, #tpu.memory_space<hbm>> -> memref<10112x64xf32, #tpu.memory_space<hbm>>
      tpu.enqueue_indirect_dma source(%dma_start3A_17 : memref<10112x64xf32, #tpu.memory_space<hbm>>) target(%arg9 : memref<128x64xf32, #tpu.memory_space<vmem>>) offsets(%dma_start3A_14 : memref<128xi32, #tpu.memory_space<vmem>>) semaphore(%arg11 : memref<!tpu.dma_semaphore, #tpu.memory_space<semaphore_mem>>)
      %dma_wait3A = arith.constant 0 : i32
      %dma_wait3A_18 = tpu.memref_slice %arg7[%add3A_12, %dma_wait3A] : memref<40x128xi32, #tpu.memory_space<vmem>> -> memref<1x128xi32, #tpu.memory_space<vmem>>
      %dma_wait3A_19 = tpu.memref_squeeze %dma_wait3A_18 : memref<1x128xi32, #tpu.memory_space<vmem>> -> memref<128xi32, #tpu.memory_space<vmem>>
      %dma_wait3A_20 = arith.constant 0 : i32
      %dma_wait3A_21 = arith.constant 0 : i32
      %dma_wait3A_22 = tpu.memref_slice %arg2[%dma_wait3A_20, %dma_wait3A_21] : memref<10112x64xf32, #tpu.memory_space<hbm>> -> memref<10112x64xf32, #tpu.memory_space<hbm>>
      tpu.wait_indirect_dma semaphore(%arg11 : memref<!tpu.dma_semaphore, #tpu.memory_space<semaphore_mem>>) src(%dma_wait3A_22 : memref<10112x64xf32, #tpu.memory_space<hbm>>) dst(%arg9 : memref<128x64xf32, #tpu.memory_space<vmem>>)
      "tpu.region"() ({
        %run_scoped3A = tpu.sem_alloc : memref<!tpu.dma_semaphore, #tpu.memory_space<semaphore_mem>>
        %dma_start3A_23 = arith.constant 0 : i32
        %dma_start3A_24 = tpu.memref_slice %arg8[%add3A_12, %dma_start3A_23] : memref<40x128xi32, #tpu.memory_space<vmem>> -> memref<1x128xi32, #tpu.memory_space<vmem>>
        %dma_start3A_25 = tpu.memref_squeeze %dma_start3A_24 : memref<1x128xi32, #tpu.memory_space<vmem>> -> memref<128xi32, #tpu.memory_space<vmem>>
        %dma_start3A_26 = arith.constant 0 : i32
        %dma_start3A_27 = arith.constant 0 : i32
        %dma_start3A_28 = tpu.memref_slice %arg10[%dma_start3A_26, %dma_start3A_27] : memref<10112x64xf32, #tpu.memory_space<vmem_shared>> -> memref<10112x64xf32, #tpu.memory_space<vmem_shared>>
        tpu.enqueue_indirect_dma source(%arg9 : memref<128x64xf32, #tpu.memory_space<vmem>>) target(%dma_start3A_28 : memref<10112x64xf32, #tpu.memory_space<vmem_shared>>) offsets(%dma_start3A_25 : memref<128xi32, #tpu.memory_space<vmem>>) semaphore(%run_scoped3A : memref<!tpu.dma_semaphore, #tpu.memory_space<semaphore_mem>>) {add = true}
        %dma_wait3A_29 = arith.constant 0 : i32
        %dma_wait3A_30 = tpu.memref_slice %arg8[%add3A_12, %dma_wait3A_29] : memref<40x128xi32, #tpu.memory_space<vmem>> -> memref<1x128xi32, #tpu.memory_space<vmem>>
        %dma_wait3A_31 = tpu.memref_squeeze %dma_wait3A_30 : memref<1x128xi32, #tpu.memory_space<vmem>> -> memref<128xi32, #tpu.memory_space<vmem>>
        %dma_wait3A_32 = arith.constant 0 : i32
        %dma_wait3A_33 = arith.constant 0 : i32
        %dma_wait3A_34 = tpu.memref_slice %arg10[%dma_wait3A_32, %dma_wait3A_33] : memref<10112x64xf32, #tpu.memory_space<vmem_shared>> -> memref<10112x64xf32, #tpu.memory_space<vmem_shared>>
        tpu.wait_indirect_dma semaphore(%run_scoped3A : memref<!tpu.dma_semaphore, #tpu.memory_space<semaphore_mem>>) src(%arg9 : memref<128x64xf32, #tpu.memory_space<vmem>>) dst(%dma_wait3A_34 : memref<10112x64xf32, #tpu.memory_space<vmem_shared>>)
        tpu.yield
      }) : () -> ()
    }
    %scan3A_6 = arith.constant 40 : i32
    %barrier3A_7 = arith.constant 0 : index
    tpu.barrier barrier_id(%barrier3A_7)
    "tpu.region"() ({
      %run_scoped3A = tpu.sem_alloc : memref<!tpu.dma_semaphore, #tpu.memory_space<semaphore_mem>>
      %dma_start3A = arith.constant 0 : i32
      %dma_start3A_8 = tpu.memref_slice %arg6[%arg0, %mul3A_2, %dma_start3A] : memref<2x10112x64xf32, #tpu.memory_space<hbm>> -> memref<1x632x64xf32, #tpu.memory_space<hbm>>
      %dma_start3A_9 = tpu.memref_squeeze %dma_start3A_8 : memref<1x632x64xf32, #tpu.memory_space<hbm>> -> memref<632x64xf32, #tpu.memory_space<hbm>>
      %dma_start3A_10 = arith.constant 0 : i32
      %dma_start3A_11 = tpu.memref_slice %arg10[%mul3A_2, %dma_start3A_10] : memref<10112x64xf32, #tpu.memory_space<vmem_shared>> -> memref<632x64xf32, #tpu.memory_space<vmem_shared>>
      tpu.enqueue_dma source(%dma_start3A_11 : memref<632x64xf32, #tpu.memory_space<vmem_shared>>) target(%dma_start3A_9 : memref<632x64xf32, #tpu.memory_space<hbm>>) target_semaphore(%run_scoped3A : memref<!tpu.dma_semaphore, #tpu.memory_space<semaphore_mem>>)
      %dma_wait3A = arith.constant 0 : i32
      %dma_wait3A_12 = tpu.memref_slice %arg6[%arg0, %mul3A_2, %dma_wait3A] : memref<2x10112x64xf32, #tpu.memory_space<hbm>> -> memref<1x632x64xf32, #tpu.memory_space<hbm>>
      %dma_wait3A_13 = tpu.memref_squeeze %dma_wait3A_12 : memref<1x632x64xf32, #tpu.memory_space<hbm>> -> memref<632x64xf32, #tpu.memory_space<hbm>>
      %dma_wait3A_14 = arith.constant 0 : i32
      %dma_wait3A_15 = tpu.memref_slice %arg10[%mul3A_2, %dma_wait3A_14] : memref<10112x64xf32, #tpu.memory_space<vmem_shared>> -> memref<632x64xf32, #tpu.memory_space<vmem_shared>>
      tpu.wait_dma2 semaphore(%run_scoped3A : memref<!tpu.dma_semaphore, #tpu.memory_space<semaphore_mem>>) src(%dma_wait3A_15 : memref<632x64xf32, #tpu.memory_space<vmem_shared>>) dst(%dma_wait3A_13 : memref<632x64xf32, #tpu.memory_space<hbm>>)
      tpu.yield
    }) : () -> ()
    return
  }
}

#map = affine_map<(d0, d1) -> (0, 0)>
#map1 = affine_map<(d0, d1) -> (0, 0, 0)>
module attributes {stable_mosaic.version = 14 : i64} {
  func.func @segsum(%arg0: i32, %arg1: i32, %arg2: memref<10112x64xf32, #tpu.memory_space<hbm>>, %arg3: memref<32x40x128xi32, #tpu.memory_space<hbm>>, %arg4: memref<32x40x128xi32, #tpu.memory_space<hbm>>, %arg5: memref<10112x64xf32, #tpu.memory_space<hbm>>, %arg6: memref<2x10112x64xf32, #tpu.memory_space<hbm>>, %arg7: memref<40x128xi32, #tpu.memory_space<vmem>>, %arg8: memref<40x128xi32, #tpu.memory_space<vmem>>, %arg9: memref<128x64xf32, #tpu.memory_space<vmem>>, %arg10: memref<10112x64xf32, #tpu.memory_space<vmem_shared>>, %arg11: memref<!tpu.dma_semaphore, #tpu.memory_space<semaphore_mem>>) attributes {dimension_semantics = [#tpu.dimension_semantics<core_parallel>, #tpu.dimension_semantics<subcore_parallel>], iteration_bounds = array<i64: 2, 16>, scalar_prefetch = 0 : i64, scratch_operands = 5 : i64, tpu.core_type = #tpu.core_type<sc_vector_subcore>, window_params = [{transform_indices = #map}, {transform_indices = #map1}, {transform_indices = #map1}, {transform_indices = #map}, {transform_indices = #map1}]} {
    %mul3A = arith.constant 2 : i32
    %mul3A_0 = arith.muli %arg1, %mul3A : i32
    %add3A = arith.addi %mul3A_0, %arg0 : i32
    %mul3A_1 = arith.constant 632 : i32
    %mul3A_2 = arith.muli %arg1, %mul3A_1 : i32
    "tpu.region"() ({
      %run_scoped3A = tpu.sem_alloc : memref<!tpu.dma_semaphore, #tpu.memory_space<semaphore_mem>>
      %dma_start3A = arith.constant 0 : i32
      %dma_start3A_8 = tpu.memref_slice %arg10[%mul3A_2, %dma_start3A] : memref<10112x64xf32, #tpu.memory_space<vmem_shared>> -> memref<632x64xf32, #tpu.memory_space<vmem_shared>>
      %dma_start3A_9 = arith.constant 0 : i32
      %dma_start3A_10 = tpu.memref_slice %arg5[%mul3A_2, %dma_start3A_9] : memref<10112x64xf32, #tpu.memory_space<hbm>> -> memref<632x64xf32, #tpu.memory_space<hbm>>
      tpu.enqueue_dma source(%dma_start3A_10 : memref<632x64xf32, #tpu.memory_space<hbm>>) target(%dma_start3A_8 : memref<632x64xf32, #tpu.memory_space<vmem_shared>>) target_semaphore(%run_scoped3A : memref<!tpu.dma_semaphore, #tpu.memory_space<semaphore_mem>>)
      %dma_wait3A = arith.constant 0 : i32
      %dma_wait3A_11 = tpu.memref_slice %arg10[%mul3A_2, %dma_wait3A] : memref<10112x64xf32, #tpu.memory_space<vmem_shared>> -> memref<632x64xf32, #tpu.memory_space<vmem_shared>>
      %dma_wait3A_12 = arith.constant 0 : i32
      %dma_wait3A_13 = tpu.memref_slice %arg5[%mul3A_2, %dma_wait3A_12] : memref<10112x64xf32, #tpu.memory_space<hbm>> -> memref<632x64xf32, #tpu.memory_space<hbm>>
      tpu.wait_dma2 semaphore(%run_scoped3A : memref<!tpu.dma_semaphore, #tpu.memory_space<semaphore_mem>>) src(%dma_wait3A_13 : memref<632x64xf32, #tpu.memory_space<hbm>>) dst(%dma_wait3A_11 : memref<632x64xf32, #tpu.memory_space<vmem_shared>>)
      tpu.yield
    }) : () -> ()
    "tpu.region"() ({
      %run_scoped3A = tpu.sem_alloc : memref<!tpu.dma_semaphore, #tpu.memory_space<semaphore_mem>>
      %dma_start3A = arith.constant 0 : i32
      %dma_start3A_8 = arith.constant 0 : i32
      %dma_start3A_9 = tpu.memref_slice %arg3[%add3A, %dma_start3A, %dma_start3A_8] : memref<32x40x128xi32, #tpu.memory_space<hbm>> -> memref<1x40x128xi32, #tpu.memory_space<hbm>>
      %dma_start3A_10 = tpu.memref_squeeze %dma_start3A_9 : memref<1x40x128xi32, #tpu.memory_space<hbm>> -> memref<40x128xi32, #tpu.memory_space<hbm>>
      %dma_start3A_11 = arith.constant 0 : i32
      %dma_start3A_12 = arith.constant 0 : i32
      %dma_start3A_13 = tpu.memref_slice %arg3[%add3A, %dma_start3A_11, %dma_start3A_12] : memref<32x40x128xi32, #tpu.memory_space<hbm>> -> memref<1x40x128xi32, #tpu.memory_space<hbm>>
      %dma_start3A_14 = tpu.memref_squeeze %dma_start3A_13 : memref<1x40x128xi32, #tpu.memory_space<hbm>> -> memref<40x128xi32, #tpu.memory_space<hbm>>
      tpu.enqueue_dma source(%dma_start3A_14 : memref<40x128xi32, #tpu.memory_space<hbm>>) target(%arg7 : memref<40x128xi32, #tpu.memory_space<vmem>>) target_semaphore(%run_scoped3A : memref<!tpu.dma_semaphore, #tpu.memory_space<semaphore_mem>>)
      %dma_wait3A = arith.constant 0 : i32
      %dma_wait3A_15 = arith.constant 0 : i32
      %dma_wait3A_16 = tpu.memref_slice %arg3[%add3A, %dma_wait3A, %dma_wait3A_15] : memref<32x40x128xi32, #tpu.memory_space<hbm>> -> memref<1x40x128xi32, #tpu.memory_space<hbm>>
      %dma_wait3A_17 = tpu.memref_squeeze %dma_wait3A_16 : memref<1x40x128xi32, #tpu.memory_space<hbm>> -> memref<40x128xi32, #tpu.memory_space<hbm>>
      %dma_wait3A_18 = arith.constant 0 : i32
      %dma_wait3A_19 = arith.constant 0 : i32
      %dma_wait3A_20 = tpu.memref_slice %arg3[%add3A, %dma_wait3A_18, %dma_wait3A_19] : memref<32x40x128xi32, #tpu.memory_space<hbm>> -> memref<1x40x128xi32, #tpu.memory_space<hbm>>
      %dma_wait3A_21 = tpu.memref_squeeze %dma_wait3A_20 : memref<1x40x128xi32, #tpu.memory_space<hbm>> -> memref<40x128xi32, #tpu.memory_space<hbm>>
      tpu.wait_dma2 semaphore(%run_scoped3A : memref<!tpu.dma_semaphore, #tpu.memory_space<semaphore_mem>>) src(%dma_wait3A_21 : memref<40x128xi32, #tpu.memory_space<hbm>>) dst(%arg7 : memref<40x128xi32, #tpu.memory_space<vmem>>)
      tpu.yield
    }) : () -> ()
    "tpu.region"() ({
      %run_scoped3A = tpu.sem_alloc : memref<!tpu.dma_semaphore, #tpu.memory_space<semaphore_mem>>
      %dma_start3A = arith.constant 0 : i32
      %dma_start3A_8 = arith.constant 0 : i32
      %dma_start3A_9 = tpu.memref_slice %arg4[%add3A, %dma_start3A, %dma_start3A_8] : memref<32x40x128xi32, #tpu.memory_space<hbm>> -> memref<1x40x128xi32, #tpu.memory_space<hbm>>
      %dma_start3A_10 = tpu.memref_squeeze %dma_start3A_9 : memref<1x40x128xi32, #tpu.memory_space<hbm>> -> memref<40x128xi32, #tpu.memory_space<hbm>>
      %dma_start3A_11 = arith.constant 0 : i32
      %dma_start3A_12 = arith.constant 0 : i32
      %dma_start3A_13 = tpu.memref_slice %arg4[%add3A, %dma_start3A_11, %dma_start3A_12] : memref<32x40x128xi32, #tpu.memory_space<hbm>> -> memref<1x40x128xi32, #tpu.memory_space<hbm>>
      %dma_start3A_14 = tpu.memref_squeeze %dma_start3A_13 : memref<1x40x128xi32, #tpu.memory_space<hbm>> -> memref<40x128xi32, #tpu.memory_space<hbm>>
      tpu.enqueue_dma source(%dma_start3A_14 : memref<40x128xi32, #tpu.memory_space<hbm>>) target(%arg8 : memref<40x128xi32, #tpu.memory_space<vmem>>) target_semaphore(%run_scoped3A : memref<!tpu.dma_semaphore, #tpu.memory_space<semaphore_mem>>)
      %dma_wait3A = arith.constant 0 : i32
      %dma_wait3A_15 = arith.constant 0 : i32
      %dma_wait3A_16 = tpu.memref_slice %arg4[%add3A, %dma_wait3A, %dma_wait3A_15] : memref<32x40x128xi32, #tpu.memory_space<hbm>> -> memref<1x40x128xi32, #tpu.memory_space<hbm>>
      %dma_wait3A_17 = tpu.memref_squeeze %dma_wait3A_16 : memref<1x40x128xi32, #tpu.memory_space<hbm>> -> memref<40x128xi32, #tpu.memory_space<hbm>>
      %dma_wait3A_18 = arith.constant 0 : i32
      %dma_wait3A_19 = arith.constant 0 : i32
      %dma_wait3A_20 = tpu.memref_slice %arg4[%add3A, %dma_wait3A_18, %dma_wait3A_19] : memref<32x40x128xi32, #tpu.memory_space<hbm>> -> memref<1x40x128xi32, #tpu.memory_space<hbm>>
      %dma_wait3A_21 = tpu.memref_squeeze %dma_wait3A_20 : memref<1x40x128xi32, #tpu.memory_space<hbm>> -> memref<40x128xi32, #tpu.memory_space<hbm>>
      tpu.wait_dma2 semaphore(%run_scoped3A : memref<!tpu.dma_semaphore, #tpu.memory_space<semaphore_mem>>) src(%dma_wait3A_21 : memref<40x128xi32, #tpu.memory_space<hbm>>) dst(%arg8 : memref<40x128xi32, #tpu.memory_space<vmem>>)
      tpu.yield
    }) : () -> ()
    %barrier3A = arith.constant 0 : index
    tpu.barrier barrier_id(%barrier3A)
    %scan3A = arith.constant 0 : i32
    %scan3A_3 = arith.constant 40 : i32
    %scan3A_4 = arith.addi %scan3A, %scan3A_3 : i32
    %scan3A_5 = arith.constant 1 : i32
    scf.for %scan3A_8 = %scan3A to %scan3A_4 step %scan3A_5  : i32 {
      %mul3A_9 = arith.constant 1 : i32
      %mul3A_10 = arith.muli %scan3A_8, %mul3A_9 : i32
      %add3A_11 = arith.constant 0 : i32
      %add3A_12 = arith.addi %add3A_11, %mul3A_10 : i32
      %dma_start3A = arith.constant 0 : i32
      %dma_start3A_13 = tpu.memref_slice %arg7[%add3A_12, %dma_start3A] : memref<40x128xi32, #tpu.memory_space<vmem>> -> memref<1x128xi32, #tpu.memory_space<vmem>>
      %dma_start3A_14 = tpu.memref_squeeze %dma_start3A_13 : memref<1x128xi32, #tpu.memory_space<vmem>> -> memref<128xi32, #tpu.memory_space<vmem>>
      %dma_start3A_15 = arith.constant 0 : i32
      %dma_start3A_16 = arith.constant 0 : i32
      %dma_start3A_17 = tpu.memref_slice %arg2[%dma_start3A_15, %dma_start3A_16] : memref<10112x64xf32, #tpu.memory_space<hbm>> -> memref<10112x64xf32, #tpu.memory_space<hbm>>
      tpu.enqueue_indirect_dma source(%dma_start3A_17 : memref<10112x64xf32, #tpu.memory_space<hbm>>) target(%arg9 : memref<128x64xf32, #tpu.memory_space<vmem>>) offsets(%dma_start3A_14 : memref<128xi32, #tpu.memory_space<vmem>>) semaphore(%arg11 : memref<!tpu.dma_semaphore, #tpu.memory_space<semaphore_mem>>)
      %dma_wait3A = arith.constant 0 : i32
      %dma_wait3A_18 = tpu.memref_slice %arg7[%add3A_12, %dma_wait3A] : memref<40x128xi32, #tpu.memory_space<vmem>> -> memref<1x128xi32, #tpu.memory_space<vmem>>
      %dma_wait3A_19 = tpu.memref_squeeze %dma_wait3A_18 : memref<1x128xi32, #tpu.memory_space<vmem>> -> memref<128xi32, #tpu.memory_space<vmem>>
      %dma_wait3A_20 = arith.constant 0 : i32
      %dma_wait3A_21 = arith.constant 0 : i32
      %dma_wait3A_22 = tpu.memref_slice %arg2[%dma_wait3A_20, %dma_wait3A_21] : memref<10112x64xf32, #tpu.memory_space<hbm>> -> memref<10112x64xf32, #tpu.memory_space<hbm>>
      tpu.wait_indirect_dma semaphore(%arg11 : memref<!tpu.dma_semaphore, #tpu.memory_space<semaphore_mem>>) src(%dma_wait3A_22 : memref<10112x64xf32, #tpu.memory_space<hbm>>) dst(%arg9 : memref<128x64xf32, #tpu.memory_space<vmem>>)
      "tpu.region"() ({
        %run_scoped3A = tpu.sem_alloc : memref<!tpu.dma_semaphore, #tpu.memory_space<semaphore_mem>>
        %dma_start3A_23 = arith.constant 0 : i32
        %dma_start3A_24 = tpu.memref_slice %arg8[%add3A_12, %dma_start3A_23] : memref<40x128xi32, #tpu.memory_space<vmem>> -> memref<1x128xi32, #tpu.memory_space<vmem>>
        %dma_start3A_25 = tpu.memref_squeeze %dma_start3A_24 : memref<1x128xi32, #tpu.memory_space<vmem>> -> memref<128xi32, #tpu.memory_space<vmem>>
        %dma_start3A_26 = arith.constant 0 : i32
        %dma_start3A_27 = arith.constant 0 : i32
        %dma_start3A_28 = tpu.memref_slice %arg10[%dma_start3A_26, %dma_start3A_27] : memref<10112x64xf32, #tpu.memory_space<vmem_shared>> -> memref<10112x64xf32, #tpu.memory_space<vmem_shared>>
        tpu.enqueue_indirect_dma source(%arg9 : memref<128x64xf32, #tpu.memory_space<vmem>>) target(%dma_start3A_28 : memref<10112x64xf32, #tpu.memory_space<vmem_shared>>) offsets(%dma_start3A_25 : memref<128xi32, #tpu.memory_space<vmem>>) semaphore(%run_scoped3A : memref<!tpu.dma_semaphore, #tpu.memory_space<semaphore_mem>>) {add = true}
        %dma_wait3A_29 = arith.constant 0 : i32
        %dma_wait3A_30 = tpu.memref_slice %arg8[%add3A_12, %dma_wait3A_29] : memref<40x128xi32, #tpu.memory_space<vmem>> -> memref<1x128xi32, #tpu.memory_space<vmem>>
        %dma_wait3A_31 = tpu.memref_squeeze %dma_wait3A_30 : memref<1x128xi32, #tpu.memory_space<vmem>> -> memref<128xi32, #tpu.memory_space<vmem>>
        %dma_wait3A_32 = arith.constant 0 : i32
        %dma_wait3A_33 = arith.constant 0 : i32
        %dma_wait3A_34 = tpu.memref_slice %arg10[%dma_wait3A_32, %dma_wait3A_33] : memref<10112x64xf32, #tpu.memory_space<vmem_shared>> -> memref<10112x64xf32, #tpu.memory_space<vmem_shared>>
        tpu.wait_indirect_dma semaphore(%run_scoped3A : memref<!tpu.dma_semaphore, #tpu.memory_space<semaphore_mem>>) src(%arg9 : memref<128x64xf32, #tpu.memory_space<vmem>>) dst(%dma_wait3A_34 : memref<10112x64xf32, #tpu.memory_space<vmem_shared>>)
        tpu.yield
      }) : () -> ()
    }
    %scan3A_6 = arith.constant 40 : i32
    %barrier3A_7 = arith.constant 0 : index
    tpu.barrier barrier_id(%barrier3A_7)
    "tpu.region"() ({
      %run_scoped3A = tpu.sem_alloc : memref<!tpu.dma_semaphore, #tpu.memory_space<semaphore_mem>>
      %dma_start3A = arith.constant 0 : i32
      %dma_start3A_8 = tpu.memref_slice %arg6[%arg0, %mul3A_2, %dma_start3A] : memref<2x10112x64xf32, #tpu.memory_space<hbm>> -> memref<1x632x64xf32, #tpu.memory_space<hbm>>
      %dma_start3A_9 = tpu.memref_squeeze %dma_start3A_8 : memref<1x632x64xf32, #tpu.memory_space<hbm>> -> memref<632x64xf32, #tpu.memory_space<hbm>>
      %dma_start3A_10 = arith.constant 0 : i32
      %dma_start3A_11 = tpu.memref_slice %arg10[%mul3A_2, %dma_start3A_10] : memref<10112x64xf32, #tpu.memory_space<vmem_shared>> -> memref<632x64xf32, #tpu.memory_space<vmem_shared>>
      tpu.enqueue_dma source(%dma_start3A_11 : memref<632x64xf32, #tpu.memory_space<vmem_shared>>) target(%dma_start3A_9 : memref<632x64xf32, #tpu.memory_space<hbm>>) target_semaphore(%run_scoped3A : memref<!tpu.dma_semaphore, #tpu.memory_space<semaphore_mem>>)
      %dma_wait3A = arith.constant 0 : i32
      %dma_wait3A_12 = tpu.memref_slice %arg6[%arg0, %mul3A_2, %dma_wait3A] : memref<2x10112x64xf32, #tpu.memory_space<hbm>> -> memref<1x632x64xf32, #tpu.memory_space<hbm>>
      %dma_wait3A_13 = tpu.memref_squeeze %dma_wait3A_12 : memref<1x632x64xf32, #tpu.memory_space<hbm>> -> memref<632x64xf32, #tpu.memory_space<hbm>>
      %dma_wait3A_14 = arith.constant 0 : i32
      %dma_wait3A_15 = tpu.memref_slice %arg10[%mul3A_2, %dma_wait3A_14] : memref<10112x64xf32, #tpu.memory_space<vmem_shared>> -> memref<632x64xf32, #tpu.memory_space<vmem_shared>>
      tpu.wait_dma2 semaphore(%run_scoped3A : memref<!tpu.dma_semaphore, #tpu.memory_space<semaphore_mem>>) src(%dma_wait3A_15 : memref<632x64xf32, #tpu.memory_space<vmem_shared>>) dst(%dma_wait3A_13 : memref<632x64xf32, #tpu.memory_space<hbm>>)
      tpu.yield
    }) : () -> ()
    return
  }
}

#map = affine_map<(d0, d1) -> (0, 0)>
#map1 = affine_map<(d0, d1) -> (0, 0, 0)>
module attributes {stable_mosaic.version = 14 : i64} {
  func.func @segsum(%arg0: i32, %arg1: i32, %arg2: memref<10112x64xf32, #tpu.memory_space<hbm>>, %arg3: memref<32x40x128xi32, #tpu.memory_space<hbm>>, %arg4: memref<32x40x128xi32, #tpu.memory_space<hbm>>, %arg5: memref<10112x64xf32, #tpu.memory_space<hbm>>, %arg6: memref<2x10112x64xf32, #tpu.memory_space<hbm>>, %arg7: memref<40x128xi32, #tpu.memory_space<vmem>>, %arg8: memref<40x128xi32, #tpu.memory_space<vmem>>, %arg9: memref<128x64xf32, #tpu.memory_space<vmem>>, %arg10: memref<10112x64xf32, #tpu.memory_space<vmem_shared>>, %arg11: memref<!tpu.dma_semaphore, #tpu.memory_space<semaphore_mem>>) attributes {dimension_semantics = [#tpu.dimension_semantics<core_parallel>, #tpu.dimension_semantics<subcore_parallel>], iteration_bounds = array<i64: 2, 16>, scalar_prefetch = 0 : i64, scratch_operands = 5 : i64, tpu.core_type = #tpu.core_type<sc_vector_subcore>, window_params = [{transform_indices = #map}, {transform_indices = #map1}, {transform_indices = #map1}, {transform_indices = #map}, {transform_indices = #map1}]} {
    %mul3A = arith.constant 2 : i32
    %mul3A_0 = arith.muli %arg1, %mul3A : i32
    %add3A = arith.addi %mul3A_0, %arg0 : i32
    %mul3A_1 = arith.constant 632 : i32
    %mul3A_2 = arith.muli %arg1, %mul3A_1 : i32
    "tpu.region"() ({
      %run_scoped3A = tpu.sem_alloc : memref<!tpu.dma_semaphore, #tpu.memory_space<semaphore_mem>>
      %dma_start3A = arith.constant 0 : i32
      %dma_start3A_8 = tpu.memref_slice %arg10[%mul3A_2, %dma_start3A] : memref<10112x64xf32, #tpu.memory_space<vmem_shared>> -> memref<632x64xf32, #tpu.memory_space<vmem_shared>>
      %dma_start3A_9 = arith.constant 0 : i32
      %dma_start3A_10 = tpu.memref_slice %arg5[%mul3A_2, %dma_start3A_9] : memref<10112x64xf32, #tpu.memory_space<hbm>> -> memref<632x64xf32, #tpu.memory_space<hbm>>
      tpu.enqueue_dma source(%dma_start3A_10 : memref<632x64xf32, #tpu.memory_space<hbm>>) target(%dma_start3A_8 : memref<632x64xf32, #tpu.memory_space<vmem_shared>>) target_semaphore(%run_scoped3A : memref<!tpu.dma_semaphore, #tpu.memory_space<semaphore_mem>>)
      %dma_wait3A = arith.constant 0 : i32
      %dma_wait3A_11 = tpu.memref_slice %arg10[%mul3A_2, %dma_wait3A] : memref<10112x64xf32, #tpu.memory_space<vmem_shared>> -> memref<632x64xf32, #tpu.memory_space<vmem_shared>>
      %dma_wait3A_12 = arith.constant 0 : i32
      %dma_wait3A_13 = tpu.memref_slice %arg5[%mul3A_2, %dma_wait3A_12] : memref<10112x64xf32, #tpu.memory_space<hbm>> -> memref<632x64xf32, #tpu.memory_space<hbm>>
      tpu.wait_dma2 semaphore(%run_scoped3A : memref<!tpu.dma_semaphore, #tpu.memory_space<semaphore_mem>>) src(%dma_wait3A_13 : memref<632x64xf32, #tpu.memory_space<hbm>>) dst(%dma_wait3A_11 : memref<632x64xf32, #tpu.memory_space<vmem_shared>>)
      tpu.yield
    }) : () -> ()
    "tpu.region"() ({
      %run_scoped3A = tpu.sem_alloc : memref<!tpu.dma_semaphore, #tpu.memory_space<semaphore_mem>>
      %dma_start3A = arith.constant 0 : i32
      %dma_start3A_8 = arith.constant 0 : i32
      %dma_start3A_9 = tpu.memref_slice %arg3[%add3A, %dma_start3A, %dma_start3A_8] : memref<32x40x128xi32, #tpu.memory_space<hbm>> -> memref<1x40x128xi32, #tpu.memory_space<hbm>>
      %dma_start3A_10 = tpu.memref_squeeze %dma_start3A_9 : memref<1x40x128xi32, #tpu.memory_space<hbm>> -> memref<40x128xi32, #tpu.memory_space<hbm>>
      %dma_start3A_11 = arith.constant 0 : i32
      %dma_start3A_12 = arith.constant 0 : i32
      %dma_start3A_13 = tpu.memref_slice %arg3[%add3A, %dma_start3A_11, %dma_start3A_12] : memref<32x40x128xi32, #tpu.memory_space<hbm>> -> memref<1x40x128xi32, #tpu.memory_space<hbm>>
      %dma_start3A_14 = tpu.memref_squeeze %dma_start3A_13 : memref<1x40x128xi32, #tpu.memory_space<hbm>> -> memref<40x128xi32, #tpu.memory_space<hbm>>
      tpu.enqueue_dma source(%dma_start3A_14 : memref<40x128xi32, #tpu.memory_space<hbm>>) target(%arg7 : memref<40x128xi32, #tpu.memory_space<vmem>>) target_semaphore(%run_scoped3A : memref<!tpu.dma_semaphore, #tpu.memory_space<semaphore_mem>>)
      %dma_wait3A = arith.constant 0 : i32
      %dma_wait3A_15 = arith.constant 0 : i32
      %dma_wait3A_16 = tpu.memref_slice %arg3[%add3A, %dma_wait3A, %dma_wait3A_15] : memref<32x40x128xi32, #tpu.memory_space<hbm>> -> memref<1x40x128xi32, #tpu.memory_space<hbm>>
      %dma_wait3A_17 = tpu.memref_squeeze %dma_wait3A_16 : memref<1x40x128xi32, #tpu.memory_space<hbm>> -> memref<40x128xi32, #tpu.memory_space<hbm>>
      %dma_wait3A_18 = arith.constant 0 : i32
      %dma_wait3A_19 = arith.constant 0 : i32
      %dma_wait3A_20 = tpu.memref_slice %arg3[%add3A, %dma_wait3A_18, %dma_wait3A_19] : memref<32x40x128xi32, #tpu.memory_space<hbm>> -> memref<1x40x128xi32, #tpu.memory_space<hbm>>
      %dma_wait3A_21 = tpu.memref_squeeze %dma_wait3A_20 : memref<1x40x128xi32, #tpu.memory_space<hbm>> -> memref<40x128xi32, #tpu.memory_space<hbm>>
      tpu.wait_dma2 semaphore(%run_scoped3A : memref<!tpu.dma_semaphore, #tpu.memory_space<semaphore_mem>>) src(%dma_wait3A_21 : memref<40x128xi32, #tpu.memory_space<hbm>>) dst(%arg7 : memref<40x128xi32, #tpu.memory_space<vmem>>)
      tpu.yield
    }) : () -> ()
    "tpu.region"() ({
      %run_scoped3A = tpu.sem_alloc : memref<!tpu.dma_semaphore, #tpu.memory_space<semaphore_mem>>
      %dma_start3A = arith.constant 0 : i32
      %dma_start3A_8 = arith.constant 0 : i32
      %dma_start3A_9 = tpu.memref_slice %arg4[%add3A, %dma_start3A, %dma_start3A_8] : memref<32x40x128xi32, #tpu.memory_space<hbm>> -> memref<1x40x128xi32, #tpu.memory_space<hbm>>
      %dma_start3A_10 = tpu.memref_squeeze %dma_start3A_9 : memref<1x40x128xi32, #tpu.memory_space<hbm>> -> memref<40x128xi32, #tpu.memory_space<hbm>>
      %dma_start3A_11 = arith.constant 0 : i32
      %dma_start3A_12 = arith.constant 0 : i32
      %dma_start3A_13 = tpu.memref_slice %arg4[%add3A, %dma_start3A_11, %dma_start3A_12] : memref<32x40x128xi32, #tpu.memory_space<hbm>> -> memref<1x40x128xi32, #tpu.memory_space<hbm>>
      %dma_start3A_14 = tpu.memref_squeeze %dma_start3A_13 : memref<1x40x128xi32, #tpu.memory_space<hbm>> -> memref<40x128xi32, #tpu.memory_space<hbm>>
      tpu.enqueue_dma source(%dma_start3A_14 : memref<40x128xi32, #tpu.memory_space<hbm>>) target(%arg8 : memref<40x128xi32, #tpu.memory_space<vmem>>) target_semaphore(%run_scoped3A : memref<!tpu.dma_semaphore, #tpu.memory_space<semaphore_mem>>)
      %dma_wait3A = arith.constant 0 : i32
      %dma_wait3A_15 = arith.constant 0 : i32
      %dma_wait3A_16 = tpu.memref_slice %arg4[%add3A, %dma_wait3A, %dma_wait3A_15] : memref<32x40x128xi32, #tpu.memory_space<hbm>> -> memref<1x40x128xi32, #tpu.memory_space<hbm>>
      %dma_wait3A_17 = tpu.memref_squeeze %dma_wait3A_16 : memref<1x40x128xi32, #tpu.memory_space<hbm>> -> memref<40x128xi32, #tpu.memory_space<hbm>>
      %dma_wait3A_18 = arith.constant 0 : i32
      %dma_wait3A_19 = arith.constant 0 : i32
      %dma_wait3A_20 = tpu.memref_slice %arg4[%add3A, %dma_wait3A_18, %dma_wait3A_19] : memref<32x40x128xi32, #tpu.memory_space<hbm>> -> memref<1x40x128xi32, #tpu.memory_space<hbm>>
      %dma_wait3A_21 = tpu.memref_squeeze %dma_wait3A_20 : memref<1x40x128xi32, #tpu.memory_space<hbm>> -> memref<40x128xi32, #tpu.memory_space<hbm>>
      tpu.wait_dma2 semaphore(%run_scoped3A : memref<!tpu.dma_semaphore, #tpu.memory_space<semaphore_mem>>) src(%dma_wait3A_21 : memref<40x128xi32, #tpu.memory_space<hbm>>) dst(%arg8 : memref<40x128xi32, #tpu.memory_space<vmem>>)
      tpu.yield
    }) : () -> ()
    %barrier3A = arith.constant 0 : index
    tpu.barrier barrier_id(%barrier3A)
    %scan3A = arith.constant 0 : i32
    %scan3A_3 = arith.constant 40 : i32
    %scan3A_4 = arith.addi %scan3A, %scan3A_3 : i32
    %scan3A_5 = arith.constant 1 : i32
    scf.for %scan3A_8 = %scan3A to %scan3A_4 step %scan3A_5  : i32 {
      %mul3A_9 = arith.constant 1 : i32
      %mul3A_10 = arith.muli %scan3A_8, %mul3A_9 : i32
      %add3A_11 = arith.constant 0 : i32
      %add3A_12 = arith.addi %add3A_11, %mul3A_10 : i32
      %dma_start3A = arith.constant 0 : i32
      %dma_start3A_13 = tpu.memref_slice %arg7[%add3A_12, %dma_start3A] : memref<40x128xi32, #tpu.memory_space<vmem>> -> memref<1x128xi32, #tpu.memory_space<vmem>>
      %dma_start3A_14 = tpu.memref_squeeze %dma_start3A_13 : memref<1x128xi32, #tpu.memory_space<vmem>> -> memref<128xi32, #tpu.memory_space<vmem>>
      %dma_start3A_15 = arith.constant 0 : i32
      %dma_start3A_16 = arith.constant 0 : i32
      %dma_start3A_17 = tpu.memref_slice %arg2[%dma_start3A_15, %dma_start3A_16] : memref<10112x64xf32, #tpu.memory_space<hbm>> -> memref<10112x64xf32, #tpu.memory_space<hbm>>
      tpu.enqueue_indirect_dma source(%dma_start3A_17 : memref<10112x64xf32, #tpu.memory_space<hbm>>) target(%arg9 : memref<128x64xf32, #tpu.memory_space<vmem>>) offsets(%dma_start3A_14 : memref<128xi32, #tpu.memory_space<vmem>>) semaphore(%arg11 : memref<!tpu.dma_semaphore, #tpu.memory_space<semaphore_mem>>)
      %dma_wait3A = arith.constant 0 : i32
      %dma_wait3A_18 = tpu.memref_slice %arg7[%add3A_12, %dma_wait3A] : memref<40x128xi32, #tpu.memory_space<vmem>> -> memref<1x128xi32, #tpu.memory_space<vmem>>
      %dma_wait3A_19 = tpu.memref_squeeze %dma_wait3A_18 : memref<1x128xi32, #tpu.memory_space<vmem>> -> memref<128xi32, #tpu.memory_space<vmem>>
      %dma_wait3A_20 = arith.constant 0 : i32
      %dma_wait3A_21 = arith.constant 0 : i32
      %dma_wait3A_22 = tpu.memref_slice %arg2[%dma_wait3A_20, %dma_wait3A_21] : memref<10112x64xf32, #tpu.memory_space<hbm>> -> memref<10112x64xf32, #tpu.memory_space<hbm>>
      tpu.wait_indirect_dma semaphore(%arg11 : memref<!tpu.dma_semaphore, #tpu.memory_space<semaphore_mem>>) src(%dma_wait3A_22 : memref<10112x64xf32, #tpu.memory_space<hbm>>) dst(%arg9 : memref<128x64xf32, #tpu.memory_space<vmem>>)
      "tpu.region"() ({
        %run_scoped3A = tpu.sem_alloc : memref<!tpu.dma_semaphore, #tpu.memory_space<semaphore_mem>>
        %dma_start3A_23 = arith.constant 0 : i32
        %dma_start3A_24 = tpu.memref_slice %arg8[%add3A_12, %dma_start3A_23] : memref<40x128xi32, #tpu.memory_space<vmem>> -> memref<1x128xi32, #tpu.memory_space<vmem>>
        %dma_start3A_25 = tpu.memref_squeeze %dma_start3A_24 : memref<1x128xi32, #tpu.memory_space<vmem>> -> memref<128xi32, #tpu.memory_space<vmem>>
        %dma_start3A_26 = arith.constant 0 : i32
        %dma_start3A_27 = arith.constant 0 : i32
        %dma_start3A_28 = tpu.memref_slice %arg10[%dma_start3A_26, %dma_start3A_27] : memref<10112x64xf32, #tpu.memory_space<vmem_shared>> -> memref<10112x64xf32, #tpu.memory_space<vmem_shared>>
        tpu.enqueue_indirect_dma source(%arg9 : memref<128x64xf32, #tpu.memory_space<vmem>>) target(%dma_start3A_28 : memref<10112x64xf32, #tpu.memory_space<vmem_shared>>) offsets(%dma_start3A_25 : memref<128xi32, #tpu.memory_space<vmem>>) semaphore(%run_scoped3A : memref<!tpu.dma_semaphore, #tpu.memory_space<semaphore_mem>>) {add = true}
        %dma_wait3A_29 = arith.constant 0 : i32
        %dma_wait3A_30 = tpu.memref_slice %arg8[%add3A_12, %dma_wait3A_29] : memref<40x128xi32, #tpu.memory_space<vmem>> -> memref<1x128xi32, #tpu.memory_space<vmem>>
        %dma_wait3A_31 = tpu.memref_squeeze %dma_wait3A_30 : memref<1x128xi32, #tpu.memory_space<vmem>> -> memref<128xi32, #tpu.memory_space<vmem>>
        %dma_wait3A_32 = arith.constant 0 : i32
        %dma_wait3A_33 = arith.constant 0 : i32
        %dma_wait3A_34 = tpu.memref_slice %arg10[%dma_wait3A_32, %dma_wait3A_33] : memref<10112x64xf32, #tpu.memory_space<vmem_shared>> -> memref<10112x64xf32, #tpu.memory_space<vmem_shared>>
        tpu.wait_indirect_dma semaphore(%run_scoped3A : memref<!tpu.dma_semaphore, #tpu.memory_space<semaphore_mem>>) src(%arg9 : memref<128x64xf32, #tpu.memory_space<vmem>>) dst(%dma_wait3A_34 : memref<10112x64xf32, #tpu.memory_space<vmem_shared>>)
        tpu.yield
      }) : () -> ()
    }
    %scan3A_6 = arith.constant 40 : i32
    %barrier3A_7 = arith.constant 0 : index
    tpu.barrier barrier_id(%barrier3A_7)
    "tpu.region"() ({
      %run_scoped3A = tpu.sem_alloc : memref<!tpu.dma_semaphore, #tpu.memory_space<semaphore_mem>>
      %dma_start3A = arith.constant 0 : i32
      %dma_start3A_8 = tpu.memref_slice %arg6[%arg0, %mul3A_2, %dma_start3A] : memref<2x10112x64xf32, #tpu.memory_space<hbm>> -> memref<1x632x64xf32, #tpu.memory_space<hbm>>
      %dma_start3A_9 = tpu.memref_squeeze %dma_start3A_8 : memref<1x632x64xf32, #tpu.memory_space<hbm>> -> memref<632x64xf32, #tpu.memory_space<hbm>>
      %dma_start3A_10 = arith.constant 0 : i32
      %dma_start3A_11 = tpu.memref_slice %arg10[%mul3A_2, %dma_start3A_10] : memref<10112x64xf32, #tpu.memory_space<vmem_shared>> -> memref<632x64xf32, #tpu.memory_space<vmem_shared>>
      tpu.enqueue_dma source(%dma_start3A_11 : memref<632x64xf32, #tpu.memory_space<vmem_shared>>) target(%dma_start3A_9 : memref<632x64xf32, #tpu.memory_space<hbm>>) target_semaphore(%run_scoped3A : memref<!tpu.dma_semaphore, #tpu.memory_space<semaphore_mem>>)
      %dma_wait3A = arith.constant 0 : i32
      %dma_wait3A_12 = tpu.memref_slice %arg6[%arg0, %mul3A_2, %dma_wait3A] : memref<2x10112x64xf32, #tpu.memory_space<hbm>> -> memref<1x632x64xf32, #tpu.memory_space<hbm>>
      %dma_wait3A_13 = tpu.memref_squeeze %dma_wait3A_12 : memref<1x632x64xf32, #tpu.memory_space<hbm>> -> memref<632x64xf32, #tpu.memory_space<hbm>>
      %dma_wait3A_14 = arith.constant 0 : i32
      %dma_wait3A_15 = tpu.memref_slice %arg10[%mul3A_2, %dma_wait3A_14] : memref<10112x64xf32, #tpu.memory_space<vmem_shared>> -> memref<632x64xf32, #tpu.memory_space<vmem_shared>>
      tpu.wait_dma2 semaphore(%run_scoped3A : memref<!tpu.dma_semaphore, #tpu.memory_space<semaphore_mem>>) src(%dma_wait3A_15 : memref<632x64xf32, #tpu.memory_space<vmem_shared>>) dst(%dma_wait3A_13 : memref<632x64xf32, #tpu.memory_space<hbm>>)
      tpu.yield
    }) : () -> ()
    return
  }
}

module attributes {stable_mosaic.version = 14 : i64} {
  func.func @_layer0_body(%arg0: memref<10112x256xf32, #tpu.memory_space<vmem>>, %arg1: memref<2x10112x128xf32, #tpu.memory_space<vmem>>, %arg2: memref<2x10112x128xf32, #tpu.memory_space<vmem>>, %arg3: memref<256x128xf32, #tpu.memory_space<vmem>>, %arg4: memref<1x128xf32, #tpu.memory_space<vmem>>, %arg5: memref<128x64xf32, #tpu.memory_space<vmem>>, %arg6: memref<1x64xf32, #tpu.memory_space<vmem>>, %arg7: memref<1x64xf32, #tpu.memory_space<vmem>>, %arg8: memref<1x64xf32, #tpu.memory_space<vmem>>, %arg9: memref<1x1xf32, #tpu.memory_space<vmem>>, %arg10: memref<10112x64xf32, #tpu.memory_space<vmem>>) attributes {dimension_semantics = [], scalar_prefetch = 0 : i64, scratch_operands = 0 : i64, tpu.core_type = #tpu.core_type<tc>} {
    %get3A = arith.constant 0 : index
    %get3A_0 = arith.constant 0 : index
    %get3A_1 = arith.constant 0 : index
    %get3A_2 = vector.load %arg1[%get3A, %get3A_0, %get3A_1] : memref<2x10112x128xf32, #tpu.memory_space<vmem>>, vector<1x10112x128xf32>
    %get3A_3 = vector.shape_cast %get3A_2 : vector<1x10112x128xf32> to vector<10112x128xf32>
    %get3A_4 = arith.constant 1 : index
    %get3A_5 = arith.constant 0 : index
    %get3A_6 = arith.constant 0 : index
    %get3A_7 = vector.load %arg1[%get3A_4, %get3A_5, %get3A_6] : memref<2x10112x128xf32, #tpu.memory_space<vmem>>, vector<1x10112x128xf32>
    %get3A_8 = vector.shape_cast %get3A_7 : vector<1x10112x128xf32> to vector<10112x128xf32>
    %add3A = arith.addf %get3A_3, %get3A_8 : vector<10112x128xf32>
    %get3A_9 = arith.constant 0 : index
    %get3A_10 = arith.constant 0 : index
    %get3A_11 = arith.constant 0 : index
    %get3A_12 = vector.load %arg2[%get3A_9, %get3A_10, %get3A_11] : memref<2x10112x128xf32, #tpu.memory_space<vmem>>, vector<1x10112x128xf32>
    %get3A_13 = vector.shape_cast %get3A_12 : vector<1x10112x128xf32> to vector<10112x128xf32>
    %get3A_14 = arith.constant 1 : index
    %get3A_15 = arith.constant 0 : index
    %get3A_16 = arith.constant 0 : index
    %get3A_17 = vector.load %arg2[%get3A_14, %get3A_15, %get3A_16] : memref<2x10112x128xf32, #tpu.memory_space<vmem>>, vector<1x10112x128xf32>
    %get3A_18 = vector.shape_cast %get3A_17 : vector<1x10112x128xf32> to vector<10112x128xf32>
    %add3A_19 = arith.addf %get3A_13, %get3A_18 : vector<10112x128xf32>
    %concatenate3A = tpu.concatenate %add3A, %add3A_19 in 1 : vector<10112x128xf32>, vector<10112x128xf32> -> vector<10112x256xf32>
    %get3A_20 = arith.constant 0 : index
    %get3A_21 = arith.constant 0 : index
    %get3A_22 = vector.load %arg9[%get3A_20, %get3A_21] : memref<1x1xf32, #tpu.memory_space<vmem>>, vector<1x1xf32>
    %get3A_23 = vector.extract %get3A_22[0, 0] : f32 from vector<1x1xf32>
    %add3A_24 = arith.constant 1.000000e+00 : f32
    %add3A_25 = arith.addf %add3A_24, %get3A_23 : f32
    %get3A_26 = arith.constant 0 : index
    %get3A_27 = arith.constant 0 : index
    %get3A_28 = vector.load %arg0[%get3A_26, %get3A_27] : memref<10112x256xf32, #tpu.memory_space<vmem>>, vector<10112x256xf32>
    %mul3A = vector.broadcast %add3A_25 : f32 to vector<10112x256xf32>
    %mul3A_29 = arith.mulf %mul3A, %get3A_28 : vector<10112x256xf32>
    %add3A_30 = arith.addf %mul3A_29, %concatenate3A : vector<10112x256xf32>
    %get3A_31 = arith.constant 0 : index
    %get3A_32 = arith.constant 0 : index
    %get3A_33 = vector.load %arg3[%get3A_31, %get3A_32] : memref<256x128xf32, #tpu.memory_space<vmem>>, vector<256x128xf32>
    %dot_general3A = arith.constant dense<0.000000e+00> : vector<10112x128xf32>
    %dot_general3A_34 = tpu.matmul %add3A_30, %get3A_33, %dot_general3A {dimension_numbers = #tpu.dot_dimension_numbers<[1], [0], [0], [1], [0, 0, 1, 1], [], []>, transpose_lhs_hint = false} : vector<10112x256xf32>, vector<256x128xf32>, vector<10112x128xf32> -> vector<10112x128xf32>
    %get3A_35 = arith.constant 0 : index
    %get3A_36 = arith.constant 0 : index
    %get3A_37 = vector.load %arg4[%get3A_35, %get3A_36] : memref<1x128xf32, #tpu.memory_space<vmem>>, vector<1x128xf32>
    %add3A_38 = vector.broadcast %get3A_37 : vector<1x128xf32> to vector<10112x128xf32>
    %add3A_39 = arith.addf %dot_general3A_34, %add3A_38 : vector<10112x128xf32>
    %max3A = arith.constant 0.000000e+00 : f32
    %max3A_40 = vector.broadcast %max3A : f32 to vector<10112x128xf32>
    %max3A_41 = arith.maximumf %add3A_39, %max3A_40 : vector<10112x128xf32>
    %get3A_42 = arith.constant 0 : index
    %get3A_43 = arith.constant 0 : index
    %get3A_44 = vector.load %arg5[%get3A_42, %get3A_43] : memref<128x64xf32, #tpu.memory_space<vmem>>, vector<128x64xf32>
    %dot_general3A_45 = arith.constant dense<0.000000e+00> : vector<10112x64xf32>
    %dot_general3A_46 = tpu.matmul %max3A_41, %get3A_44, %dot_general3A_45 {dimension_numbers = #tpu.dot_dimension_numbers<[1], [0], [0], [1], [0, 0, 1, 1], [], []>, transpose_lhs_hint = false} : vector<10112x128xf32>, vector<128x64xf32>, vector<10112x64xf32> -> vector<10112x64xf32>
    %get3A_47 = arith.constant 0 : index
    %get3A_48 = arith.constant 0 : index
    %get3A_49 = vector.load %arg6[%get3A_47, %get3A_48] : memref<1x64xf32, #tpu.memory_space<vmem>>, vector<1x64xf32>
    %add3A_50 = vector.broadcast %get3A_49 : vector<1x64xf32> to vector<10112x64xf32>
    %add3A_51 = arith.addf %dot_general3A_46, %add3A_50 : vector<10112x64xf32>
    %get3A_52 = arith.constant 0 : index
    %get3A_53 = arith.constant 0 : index
    %get3A_54 = vector.load %arg7[%get3A_52, %get3A_53] : memref<1x64xf32, #tpu.memory_space<vmem>>, vector<1x64xf32>
    %get3A_55 = arith.constant 0 : index
    %get3A_56 = arith.constant 0 : index
    %get3A_57 = vector.load %arg8[%get3A_55, %get3A_56] : memref<1x64xf32, #tpu.memory_space<vmem>>, vector<1x64xf32>
    %iota3A = tpu.iota {dimensions = array<i32: 0>} : vector<10112x1xi32>
    %lt3A = arith.constant 10000 : i32
    %lt3A_58 = vector.broadcast %lt3A : i32 to vector<10112x1xi32>
    %lt3A_59 = arith.cmpi slt, %iota3A, %lt3A_58 : vector<10112x1xi32>
    %jit3A = arith.constant 0.000000e+00 : f32
    %broadcast_in_dim3A = vector.shape_cast %lt3A_59 : vector<10112x1xi1> to vector<10112x1xi1>
    %broadcast_in_dim3A_60 = vector.broadcast %broadcast_in_dim3A : vector<10112x1xi1> to vector<10112x64xi1>
    %broadcast_in_dim3A_61 = vector.broadcast %jit3A : f32 to vector<10112x64xf32>
    %select_n3A = arith.select %broadcast_in_dim3A_60, %add3A_51, %broadcast_in_dim3A_61 : vector<10112x64xi1>, vector<10112x64xf32>
    %reduce_sum3A = arith.constant dense<0.000000e+00> : vector<64xf32>
    %reduce_sum3A_62 = vector.multi_reduction <add>, %select_n3A, %reduce_sum3A [0] : vector<10112x64xf32> to vector<64xf32>
    %broadcast_in_dim3A_63 = vector.shape_cast %reduce_sum3A_62 : vector<64xf32> to vector<1x64xf32>
    %mul3A_64 = arith.constant 9.99999974E-5 : f32
    %mul3A_65 = vector.broadcast %mul3A_64 : f32 to vector<1x64xf32>
    %mul3A_66 = arith.mulf %broadcast_in_dim3A_63, %mul3A_65 : vector<1x64xf32>
    %sub3A = vector.broadcast %mul3A_66 : vector<1x64xf32> to vector<10112x64xf32>
    %sub3A_67 = arith.subf %select_n3A, %sub3A : vector<10112x64xf32>
    %jit3A_68 = arith.constant 0.000000e+00 : f32
    %broadcast_in_dim3A_69 = vector.shape_cast %lt3A_59 : vector<10112x1xi1> to vector<10112x1xi1>
    %broadcast_in_dim3A_70 = vector.broadcast %broadcast_in_dim3A_69 : vector<10112x1xi1> to vector<10112x64xi1>
    %broadcast_in_dim3A_71 = vector.broadcast %jit3A_68 : f32 to vector<10112x64xf32>
    %select_n3A_72 = arith.select %broadcast_in_dim3A_70, %sub3A_67, %broadcast_in_dim3A_71 : vector<10112x64xi1>, vector<10112x64xf32>
    %mul3A_73 = arith.mulf %select_n3A_72, %select_n3A_72 : vector<10112x64xf32>
    %reduce_sum3A_74 = arith.constant dense<0.000000e+00> : vector<64xf32>
    %reduce_sum3A_75 = vector.multi_reduction <add>, %mul3A_73, %reduce_sum3A_74 [0] : vector<10112x64xf32> to vector<64xf32>
    %broadcast_in_dim3A_76 = vector.shape_cast %reduce_sum3A_75 : vector<64xf32> to vector<1x64xf32>
    %mul3A_77 = arith.constant 9.99999974E-5 : f32
    %mul3A_78 = vector.broadcast %mul3A_77 : f32 to vector<1x64xf32>
    %mul3A_79 = arith.mulf %broadcast_in_dim3A_76, %mul3A_78 : vector<1x64xf32>
    %add3A_80 = arith.constant 9.99999974E-6 : f32
    %add3A_81 = vector.broadcast %add3A_80 : f32 to vector<1x64xf32>
    %add3A_82 = arith.addf %mul3A_79, %add3A_81 : vector<1x64xf32>
    %sqrt3A = math.sqrt %add3A_82 : vector<1x64xf32>
    %div3A = vector.broadcast %sqrt3A : vector<1x64xf32> to vector<10112x64xf32>
    %div3A_83 = arith.divf %select_n3A_72, %div3A : vector<10112x64xf32>
    %mul3A_84 = vector.broadcast %get3A_54 : vector<1x64xf32> to vector<10112x64xf32>
    %mul3A_85 = arith.mulf %div3A_83, %mul3A_84 : vector<10112x64xf32>
    %add3A_86 = vector.broadcast %get3A_57 : vector<1x64xf32> to vector<10112x64xf32>
    %add3A_87 = arith.addf %mul3A_85, %add3A_86 : vector<10112x64xf32>
    %jit3A_88 = arith.constant 0.000000e+00 : f32
    %broadcast_in_dim3A_89 = vector.shape_cast %lt3A_59 : vector<10112x1xi1> to vector<10112x1xi1>
    %broadcast_in_dim3A_90 = vector.broadcast %broadcast_in_dim3A_89 : vector<10112x1xi1> to vector<10112x64xi1>
    %broadcast_in_dim3A_91 = vector.broadcast %jit3A_88 : f32 to vector<10112x64xf32>
    %select_n3A_92 = arith.select %broadcast_in_dim3A_90, %add3A_87, %broadcast_in_dim3A_91 : vector<10112x64xi1>, vector<10112x64xf32>
    %max3A_93 = arith.constant 0.000000e+00 : f32
    %max3A_94 = vector.broadcast %max3A_93 : f32 to vector<10112x64xf32>
    %max3A_95 = arith.maximumf %select_n3A_92, %max3A_94 : vector<10112x64xf32>
    %swap3A = arith.constant 0 : index
    %swap3A_96 = arith.constant 0 : index
    %swap3A_97 = vector.load %arg10[%swap3A, %swap3A_96] : memref<10112x64xf32, #tpu.memory_space<vmem>>, vector<10112x64xf32>
    tpu.vector_store %arg10[%swap3A, %swap3A_96], %max3A_95 {strides = array<i32>} : memref<10112x64xf32, #tpu.memory_space<vmem>>, vector<10112x64xf32>,
    return
  }
}

module attributes {stable_mosaic.version = 14 : i64} {
  func.func @_layer_body(%arg0: memref<10112x64xf32, #tpu.memory_space<vmem>>, %arg1: memref<2x10112x64xf32, #tpu.memory_space<vmem>>, %arg2: memref<64x128xf32, #tpu.memory_space<vmem>>, %arg3: memref<1x128xf32, #tpu.memory_space<vmem>>, %arg4: memref<128x64xf32, #tpu.memory_space<vmem>>, %arg5: memref<1x64xf32, #tpu.memory_space<vmem>>, %arg6: memref<1x64xf32, #tpu.memory_space<vmem>>, %arg7: memref<1x64xf32, #tpu.memory_space<vmem>>, %arg8: memref<1x1xf32, #tpu.memory_space<vmem>>, %arg9: memref<10112x64xf32, #tpu.memory_space<vmem>>) attributes {dimension_semantics = [], scalar_prefetch = 0 : i64, scratch_operands = 0 : i64, tpu.core_type = #tpu.core_type<tc>} {
    %get3A = arith.constant 0 : index
    %get3A_0 = arith.constant 0 : index
    %get3A_1 = vector.load %arg8[%get3A, %get3A_0] : memref<1x1xf32, #tpu.memory_space<vmem>>, vector<1x1xf32>
    %get3A_2 = vector.extract %get3A_1[0, 0] : f32 from vector<1x1xf32>
    %add3A = arith.constant 1.000000e+00 : f32
    %add3A_3 = arith.addf %add3A, %get3A_2 : f32
    %get3A_4 = arith.constant 0 : index
    %get3A_5 = arith.constant 0 : index
    %get3A_6 = vector.load %arg0[%get3A_4, %get3A_5] : memref<10112x64xf32, #tpu.memory_space<vmem>>, vector<10112x64xf32>
    %mul3A = vector.broadcast %add3A_3 : f32 to vector<10112x64xf32>
    %mul3A_7 = arith.mulf %mul3A, %get3A_6 : vector<10112x64xf32>
    %get3A_8 = arith.constant 0 : index
    %get3A_9 = arith.constant 0 : index
    %get3A_10 = arith.constant 0 : index
    %get3A_11 = vector.load %arg1[%get3A_8, %get3A_9, %get3A_10] : memref<2x10112x64xf32, #tpu.memory_space<vmem>>, vector<1x10112x64xf32>
    %get3A_12 = vector.shape_cast %get3A_11 : vector<1x10112x64xf32> to vector<10112x64xf32>
    %add3A_13 = arith.addf %mul3A_7, %get3A_12 : vector<10112x64xf32>
    %get3A_14 = arith.constant 1 : index
    %get3A_15 = arith.constant 0 : index
    %get3A_16 = arith.constant 0 : index
    %get3A_17 = vector.load %arg1[%get3A_14, %get3A_15, %get3A_16] : memref<2x10112x64xf32, #tpu.memory_space<vmem>>, vector<1x10112x64xf32>
    %get3A_18 = vector.shape_cast %get3A_17 : vector<1x10112x64xf32> to vector<10112x64xf32>
    %add3A_19 = arith.addf %add3A_13, %get3A_18 : vector<10112x64xf32>
    %get3A_20 = arith.constant 0 : index
    %get3A_21 = arith.constant 0 : index
    %get3A_22 = vector.load %arg2[%get3A_20, %get3A_21] : memref<64x128xf32, #tpu.memory_space<vmem>>, vector<64x128xf32>
    %dot_general3A = arith.constant dense<0.000000e+00> : vector<10112x128xf32>
    %dot_general3A_23 = tpu.matmul %add3A_19, %get3A_22, %dot_general3A {dimension_numbers = #tpu.dot_dimension_numbers<[1], [0], [0], [1], [0, 0, 1, 1], [], []>, transpose_lhs_hint = false} : vector<10112x64xf32>, vector<64x128xf32>, vector<10112x128xf32> -> vector<10112x128xf32>
    %get3A_24 = arith.constant 0 : index
    %get3A_25 = arith.constant 0 : index
    %get3A_26 = vector.load %arg3[%get3A_24, %get3A_25] : memref<1x128xf32, #tpu.memory_space<vmem>>, vector<1x128xf32>
    %add3A_27 = vector.broadcast %get3A_26 : vector<1x128xf32> to vector<10112x128xf32>
    %add3A_28 = arith.addf %dot_general3A_23, %add3A_27 : vector<10112x128xf32>
    %max3A = arith.constant 0.000000e+00 : f32
    %max3A_29 = vector.broadcast %max3A : f32 to vector<10112x128xf32>
    %max3A_30 = arith.maximumf %add3A_28, %max3A_29 : vector<10112x128xf32>
    %get3A_31 = arith.constant 0 : index
    %get3A_32 = arith.constant 0 : index
    %get3A_33 = vector.load %arg4[%get3A_31, %get3A_32] : memref<128x64xf32, #tpu.memory_space<vmem>>, vector<128x64xf32>
    %dot_general3A_34 = arith.constant dense<0.000000e+00> : vector<10112x64xf32>
    %dot_general3A_35 = tpu.matmul %max3A_30, %get3A_33, %dot_general3A_34 {dimension_numbers = #tpu.dot_dimension_numbers<[1], [0], [0], [1], [0, 0, 1, 1], [], []>, transpose_lhs_hint = false} : vector<10112x128xf32>, vector<128x64xf32>, vector<10112x64xf32> -> vector<10112x64xf32>
    %get3A_36 = arith.constant 0 : index
    %get3A_37 = arith.constant 0 : index
    %get3A_38 = vector.load %arg5[%get3A_36, %get3A_37] : memref<1x64xf32, #tpu.memory_space<vmem>>, vector<1x64xf32>
    %add3A_39 = vector.broadcast %get3A_38 : vector<1x64xf32> to vector<10112x64xf32>
    %add3A_40 = arith.addf %dot_general3A_35, %add3A_39 : vector<10112x64xf32>
    %get3A_41 = arith.constant 0 : index
    %get3A_42 = arith.constant 0 : index
    %get3A_43 = vector.load %arg6[%get3A_41, %get3A_42] : memref<1x64xf32, #tpu.memory_space<vmem>>, vector<1x64xf32>
    %get3A_44 = arith.constant 0 : index
    %get3A_45 = arith.constant 0 : index
    %get3A_46 = vector.load %arg7[%get3A_44, %get3A_45] : memref<1x64xf32, #tpu.memory_space<vmem>>, vector<1x64xf32>
    %iota3A = tpu.iota {dimensions = array<i32: 0>} : vector<10112x1xi32>
    %lt3A = arith.constant 10000 : i32
    %lt3A_47 = vector.broadcast %lt3A : i32 to vector<10112x1xi32>
    %lt3A_48 = arith.cmpi slt, %iota3A, %lt3A_47 : vector<10112x1xi32>
    %jit3A = arith.constant 0.000000e+00 : f32
    %broadcast_in_dim3A = vector.shape_cast %lt3A_48 : vector<10112x1xi1> to vector<10112x1xi1>
    %broadcast_in_dim3A_49 = vector.broadcast %broadcast_in_dim3A : vector<10112x1xi1> to vector<10112x64xi1>
    %broadcast_in_dim3A_50 = vector.broadcast %jit3A : f32 to vector<10112x64xf32>
    %select_n3A = arith.select %broadcast_in_dim3A_49, %add3A_40, %broadcast_in_dim3A_50 : vector<10112x64xi1>, vector<10112x64xf32>
    %reduce_sum3A = arith.constant dense<0.000000e+00> : vector<64xf32>
    %reduce_sum3A_51 = vector.multi_reduction <add>, %select_n3A, %reduce_sum3A [0] : vector<10112x64xf32> to vector<64xf32>
    %broadcast_in_dim3A_52 = vector.shape_cast %reduce_sum3A_51 : vector<64xf32> to vector<1x64xf32>
    %mul3A_53 = arith.constant 9.99999974E-5 : f32
    %mul3A_54 = vector.broadcast %mul3A_53 : f32 to vector<1x64xf32>
    %mul3A_55 = arith.mulf %broadcast_in_dim3A_52, %mul3A_54 : vector<1x64xf32>
    %sub3A = vector.broadcast %mul3A_55 : vector<1x64xf32> to vector<10112x64xf32>
    %sub3A_56 = arith.subf %select_n3A, %sub3A : vector<10112x64xf32>
    %jit3A_57 = arith.constant 0.000000e+00 : f32
    %broadcast_in_dim3A_58 = vector.shape_cast %lt3A_48 : vector<10112x1xi1> to vector<10112x1xi1>
    %broadcast_in_dim3A_59 = vector.broadcast %broadcast_in_dim3A_58 : vector<10112x1xi1> to vector<10112x64xi1>
    %broadcast_in_dim3A_60 = vector.broadcast %jit3A_57 : f32 to vector<10112x64xf32>
    %select_n3A_61 = arith.select %broadcast_in_dim3A_59, %sub3A_56, %broadcast_in_dim3A_60 : vector<10112x64xi1>, vector<10112x64xf32>
    %mul3A_62 = arith.mulf %select_n3A_61, %select_n3A_61 : vector<10112x64xf32>
    %reduce_sum3A_63 = arith.constant dense<0.000000e+00> : vector<64xf32>
    %reduce_sum3A_64 = vector.multi_reduction <add>, %mul3A_62, %reduce_sum3A_63 [0] : vector<10112x64xf32> to vector<64xf32>
    %broadcast_in_dim3A_65 = vector.shape_cast %reduce_sum3A_64 : vector<64xf32> to vector<1x64xf32>
    %mul3A_66 = arith.constant 9.99999974E-5 : f32
    %mul3A_67 = vector.broadcast %mul3A_66 : f32 to vector<1x64xf32>
    %mul3A_68 = arith.mulf %broadcast_in_dim3A_65, %mul3A_67 : vector<1x64xf32>
    %add3A_69 = arith.constant 9.99999974E-6 : f32
    %add3A_70 = vector.broadcast %add3A_69 : f32 to vector<1x64xf32>
    %add3A_71 = arith.addf %mul3A_68, %add3A_70 : vector<1x64xf32>
    %sqrt3A = math.sqrt %add3A_71 : vector<1x64xf32>
    %div3A = vector.broadcast %sqrt3A : vector<1x64xf32> to vector<10112x64xf32>
    %div3A_72 = arith.divf %select_n3A_61, %div3A : vector<10112x64xf32>
    %mul3A_73 = vector.broadcast %get3A_43 : vector<1x64xf32> to vector<10112x64xf32>
    %mul3A_74 = arith.mulf %div3A_72, %mul3A_73 : vector<10112x64xf32>
    %add3A_75 = vector.broadcast %get3A_46 : vector<1x64xf32> to vector<10112x64xf32>
    %add3A_76 = arith.addf %mul3A_74, %add3A_75 : vector<10112x64xf32>
    %jit3A_77 = arith.constant 0.000000e+00 : f32
    %broadcast_in_dim3A_78 = vector.shape_cast %lt3A_48 : vector<10112x1xi1> to vector<10112x1xi1>
    %broadcast_in_dim3A_79 = vector.broadcast %broadcast_in_dim3A_78 : vector<10112x1xi1> to vector<10112x64xi1>
    %broadcast_in_dim3A_80 = vector.broadcast %jit3A_77 : f32 to vector<10112x64xf32>
    %select_n3A_81 = arith.select %broadcast_in_dim3A_79, %add3A_76, %broadcast_in_dim3A_80 : vector<10112x64xi1>, vector<10112x64xf32>
    %max3A_82 = arith.constant 0.000000e+00 : f32
    %max3A_83 = vector.broadcast %max3A_82 : f32 to vector<10112x64xf32>
    %max3A_84 = arith.maximumf %select_n3A_81, %max3A_83 : vector<10112x64xf32>
    %swap3A = arith.constant 0 : index
    %swap3A_85 = arith.constant 0 : index
    %swap3A_86 = vector.load %arg9[%swap3A, %swap3A_85] : memref<10112x64xf32, #tpu.memory_space<vmem>>, vector<10112x64xf32>
    tpu.vector_store %arg9[%swap3A, %swap3A_85], %max3A_84 {strides = array<i32>} : memref<10112x64xf32, #tpu.memory_space<vmem>>, vector<10112x64xf32>,
    return
  }
}

module attributes {stable_mosaic.version = 14 : i64} {
  func.func @_last_body(%arg0: memref<10112x64xf32, #tpu.memory_space<vmem>>, %arg1: memref<2x10112x64xf32, #tpu.memory_space<vmem>>, %arg2: memref<64x128xf32, #tpu.memory_space<vmem>>, %arg3: memref<1x128xf32, #tpu.memory_space<vmem>>, %arg4: memref<128x64xf32, #tpu.memory_space<vmem>>, %arg5: memref<1x64xf32, #tpu.memory_space<vmem>>, %arg6: memref<1x64xf32, #tpu.memory_space<vmem>>, %arg7: memref<1x64xf32, #tpu.memory_space<vmem>>, %arg8: memref<1x1xf32, #tpu.memory_space<vmem>>, %arg9: memref<10112x1xi32, #tpu.memory_space<vmem>>, %arg10: memref<64x64xf32, #tpu.memory_space<vmem>>, %arg11: memref<64x10xf32, #tpu.memory_space<vmem>>, %arg12: memref<128x10xf32, #tpu.memory_space<vmem>>) attributes {dimension_semantics = [], scalar_prefetch = 0 : i64, scratch_operands = 0 : i64, tpu.core_type = #tpu.core_type<tc>} {
    %get3A = arith.constant 0 : index
    %get3A_0 = arith.constant 0 : index
    %get3A_1 = vector.load %arg8[%get3A, %get3A_0] : memref<1x1xf32, #tpu.memory_space<vmem>>, vector<1x1xf32>
    %get3A_2 = vector.extract %get3A_1[0, 0] : f32 from vector<1x1xf32>
    %add3A = arith.constant 1.000000e+00 : f32
    %add3A_3 = arith.addf %add3A, %get3A_2 : f32
    %get3A_4 = arith.constant 0 : index
    %get3A_5 = arith.constant 0 : index
    %get3A_6 = vector.load %arg0[%get3A_4, %get3A_5] : memref<10112x64xf32, #tpu.memory_space<vmem>>, vector<10112x64xf32>
    %mul3A = vector.broadcast %add3A_3 : f32 to vector<10112x64xf32>
    %mul3A_7 = arith.mulf %mul3A, %get3A_6 : vector<10112x64xf32>
    %get3A_8 = arith.constant 0 : index
    %get3A_9 = arith.constant 0 : index
    %get3A_10 = arith.constant 0 : index
    %get3A_11 = vector.load %arg1[%get3A_8, %get3A_9, %get3A_10] : memref<2x10112x64xf32, #tpu.memory_space<vmem>>, vector<1x10112x64xf32>
    %get3A_12 = vector.shape_cast %get3A_11 : vector<1x10112x64xf32> to vector<10112x64xf32>
    %add3A_13 = arith.addf %mul3A_7, %get3A_12 : vector<10112x64xf32>
    %get3A_14 = arith.constant 1 : index
    %get3A_15 = arith.constant 0 : index
    %get3A_16 = arith.constant 0 : index
    %get3A_17 = vector.load %arg1[%get3A_14, %get3A_15, %get3A_16] : memref<2x10112x64xf32, #tpu.memory_space<vmem>>, vector<1x10112x64xf32>
    %get3A_18 = vector.shape_cast %get3A_17 : vector<1x10112x64xf32> to vector<10112x64xf32>
    %add3A_19 = arith.addf %add3A_13, %get3A_18 : vector<10112x64xf32>
    %get3A_20 = arith.constant 0 : index
    %get3A_21 = arith.constant 0 : index
    %get3A_22 = vector.load %arg2[%get3A_20, %get3A_21] : memref<64x128xf32, #tpu.memory_space<vmem>>, vector<64x128xf32>
    %dot_general3A = arith.constant dense<0.000000e+00> : vector<10112x128xf32>
    %dot_general3A_23 = tpu.matmul %add3A_19, %get3A_22, %dot_general3A {dimension_numbers = #tpu.dot_dimension_numbers<[1], [0], [0], [1], [0, 0, 1, 1], [], []>, transpose_lhs_hint = false} : vector<10112x64xf32>, vector<64x128xf32>, vector<10112x128xf32> -> vector<10112x128xf32>
    %get3A_24 = arith.constant 0 : index
    %get3A_25 = arith.constant 0 : index
    %get3A_26 = vector.load %arg3[%get3A_24, %get3A_25] : memref<1x128xf32, #tpu.memory_space<vmem>>, vector<1x128xf32>
    %add3A_27 = vector.broadcast %get3A_26 : vector<1x128xf32> to vector<10112x128xf32>
    %add3A_28 = arith.addf %dot_general3A_23, %add3A_27 : vector<10112x128xf32>
    %max3A = arith.constant 0.000000e+00 : f32
    %max3A_29 = vector.broadcast %max3A : f32 to vector<10112x128xf32>
    %max3A_30 = arith.maximumf %add3A_28, %max3A_29 : vector<10112x128xf32>
    %get3A_31 = arith.constant 0 : index
    %get3A_32 = arith.constant 0 : index
    %get3A_33 = vector.load %arg4[%get3A_31, %get3A_32] : memref<128x64xf32, #tpu.memory_space<vmem>>, vector<128x64xf32>
    %dot_general3A_34 = arith.constant dense<0.000000e+00> : vector<10112x64xf32>
    %dot_general3A_35 = tpu.matmul %max3A_30, %get3A_33, %dot_general3A_34 {dimension_numbers = #tpu.dot_dimension_numbers<[1], [0], [0], [1], [0, 0, 1, 1], [], []>, transpose_lhs_hint = false} : vector<10112x128xf32>, vector<128x64xf32>, vector<10112x64xf32> -> vector<10112x64xf32>
    %get3A_36 = arith.constant 0 : index
    %get3A_37 = arith.constant 0 : index
    %get3A_38 = vector.load %arg5[%get3A_36, %get3A_37] : memref<1x64xf32, #tpu.memory_space<vmem>>, vector<1x64xf32>
    %add3A_39 = vector.broadcast %get3A_38 : vector<1x64xf32> to vector<10112x64xf32>
    %add3A_40 = arith.addf %dot_general3A_35, %add3A_39 : vector<10112x64xf32>
    %get3A_41 = arith.constant 0 : index
    %get3A_42 = arith.constant 0 : index
    %get3A_43 = vector.load %arg6[%get3A_41, %get3A_42] : memref<1x64xf32, #tpu.memory_space<vmem>>, vector<1x64xf32>
    %get3A_44 = arith.constant 0 : index
    %get3A_45 = arith.constant 0 : index
    %get3A_46 = vector.load %arg7[%get3A_44, %get3A_45] : memref<1x64xf32, #tpu.memory_space<vmem>>, vector<1x64xf32>
    %iota3A = tpu.iota {dimensions = array<i32: 0>} : vector<10112x1xi32>
    %lt3A = arith.constant 10000 : i32
    %lt3A_47 = vector.broadcast %lt3A : i32 to vector<10112x1xi32>
    %lt3A_48 = arith.cmpi slt, %iota3A, %lt3A_47 : vector<10112x1xi32>
    %jit3A = arith.constant 0.000000e+00 : f32
    %broadcast_in_dim3A = vector.shape_cast %lt3A_48 : vector<10112x1xi1> to vector<10112x1xi1>
    %broadcast_in_dim3A_49 = vector.broadcast %broadcast_in_dim3A : vector<10112x1xi1> to vector<10112x64xi1>
    %broadcast_in_dim3A_50 = vector.broadcast %jit3A : f32 to vector<10112x64xf32>
    %select_n3A = arith.select %broadcast_in_dim3A_49, %add3A_40, %broadcast_in_dim3A_50 : vector<10112x64xi1>, vector<10112x64xf32>
    %reduce_sum3A = arith.constant dense<0.000000e+00> : vector<64xf32>
    %reduce_sum3A_51 = vector.multi_reduction <add>, %select_n3A, %reduce_sum3A [0] : vector<10112x64xf32> to vector<64xf32>
    %broadcast_in_dim3A_52 = vector.shape_cast %reduce_sum3A_51 : vector<64xf32> to vector<1x64xf32>
    %mul3A_53 = arith.constant 9.99999974E-5 : f32
    %mul3A_54 = vector.broadcast %mul3A_53 : f32 to vector<1x64xf32>
    %mul3A_55 = arith.mulf %broadcast_in_dim3A_52, %mul3A_54 : vector<1x64xf32>
    %sub3A = vector.broadcast %mul3A_55 : vector<1x64xf32> to vector<10112x64xf32>
    %sub3A_56 = arith.subf %select_n3A, %sub3A : vector<10112x64xf32>
    %jit3A_57 = arith.constant 0.000000e+00 : f32
    %broadcast_in_dim3A_58 = vector.shape_cast %lt3A_48 : vector<10112x1xi1> to vector<10112x1xi1>
    %broadcast_in_dim3A_59 = vector.broadcast %broadcast_in_dim3A_58 : vector<10112x1xi1> to vector<10112x64xi1>
    %broadcast_in_dim3A_60 = vector.broadcast %jit3A_57 : f32 to vector<10112x64xf32>
    %select_n3A_61 = arith.select %broadcast_in_dim3A_59, %sub3A_56, %broadcast_in_dim3A_60 : vector<10112x64xi1>, vector<10112x64xf32>
    %mul3A_62 = arith.mulf %select_n3A_61, %select_n3A_61 : vector<10112x64xf32>
    %reduce_sum3A_63 = arith.constant dense<0.000000e+00> : vector<64xf32>
    %reduce_sum3A_64 = vector.multi_reduction <add>, %mul3A_62, %reduce_sum3A_63 [0] : vector<10112x64xf32> to vector<64xf32>
    %broadcast_in_dim3A_65 = vector.shape_cast %reduce_sum3A_64 : vector<64xf32> to vector<1x64xf32>
    %mul3A_66 = arith.constant 9.99999974E-5 : f32
    %mul3A_67 = vector.broadcast %mul3A_66 : f32 to vector<1x64xf32>
    %mul3A_68 = arith.mulf %broadcast_in_dim3A_65, %mul3A_67 : vector<1x64xf32>
    %add3A_69 = arith.constant 9.99999974E-6 : f32
    %add3A_70 = vector.broadcast %add3A_69 : f32 to vector<1x64xf32>
    %add3A_71 = arith.addf %mul3A_68, %add3A_70 : vector<1x64xf32>
    %sqrt3A = math.sqrt %add3A_71 : vector<1x64xf32>
    %div3A = vector.broadcast %sqrt3A : vector<1x64xf32> to vector<10112x64xf32>
    %div3A_72 = arith.divf %select_n3A_61, %div3A : vector<10112x64xf32>
    %mul3A_73 = vector.broadcast %get3A_43 : vector<1x64xf32> to vector<10112x64xf32>
    %mul3A_74 = arith.mulf %div3A_72, %mul3A_73 : vector<10112x64xf32>
    %add3A_75 = vector.broadcast %get3A_46 : vector<1x64xf32> to vector<10112x64xf32>
    %add3A_76 = arith.addf %mul3A_74, %add3A_75 : vector<10112x64xf32>
    %jit3A_77 = arith.constant 0.000000e+00 : f32
    %broadcast_in_dim3A_78 = vector.shape_cast %lt3A_48 : vector<10112x1xi1> to vector<10112x1xi1>
    %broadcast_in_dim3A_79 = vector.broadcast %broadcast_in_dim3A_78 : vector<10112x1xi1> to vector<10112x64xi1>
    %broadcast_in_dim3A_80 = vector.broadcast %jit3A_77 : f32 to vector<10112x64xf32>
    %select_n3A_81 = arith.select %broadcast_in_dim3A_79, %add3A_76, %broadcast_in_dim3A_80 : vector<10112x64xi1>, vector<10112x64xf32>
    %iota3A_82 = tpu.iota {dimensions = array<i32: 1>} : vector<10112x128xi32>
    %get3A_83 = arith.constant 0 : index
    %get3A_84 = arith.constant 0 : index
    %get3A_85 = vector.load %arg9[%get3A_83, %get3A_84] : memref<10112x1xi32, #tpu.memory_space<vmem>>, vector<10112x1xi32>
    %eq3A = vector.broadcast %get3A_85 : vector<10112x1xi32> to vector<10112x128xi32>
    %eq3A_86 = arith.cmpi eq, %eq3A, %iota3A_82 : vector<10112x128xi32>
    %convert_element_type3A = arith.extui %eq3A_86 : vector<10112x128xi1> to vector<10112x128xi32>
    %convert_element_type3A_87 = arith.sitofp %convert_element_type3A : vector<10112x128xi32> to vector<10112x128xf32>
    %dot_general3A_88 = arith.constant dense<0.000000e+00> : vector<128x64xf32>
    %dot_general3A_89 = tpu.matmul %convert_element_type3A_87, %select_n3A_81, %dot_general3A_88 {dimension_numbers = #tpu.dot_dimension_numbers<[0], [0], [1], [1], [0, 1, 1, 1], [], []>, precision = #tpu.contract_precision<fp32>, transpose_lhs_hint = false} : vector<10112x128xf32>, vector<10112x64xf32>, vector<128x64xf32> -> vector<128x64xf32>
    %reduce_sum3A_90 = arith.constant dense<0.000000e+00> : vector<128xf32>
    %reduce_sum3A_91 = vector.multi_reduction <add>, %convert_element_type3A_87, %reduce_sum3A_90 [0] : vector<10112x128xf32> to vector<128xf32>
    %broadcast_in_dim3A_92 = vector.shape_cast %reduce_sum3A_91 : vector<128xf32> to vector<1x128xf32>
    %max3A_93 = arith.constant 1.000000e+00 : f32
    %max3A_94 = vector.broadcast %max3A_93 : f32 to vector<1x128xf32>
    %max3A_95 = arith.maximumf %broadcast_in_dim3A_92, %max3A_94 : vector<1x128xf32>
    %transpose3A = tpu.transpose %max3A_95, [1, 0] : vector<1x128xf32> -> vector<128x1xf32>
    %div3A_96 = vector.broadcast %transpose3A : vector<128x1xf32> to vector<128x64xf32>
    %div3A_97 = arith.divf %dot_general3A_89, %div3A_96 : vector<128x64xf32>
    %get3A_98 = arith.constant 0 : index
    %get3A_99 = arith.constant 0 : index
    %get3A_100 = vector.load %arg10[%get3A_98, %get3A_99] : memref<64x64xf32, #tpu.memory_space<vmem>>, vector<64x64xf32>
    %dot_general3A_101 = arith.constant dense<0.000000e+00> : vector<128x64xf32>
    %dot_general3A_102 = tpu.matmul %div3A_97, %get3A_100, %dot_general3A_101 {dimension_numbers = #tpu.dot_dimension_numbers<[1], [0], [0], [1], [0, 0, 1, 1], [], []>, transpose_lhs_hint = false} : vector<128x64xf32>, vector<64x64xf32>, vector<128x64xf32> -> vector<128x64xf32>
    %get3A_103 = arith.constant 0 : index
    %get3A_104 = arith.constant 0 : index
    %get3A_105 = vector.load %arg11[%get3A_103, %get3A_104] : memref<64x10xf32, #tpu.memory_space<vmem>>, vector<64x10xf32>
    %dot_general3A_106 = arith.constant dense<0.000000e+00> : vector<128x10xf32>
    %dot_general3A_107 = tpu.matmul %dot_general3A_102, %get3A_105, %dot_general3A_106 {dimension_numbers = #tpu.dot_dimension_numbers<[1], [0], [0], [1], [0, 0, 1, 1], [], []>, transpose_lhs_hint = false} : vector<128x64xf32>, vector<64x10xf32>, vector<128x10xf32> -> vector<128x10xf32>
    %swap3A = arith.constant 0 : index
    %swap3A_108 = arith.constant 0 : index
    %swap3A_109 = vector.load %arg12[%swap3A, %swap3A_108] : memref<128x10xf32, #tpu.memory_space<vmem>>, vector<128x10xf32>
    tpu.vector_store %arg12[%swap3A, %swap3A_108], %dot_general3A_107 {strides = array<i32>} : memref<128x10xf32, #tpu.memory_space<vmem>>, vector<128x10xf32>,
    return
  }
}

</mosaic_0001>

<sc_bundles>
// kernel: kernel.13.cloned.1.call-start
scs
__scs_entry_jumppad:
0x0: {  	(pc) =	sbr.rel $0x88, $3  }
0x1: {  	(tag) =	ssettag $0x0;
	lr =	simm.s32 $0x1  }
0x2: {  	[smem:$0x3F79] =	sst lr;
	_ =	strace $0xD0000000  }
0x3: {  	_ = 	snop  }
0x4: {  	_ = 	snop  }
0x5: {  	_ = 	snop  }
0x6: {  	_ = 	snop  }
0x7: {  	_ = 	snop  }
__scs_overlays_trampoline_lowered:
0x8: {  	[smem:$0x3F88] =	sst s0  }
0x9: {  	[smem:$0x3F89] =	sst s1  }
0xa: {  	[smem:$0x3F8A] =	sst s2  }
0xb: {  	[smem:$0x3F8B] =	sst s3  }
0xc: {  	[smem:$0x3F8C] =	sst s4  }
0xd: {  	[smem:$0x3F8D] =	sst s5  }
0xe: {  	[smem:$0x3F8E] =	sst s6  }
0xf: {  	[smem:$0x3F8F] =	sst s7  }
0x10: {  	[smem:$0x3F90] =	sst s8  }
0x11: {  	[smem:$0x3F91] =	sst s9;
	s0 =	simm.s32 @!p0 $0x0  }
0x12: {  	s1 =	sld [smem:$0x3F77];
	s0 =	simm.s32 @p0 $0x1  }
0x13: {  	[smem:$0x3F92] =	sst s0;
	s0 =	simm.s32 @!p1 $0x0  }
0x14: {  	s2 =	sld [smem:$0x3F76];
	s0 =	simm.s32 @p1 $0x1  }
0x15: {  	[smem:$0x3F93] =	sst s0;
	s0 =	simm.s32 @!p2 $0x0  }
0x16: {  	s3 =	sld [smem:$0x3FDB];
	s0 =	simm.s32 @p2 $0x1  }
0x17: {  	s4 =	simm.s32 $0x1BF5;
	[smem:$0x3F95] =	sst s0  }
0x18: {  	s0 =	sld [smem:$0x3F78];
	_ =	swait.ge [sflag:s4], $0x0  }
0x19: {  	s7 =	sld [smem:$0x3F79]  }
0x1a: {  	s8 =	sadd.s32 $0xFFFFE003, lr  }
0x1b: {  	s9 =	sadd.s32 $0xFFFFFEF7, lr;
	s5 =	simm.s32 $0xFFFFFFFF;
	p2 =	slt.u32 s8, $0xFFFFF086  }
0x1c: {  	p1 =	slt.u32 s9, $0xF7A;
	s5 =	simm.s32 @!p2 $0x0  }
0x1d: {  	s5 =	simm.s32 @p1 $0x1;
	p0 =	seq.s32 s7, s2  }
0x1e: {  	s7 =	smul.u32 @!p0 $0xF7A, s2;
	p2 =	seq.s32 @!p0 s5, $0x0  }
0x1f: {  	s9 =	smul.u32 $0xF7A, s1;
	s8 =	simm.s32 @!p0 $0x1BF5;
	p2 =	por !p2, p0  }
0x20: {  	[sflag:s8] =	ssyncset.s32 @!p0 $0xFFFFF086;
	s6 =	sadd.s32 @!p0 s3, s7;
	s7 =	simm.s32 @!p0 $0x108  }
0x21: {  	s3 =	sadd.s32 s3, s9;
	s6 =	sadd.s32 @!p0 $0x88, s6;
	s7 =	simm.s32 @p2 $0x1082  }
0x22: {  	[simem:s7], [sflag:s8] =	dma.local @!p0 [hbm:s6], $0xF7A  }
0x23: {  	s9 =	sor.u32 $0xD0000000, s2;
	s6 =	simm.s32 $0x108;
	_ =	swait.ge @!p0 [sflag:s8], $0x0  }
0x24: {  	s3 =	sadd.s32 $0x88, s3;
	s6 =	simm.s32 @!p1 $0x1082;
	[sflag:s4] =	ssyncset.s32 $0xFFFFF086  }
0x25: {  	[simem:s6], [sflag:s4] =	dma.local [hbm:s3], $0xF7A  }
0x26: {  	[smem:$0x3F79] =	sst s1;
	(tag) =	ssettag s2;
	_ =	strace s9  }
0x27: {  	s1 =	sld [smem:$0x3F89]  }
0x28: {  	s2 =	sld [smem:$0x3F8A]  }
0x29: {  	s4 =	sld [smem:$0x3F8C]  }
0x2a: {  	p0 =	seq.s32 s5, $0x0;
	s5 =	sld [smem:$0x3F8D]  }
0x2b: {  	s6 =	sld [smem:$0x3F8E]  }
0x2c: {  	s7 =	sld [smem:$0x3F8F]  }
0x2d: {  	s3 =	simm.s32 $0x108;
	s8 =	sld [smem:$0x3F90]  }
0x2e: {  	s3 =	simm.s32 @!p0 $0x1082;
	s9 =	sld [smem:$0x3F91]  }
0x2f: {  	lr =	sadd.s32 s0, s3;
	s0 =	sld [smem:$0x3F88]  }
0x30: {  	s3 =	sld [smem:$0x3F8B]  }
0x31: {  	[smem:$0x3F94] =	sst s10  }
0x32: {  	s10 =	sld [smem:$0x3F92];
	_ =	sdelay $0x3  }
0x33: {  	p0 =	seq.s32 s10, $0x1;
	s10 =	sld [smem:$0x3F94];
	_ =	sdelay $0x3  }
0x34: {  	[smem:$0x3F94] =	sst s10  }
0x35: {  	s10 =	sld [smem:$0x3F93];
	_ =	sdelay $0x3  }
0x36: {  	p1 =	seq.s32 s10, $0x1;
	s10 =	sld [smem:$0x3F94];
	_ =	sdelay $0x3  }
0x37: {  	[smem:$0x3F94] =	sst s10  }
0x38: {  	s10 =	sld [smem:$0x3F95]  }
0x39: {  	_ = 	snop;
	(pc) =	sbr.ind lr, $3  }
0x3a: {  	_ = 	snop  }
0x3b: {  	_ = 	snop  }
0x3c: {  	p2 =	seq.s32 s10, $0x1;
	s10 =	sld [smem:$0x3F94]  }
0x3d: {  	_ =	shalt  }
0x3e: {  	_ =	shalt  }
0x3f: {  	_ =	shalt  }
0x40: {  	_ =	shalt  }
0x41: {  	_ =	shalt  }
0x42: {  	_ =	shalt  }
0x43: {  	_ =	shalt  }
0x44: {  	_ =	shalt  }
0x45: {  	_ =	shalt  }
0x46: {  	_ =	shalt  }
0x47: {  	_ =	shalt  }
0x48: {  	_ =	shalt  }
0x49: {  	_ =	shalt  }
0x4a: {  	_ =	shalt  }
0x4b: {  	_ =	shalt  }
0x4c: {  	_ =	shalt  }
0x4d: {  	_ =	shalt  }
0x4e: {  	_ =	shalt  }
0x4f: {  	_ =	shalt  }
0x50: {  	_ =	shalt  }
0x51: {  	_ =	shalt  }
0x52: {  	_ =	shalt  }
0x53: {  	_ =	shalt  }
0x54: {  	_ =	shalt  }
0x55: {  	_ =	shalt  }
0x56: {  	_ =	shalt  }
0x57: {  	_ =	shalt  }
0x58: {  	_ =	shalt  }
0x59: {  	_ =	shalt  }
0x5a: {  	_ =	shalt  }
0x5b: {  	_ =	shalt  }
0x5c: {  	_ =	shalt  }
0x5d: {  	_ =	shalt  }
0x5e: {  	_ =	shalt  }
0x5f: {  	_ =	shalt  }
0x60: {  	_ =	shalt  }
0x61: {  	_ =	shalt  }
0x62: {  	_ =	shalt  }
0x63: {  	_ =	shalt  }
0x64: {  	_ =	shalt  }
0x65: {  	_ =	shalt  }
0x66: {  	_ =	shalt  }
0x67: {  	_ =	shalt  }
0x68: {  	_ =	shalt  }
0x69: {  	_ =	shalt  }
0x6a: {  	_ =	shalt  }
0x6b: {  	_ =	shalt  }
0x6c: {  	_ =	shalt  }
0x6d: {  	_ =	shalt  }
0x6e: {  	_ =	shalt  }
0x6f: {  	_ =	shalt  }
0x70: {  	_ =	shalt  }
0x71: {  	_ =	shalt  }
0x72: {  	_ =	shalt  }
0x73: {  	_ =	shalt  }
0x74: {  	_ =	shalt  }
0x75: {  	_ =	shalt  }
0x76: {  	_ =	shalt  }
0x77: {  	_ =	shalt  }
0x78: {  	_ =	shalt  }
0x79: {  	_ =	shalt  }
0x7a: {  	_ =	shalt  }
0x7b: {  	_ =	shalt  }
0x7c: {  	_ =	shalt  }
0x7d: {  	_ =	shalt  }
0x7e: {  	_ =	shalt  }
0x7f: {  	_ =	shalt  }
0x80: {  	_ =	shalt  }
0x81: {  	_ =	shalt  }
0x82: {  	_ =	shalt  }
0x83: {  	_ =	shalt  }
0x84: {  	_ =	shalt  }
0x85: {  	_ =	shalt  }
0x86: {  	_ =	shalt  }
0x87: {  	_ =	shalt  }
.Lfunc_end0:
.L_simem_size_0:
called_computation_lowered:
.L_overlay_start_0:
0x88: {  	s2 =	sld [smem:$0x3FD9]  }
0x89: {  	s3 =	sld [smem:$0x3FFE];
	_ =	sdelay $0x1  }
0x8a: {  	s1 =	srdreg.scid  }
0x8b: {  	s0 =	sand.u32 $0x1, s1  }
0x8c: {  	s16 =	sshll.u32 s0, $0xA;
	s2 =	sadd.s32 s3, s2  }
0x8d: {  	s2 =	sadd.s32 s2, s16  }
0x8e: {  	[smem:$0x3FA0] =	sst s2  }
0x8f: {  	_ = 	snop  }
0x90: {  	(tm) =	ssettm $0x1  }
0x91: {  	s17 =	sld [smem:$0x3FFB];
	_ =	sdelay $0x3  }
0x92: {  	_ =	strace s17  }
0x93: {  	s2 =	sld [smem:$0x3FFC];
	_ =	sdelay $0x3  }
0x94: {  	_ =	strace s2  }
0x95: {  	s2 =	sld [smem:$0x3FFD];
	_ =	sdelay $0x3  }
0x96: {  	_ =	strace s2  }
0x97: {  	_ =	strace $0x8FFFFFFF  }
0x98: {  	s18 =	sld [smem:$0x3FDB];
	_ =	sdelay $0x1  }
0x99: {  	s19 =	simm.s32 $_scs_section_size  }
0x9a: {  	s4 =	simm.s32 $_size__tile_overlayer_lowered;
	s5 =	simm.s32 $_tile_overlayer_lowered  }
0x9b: {  	s22 =	simm.s32 $0x1BFF;
	s21 =	sshll.u32 s5, $0x1;
	s2 =	sadd.s32 s19, s18  }
0x9c: {  	s6 =	simm.s32 $0x0;
	s20 =	sshll.u32 s4, $0x1;
	s4 =	sadd.s32 s21, s2  }
0x9d: {  	[timem:s6], [sflag:s22] =	dma.local [hbm:s4], s20  }
0x9e: {  	_ =	swait.ge [sflag:s22], s20  }
0x9f: {  	s3 =	ssub.s32 $0x0, s20;
	[sflag:s22] =	ssyncset.done $0x0  }
0xa0: {  	[sflag:s22] =	ssyncadd.s32 s3;
	_ =	sdelay $0x1  }
0xa1: {  	s23 =	simm.s32 $0x1B8B  }
0xa2: {  	_ =	swait.ge [sflag:s23], $0x1  }
0xa3: {  	[sflag:s23] =	ssyncset.done $0x0  }
0xa4: {  	s25 =	simm.s32 $0x1B8E;
	s24 =	sld [smem:$0x3FFE];
	[sflag:s23] =	ssyncadd.s32 $0xFFFFFFFF  }
0xa5: {  	s26 =	simm.s32 $execute0_lowered;
	[smem:$0x3FD2] =	sst s25  }
0xa6: {  	s4 =	sshll.u32 s26, $0x1;
	_ =	strace $0x80000046;
	[dreg:$0x1] =	wrdreg $0xFFFFFFFF  }
0xa7: {  	s28 =	simm.s32 $_size_execute0_lowered;
	s2 =	sadd.s32 s2, s4;
	[dreg:$0x0] =	wrdreg $0x0  }
0xa8: {  	s4 =	sshll.u32 s28, $0x1;
	[dreg:$0x2] =	wrdreg s2  }
0xa9: {  	[dreg:$0x3] =	wrdreg s4  }
0xaa: {  	[dreg:$0x4] =	wrdreg $0xC0  }
0xab: {  	_ =	task [dreg:s6], $0x5FFFF  }
0xac: {  	[dreg:$0x1] =	wrdreg $0xFFFFFFFF  }
0xad: {  	[dreg:$0x0] =	wrdreg $0x60  }
0xae: {  	[dreg:$0x2] =	wrdreg s24  }
0xaf: {  	[dreg:$0x3] =	wrdreg $0x68000  }
0xb0: {  	[dreg:$0x4] =	wrdreg $0x9  }
0xb1: {  	_ =	task.clear_ibuf [dreg:s6], $0x5FFFF;
	_ =	strace $0x90000046  }
0xb2: {  	s29 =	simm.s32 $0x9;
	_ =	strace $0x80000048  }
0xb3: {  	_ =	swait.ge [sflag:s29], $0x1  }
0xb4: {  	[sflag:s29] =	ssyncadd.s32 $0xFFFFFFFF  }
0xb5: {  	_ =	strace $0x90000048  }
0xb6: {  	_ =	sfence  }
0xb7: {  	s30 =	sld [smem:$0x0];
	_ =	sdelay $0x2  }
0xb8: {  	s31 =	sshll.u32 s1, $0xD;
	s1 =	sshrl.u32 s1, $0x2  }
0xb9: {  	s3 =	sand.u32 $0x4000, s31;
	s1 =	sadd.s32 s1, s30  }
0xba: {  	s0 =	sor.u32 s3, s0;
	s1 =	sshll.u32 s1, $0x11  }
0xbb: {  	s0 =	sor.u32 s1, s0  }
0xbc: {  	s0 =	sadd.s32 $0x8F2B, s0  }
0xbd: {  	[sflag:s0] =	ssyncadd.remote.s32 $0x1  }
0xbe: {  	_ =	sfence.sel $0xFFFF  }
0xbf: {  	[dreg:$0x0] =	wrdreg $0xFFFFFFFF;
	(pc) =	sbr.abs _section_cstart, $3  }
0xc0: {  	[dreg:$0x1] =	wrdreg $0xFFFFFFFF  }
0xc1: {  	_ =	task.clear_ibuf [dreg:s6], $0x2FFFF;
	_ =	strace $0x9FFFFFFF  }
0xc2: {  	(tm) =	ssettm $0x7FFFFFFF  }
0xc3: {  	_ =	shalt  }
tec
execute0_lowered:
.L_overlay_start_1:
0x0: {  	(tag) =	ssettag $0x1  }
0x1: {  	s1 =	srdreg.scid  }
0x2: {  	s0 =	stileid.u32;
	s6 =	rddreg [dreg:$0x0]  }
0x3: {  	s2 =	rddreg [dreg:$0x1];
	s3 =	simm.s32 $0x0;
	s14 =	simm.s32 $0x80  }
0x4: {  	s15 =	simm.s32 $0x2800;
	s16 =	simm.s32 $0x1;
	s17 =	simm.s32 $0x0  }
0x5: {  	s5 =	sand.u32 $0x1, s1;
	s28 =	sshll.u32 s0, $0x1;
	s8 =	smul.u32 $0x13C00, s0  }
0x6: {  	[smem:$0x7FF] =	sst s3;
	s4 =	sadd.s32 $0x6000, s6;
	s31 =	sshll.u32 s0, $0x6  }
0x7: {  	s1 =	sor.u32 s5, s28;
	s9 =	smul.u32 $0x13C000, s5;
	s5 =	ssub.s32 $0x2, s5  }
0x8: {  	s7 =	smul.u32 $0x280, s1;
	s1 =	rddreg [dreg:$0x2];
	_ =	strace $0x80000047  }
0x9: {  	s30 =	sshrl.u32 s8, $0x3;
	s11 =	sshrl.u32 s5, $0x1;
	s13 =	sadd.s32 s8, s2  }
0xa: {  	s29 =	sadd.s32 s8, s9;
	s9 =	sadd.s32 s30, s6;
	s11 =	ssub.s32 s5, s11  }
0xb: {  	s10 =	sadd.s32 s7, s6;
	s7 =	sshrl.u32 s29, $0x3;
	s5 =	sadd.s32 $0x5F000, s9  }
0xc: {  	s12 =	sadd.s32 s7, s6;
	s6 =	sor.u32 $0x1C02, s31;
	s7 =	sadd.s32 $0x5A000, s10  }
0xd: {  	s8 =	sadd.s32 $0x55000, s10;
	s10 =	smax.u32 s11, $0x1;
	s11 =	sshrl.u32 s13, $0x3  }
0xe: {  	s13 =	simm.s32 $0x1400;
	s9 =	sadd.s32 $0x86800, s12;
	s12 =	simm.s32 $0x2  }
.LBB2_1:
0xf: {  	[spmem:s11], [sflag:s6] =	dma.local [hbm:s5], $0x2780  }
0x10: {  	_ =	swait.ge [sflag:s12], $0x2780  }
0x11: {  	[sflag:s12] =	ssyncset.done $0x0  }
0x12: {  	[sflag:s12] =	ssyncadd.s32 $0xFFFFD880  }
0x13: {  	[tilespmem:s3], [sflag:$0x2] =	stream.linear.gather [hbm4b:s7+s3], $0x1400, $0x38;
	[tilespmem:$0x1A400] =	vst v63  }
0x14: {  	_ =	swait.ge [sflag:s12], $0x1400  }
0x15: {  	[sflag:s12] =	ssyncset.done $0x0  }
0x16: {  	[sflag:s12] =	ssyncadd.s32 $0xFFFFEC00  }
0x17: {  	[tilespmem:s13], [sflag:$0x2] =	stream.linear.gather [hbm4b:s8+s3], $0x1400, $0x38;
	[tilespmem:$0x1A400] =	vst v63  }
0x18: {  	_ =	swait.ge [sflag:s12], $0x1400  }
0x19: {  	[sflag:s12] =	ssyncset.done $0x0  }
0x1a: {  	[sflag:s12] =	ssyncadd.s32 $0xFFFFEC00  }
0x1b: {  	s18 =	simm.s32 $0x0;
	[bflag:$0x0] =	sbarrier.arrive $0xFFFF  }
0x1c: {  	[tilespmem:s15], [sflag:$0x1] =	stream.indirect.gather [hbm4b:s4+s14], $0x80, s18, s14, $0xb8;
	[tilespmem:$0x1A400] =	vst v63  }
0x1d: {  	_ =	swait.ge [sflag:s16], $0x4000  }
0x1e: {  	[sflag:s16] =	ssyncset.done $0x0  }
0x1f: {  	s31 =	simm.s32 $0x1400;
	[sflag:s16] =	ssyncadd.s32 $0xFFFFC000  }
0x20: {  	[spmem:s2] =	stream.indirect.scatter.add.f32 [tilespmem:s15], [sflag:$0x2], $0x80, s31, s14, $0xb8;
	[tilespmem:$0x1A400] =	vst v63  }
0x21: {  	_ =	swait.ge [sflag:s12], $0x4000  }
0x22: {  	s19 =	simm.s32 $0x400;
	s18 =	simm.s32 $0x200;
	[sflag:s12] =	ssyncset.done $0x0  }
.LBB2_2:
0x23: {  	s20 =	sshra.s32 s18, $0x2  }
0x24: {  	[sflag:s12] =	ssyncadd.s32 $0xFFFFC000;
	s18 =	smov.u32 s19;
	s21 =	sadd.s32 $0x200, s19  }
0x25: {  	[tilespmem:s15], [sflag:$0x1] =	stream.indirect.gather [hbm4b:s4+s14], $0x80, s20, s14, $0xb8;
	[tilespmem:$0x1A400] =	vst v63  }
0x26: {  	p0 =	sne.s32 s19, $0x4E00;
	_ =	swait.ge [sflag:s16], $0x4000  }
.Ltmp0:
0x27: {  	[sflag:s16] =	ssyncset.done $0x0;
	(pc) =	sbr.rel @p0 .LBB2_2-.Ltmp0, $4  }
0x28: {  	s19 =	sadd.s32 $0x1400, s20;
	[sflag:s16] =	ssyncadd.s32 $0xFFFFC000  }
0x29: {  	[spmem:s2] =	stream.indirect.scatter.add.f32 [tilespmem:s15], [sflag:$0x2], $0x80, s19, s14, $0xb8;
	[tilespmem:$0x1A400] =	vst v63  }
0x2a: {  	_ =	swait.ge [sflag:s12], $0x4000  }
0x2b: {  	s19 =	smov.u32 s21;
	[sflag:s12] =	ssyncset.done $0x0  }
0x2c: {  	s18 =	sshra.s32 s18, $0x2;
	[sflag:s12] =	ssyncadd.s32 $0xFFFFC000  }
0x2d: {  	[tilespmem:s15], [sflag:$0x1] =	stream.indirect.gather [hbm4b:s4+s14], $0x80, s18, s14, $0xb8;
	[tilespmem:$0x1A400] =	vst v63  }
0x2e: {  	_ =	swait.ge [sflag:s16], $0x4000  }
0x2f: {  	[sflag:s16] =	ssyncset.done $0x0  }
0x30: {  	s18 =	sadd.s32 $0x1400, s18;
	[sflag:s16] =	ssyncadd.s32 $0xFFFFC000  }
0x31: {  	[spmem:s2] =	stream.indirect.scatter.add.f32 [tilespmem:s15], [sflag:$0x2], $0x80, s18, s14, $0xb8;
	[tilespmem:$0x1A400] =	vst v63  }
0x32: {  	_ =	swait.ge [sflag:s12], $0x4000  }
0x33: {  	s17 =	sadd.s32 $0x1, s17;
	[sflag:s12] =	ssyncset.done $0x0  }
0x34: {  	p0 =	sne.s32 s17, s10;
	[sflag:s12] =	ssyncadd.s32 $0xFFFFC000  }
.Ltmp1:
0x35: {  	[bflag:$0x0] =	sbarrier.arrive $0xFFFF;
	(pc) =	sbr.rel @p0 .LBB2_1-.Ltmp1, $4  }
0x36: {  	[hbm:s9], [sflag:s6] =	dma.local [spmem:s11], $0x2780  }
0x37: {  	_ =	swait.ge [sflag:s12], $0x2780  }
0x38: {  	[sflag:s12] =	ssyncset.done $0x0  }
0x39: {  	[sflag:s12] =	ssyncadd.s32 $0xFFFFD880  }
0x3a: {  	_ =	sfence.sel $0x180000  }
0x3b: {  	[bflag:$0x0] =	sbarrier.arrive $0xFFFF  }
0x3c: {  	p0 =	sne.s32 s0, $0x0;
	_ =	strace $0x90000047  }
0x3d: {  	s0 =	sadd.s32 @!p0 $0x100000, s1;
	[bflag:$0x2] =	sbarrier.arrive $0xFFFF  }
0x3e: {  	[sflag:s0] =	ssyncadd.tile.s32 @!p0 $0x1;
	_ =	shalt  }
.Lfunc_end2:
_tile_overlayer_lowered:
.L_overlay_start_2:
0x3f: {  	(tag) =	ssettag $0x2  }
0x40: {  	s0 =	rddreg [dreg:$0x0];
	s2 =	stileid.u32  }
0x41: {  	s1 =	rddreg [dreg:$0x1];
	p0 =	sne.s32 s2, $0x0  }
0x42: {  	s3 =	rddreg [dreg:$0x2];
	[bflag:$0x3] =	sbarrier.arrive $0xFFFF;
	s2 =	simm.s32 @!p0 $0x1C02  }
0x43: {  	[timem:s3], [sflag:s2] =	dma.local @!p0 [hbm:s0], s1  }
0x44: {  	s0 =	simm.s32 @!p0 $0x2  }
0x45: {  	_ =	swait.ge @!p0 [sflag:s0], s1  }
0x46: {  	s1 =	ssub.s32 @!p0 $0x0, s1;
	[sflag:s0] =	ssyncset.done @!p0 $0x0  }
0x47: {  	[sflag:s0] =	ssyncadd.s32 @!p0 s1  }
0x48: {  	[bflag:$0x3] =	sbarrier.arrive $0xFFFF  }
0x49: {  	_ =	shalt  }

// kernel: kernel.16.cloned.1.call-start
scs
__scs_entry_jumppad:
0x0: {  	(pc) =	sbr.rel $0x88, $3  }
0x1: {  	(tag) =	ssettag $0x0;
	lr =	simm.s32 $0x1  }
0x2: {  	[smem:$0x3F79] =	sst lr;
	_ =	strace $0xD0000000  }
0x3: {  	_ = 	snop  }
0x4: {  	_ = 	snop  }
0x5: {  	_ = 	snop  }
0x6: {  	_ = 	snop  }
0x7: {  	_ = 	snop  }
__scs_overlays_trampoline_lowered:
0x8: {  	[smem:$0x3F88] =	sst s0  }
0x9: {  	[smem:$0x3F89] =	sst s1  }
0xa: {  	[smem:$0x3F8A] =	sst s2  }
0xb: {  	[smem:$0x3F8B] =	sst s3  }
0xc: {  	[smem:$0x3F8C] =	sst s4  }
0xd: {  	[smem:$0x3F8D] =	sst s5  }
0xe: {  	[smem:$0x3F8E] =	sst s6  }
0xf: {  	[smem:$0x3F8F] =	sst s7  }
0x10: {  	[smem:$0x3F90] =	sst s8  }
0x11: {  	[smem:$0x3F91] =	sst s9;
	s0 =	simm.s32 @!p0 $0x0  }
0x12: {  	s1 =	sld [smem:$0x3F77];
	s0 =	simm.s32 @p0 $0x1  }
0x13: {  	[smem:$0x3F92] =	sst s0;
	s0 =	simm.s32 @!p1 $0x0  }
0x14: {  	s2 =	sld [smem:$0x3F76];
	s0 =	simm.s32 @p1 $0x1  }
0x15: {  	[smem:$0x3F93] =	sst s0;
	s0 =	simm.s32 @!p2 $0x0  }
0x16: {  	s3 =	sld [smem:$0x3FDB];
	s0 =	simm.s32 @p2 $0x1  }
0x17: {  	s4 =	simm.s32 $0x1BF5;
	[smem:$0x3F95] =	sst s0  }
0x18: {  	s0 =	sld [smem:$0x3F78];
	_ =	swait.ge [sflag:s4], $0x0  }
0x19: {  	s7 =	sld [smem:$0x3F79]  }
0x1a: {  	s8 =	sadd.s32 $0xFFFFE003, lr  }
0x1b: {  	s9 =	sadd.s32 $0xFFFFFEF7, lr;
	s5 =	simm.s32 $0xFFFFFFFF;
	p2 =	slt.u32 s8, $0xFFFFF086  }
0x1c: {  	p1 =	slt.u32 s9, $0xF7A;
	s5 =	simm.s32 @!p2 $0x0  }
0x1d: {  	s5 =	simm.s32 @p1 $0x1;
	p0 =	seq.s32 s7, s2  }
0x1e: {  	s7 =	smul.u32 @!p0 $0xF7A, s2;
	p2 =	seq.s32 @!p0 s5, $0x0  }
0x1f: {  	s9 =	smul.u32 $0xF7A, s1;
	s8 =	simm.s32 @!p0 $0x1BF5;
	p2 =	por !p2, p0  }
0x20: {  	[sflag:s8] =	ssyncset.s32 @!p0 $0xFFFFF086;
	s6 =	sadd.s32 @!p0 s3, s7;
	s7 =	simm.s32 @!p0 $0x108  }
0x21: {  	s3 =	sadd.s32 s3, s9;
	s6 =	sadd.s32 @!p0 $0x88, s6;
	s7 =	simm.s32 @p2 $0x1082  }
0x22: {  	[simem:s7], [sflag:s8] =	dma.local @!p0 [hbm:s6], $0xF7A  }
0x23: {  	s9 =	sor.u32 $0xD0000000, s2;
	s6 =	simm.s32 $0x108;
	_ =	swait.ge @!p0 [sflag:s8], $0x0  }
0x24: {  	s3 =	sadd.s32 $0x88, s3;
	s6 =	simm.s32 @!p1 $0x1082;
	[sflag:s4] =	ssyncset.s32 $0xFFFFF086  }
0x25: {  	[simem:s6], [sflag:s4] =	dma.local [hbm:s3], $0xF7A  }
0x26: {  	[smem:$0x3F79] =	sst s1;
	(tag) =	ssettag s2;
	_ =	strace s9  }
0x27: {  	s1 =	sld [smem:$0x3F89]  }
0x28: {  	s2 =	sld [smem:$0x3F8A]  }
0x29: {  	s4 =	sld [smem:$0x3F8C]  }
0x2a: {  	p0 =	seq.s32 s5, $0x0;
	s5 =	sld [smem:$0x3F8D]  }
0x2b: {  	s6 =	sld [smem:$0x3F8E]  }
0x2c: {  	s7 =	sld [smem:$0x3F8F]  }
0x2d: {  	s3 =	simm.s32 $0x108;
	s8 =	sld [smem:$0x3F90]  }
0x2e: {  	s3 =	simm.s32 @!p0 $0x1082;
	s9 =	sld [smem:$0x3F91]  }
0x2f: {  	lr =	sadd.s32 s0, s3;
	s0 =	sld [smem:$0x3F88]  }
0x30: {  	s3 =	sld [smem:$0x3F8B]  }
0x31: {  	[smem:$0x3F94] =	sst s10  }
0x32: {  	s10 =	sld [smem:$0x3F92];
	_ =	sdelay $0x3  }
0x33: {  	p0 =	seq.s32 s10, $0x1;
	s10 =	sld [smem:$0x3F94];
	_ =	sdelay $0x3  }
0x34: {  	[smem:$0x3F94] =	sst s10  }
0x35: {  	s10 =	sld [smem:$0x3F93];
	_ =	sdelay $0x3  }
0x36: {  	p1 =	seq.s32 s10, $0x1;
	s10 =	sld [smem:$0x3F94];
	_ =	sdelay $0x3  }
0x37: {  	[smem:$0x3F94] =	sst s10  }
0x38: {  	s10 =	sld [smem:$0x3F95]  }
0x39: {  	_ = 	snop;
	(pc) =	sbr.ind lr, $3  }
0x3a: {  	_ = 	snop  }
0x3b: {  	_ = 	snop  }
0x3c: {  	p2 =	seq.s32 s10, $0x1;
	s10 =	sld [smem:$0x3F94]  }
0x3d: {  	_ =	shalt  }
0x3e: {  	_ =	shalt  }
0x3f: {  	_ =	shalt  }
0x40: {  	_ =	shalt  }
0x41: {  	_ =	shalt  }
0x42: {  	_ =	shalt  }
0x43: {  	_ =	shalt  }
0x44: {  	_ =	shalt  }
0x45: {  	_ =	shalt  }
0x46: {  	_ =	shalt  }
0x47: {  	_ =	shalt  }
0x48: {  	_ =	shalt  }
0x49: {  	_ =	shalt  }
0x4a: {  	_ =	shalt  }
0x4b: {  	_ =	shalt  }
0x4c: {  	_ =	shalt  }
0x4d: {  	_ =	shalt  }
0x4e: {  	_ =	shalt  }
0x4f: {  	_ =	shalt  }
0x50: {  	_ =	shalt  }
0x51: {  	_ =	shalt  }
0x52: {  	_ =	shalt  }
0x53: {  	_ =	shalt  }
0x54: {  	_ =	shalt  }
0x55: {  	_ =	shalt  }
0x56: {  	_ =	shalt  }
0x57: {  	_ =	shalt  }
0x58: {  	_ =	shalt  }
0x59: {  	_ =	shalt  }
0x5a: {  	_ =	shalt  }
0x5b: {  	_ =	shalt  }
0x5c: {  	_ =	shalt  }
0x5d: {  	_ =	shalt  }
0x5e: {  	_ =	shalt  }
0x5f: {  	_ =	shalt  }
0x60: {  	_ =	shalt  }
0x61: {  	_ =	shalt  }
0x62: {  	_ =	shalt  }
0x63: {  	_ =	shalt  }
0x64: {  	_ =	shalt  }
0x65: {  	_ =	shalt  }
0x66: {  	_ =	shalt  }
0x67: {  	_ =	shalt  }
0x68: {  	_ =	shalt  }
0x69: {  	_ =	shalt  }
0x6a: {  	_ =	shalt  }
0x6b: {  	_ =	shalt  }
0x6c: {  	_ =	shalt  }
0x6d: {  	_ =	shalt  }
0x6e: {  	_ =	shalt  }
0x6f: {  	_ =	shalt  }
0x70: {  	_ =	shalt  }
0x71: {  	_ =	shalt  }
0x72: {  	_ =	shalt  }
0x73: {  	_ =	shalt  }
0x74: {  	_ =	shalt  }
0x75: {  	_ =	shalt  }
0x76: {  	_ =	shalt  }
0x77: {  	_ =	shalt  }
0x78: {  	_ =	shalt  }
0x79: {  	_ =	shalt  }
0x7a: {  	_ =	shalt  }
0x7b: {  	_ =	shalt  }
0x7c: {  	_ =	shalt  }
0x7d: {  	_ =	shalt  }
0x7e: {  	_ =	shalt  }
0x7f: {  	_ =	shalt  }
0x80: {  	_ =	shalt  }
0x81: {  	_ =	shalt  }
0x82: {  	_ =	shalt  }
0x83: {  	_ =	shalt  }
0x84: {  	_ =	shalt  }
0x85: {  	_ =	shalt  }
0x86: {  	_ =	shalt  }
0x87: {  	_ =	shalt  }
.Lfunc_end0:
.L_simem_size_0:
called_computation.1_lowered:
.L_overlay_start_0:
0x88: {  	s2 =	sld [smem:$0x3FD9]  }
0x89: {  	s3 =	sld [smem:$0x3FFE];
	_ =	sdelay $0x1  }
0x8a: {  	s1 =	srdreg.scid  }
0x8b: {  	s0 =	sand.u32 $0x1, s1  }
0x8c: {  	s17 =	sshll.u32 s0, $0xA;
	s2 =	sadd.s32 s3, s2  }
0x8d: {  	s2 =	sadd.s32 s2, s17  }
0x8e: {  	[smem:$0x3FA0] =	sst s2  }
0x8f: {  	_ = 	snop  }
0x90: {  	(tm) =	ssettm $0x1  }
0x91: {  	s18 =	sld [smem:$0x3FFB];
	_ =	sdelay $0x3  }
0x92: {  	_ =	strace s18  }
0x93: {  	s2 =	sld [smem:$0x3FFC];
	_ =	sdelay $0x3  }
0x94: {  	_ =	strace s2  }
0x95: {  	s2 =	sld [smem:$0x3FFD];
	_ =	sdelay $0x3  }
0x96: {  	_ =	strace s2  }
0x97: {  	_ =	strace $0x8FFFFFFF  }
0x98: {  	s19 =	sld [smem:$0x3FDB];
	_ =	sdelay $0x1  }
0x99: {  	s20 =	simm.s32 $_scs_section_size  }
0x9a: {  	s4 =	simm.s32 $_size__tile_overlayer_lowered;
	s5 =	simm.s32 $_tile_overlayer_lowered  }
0x9b: {  	s6 =	simm.s32 $0x1BFF;
	s21 =	sshll.u32 s5, $0x1;
	s3 =	sadd.s32 s20, s19  }
0x9c: {  	s22 =	simm.s32 $0x0;
	s4 =	sshll.u32 s4, $0x1;
	s5 =	sadd.s32 s21, s3  }
0x9d: {  	[timem:s22], [sflag:s6] =	dma.local [hbm:s5], s4  }
0x9e: {  	_ =	swait.ge [sflag:s6], s4  }
0x9f: {  	s4 =	ssub.s32 $0x0, s4;
	[sflag:s6] =	ssyncset.done $0x0  }
0xa0: {  	[sflag:s6] =	ssyncadd.s32 s4;
	_ =	sdelay $0x1  }
0xa1: {  	s23 =	simm.s32 $0x1B8B  }
0xa2: {  	_ =	swait.ge [sflag:s23], $0x1  }
0xa3: {  	[sflag:s23] =	ssyncset.done $0x0  }
0xa4: {  	[sflag:s23] =	ssyncadd.s32 $0xFFFFFFFF  }
0xa5: {  	s4 =	sld [smem:$0x0]  }
0xa6: {  	s5 =	sand.u32 $0xFFFFFFFE, s1  }
0xa7: {  	p0 =	sne.s32 s1, s5  }
0xa8: {  	s5 =	sshll.u32 @p0 s5, $0xE  }
0xa9: {  	s5 =	sadd.s32 @p0 $0x11B8D, s5;
	s6 =	sshll.u32 @p0 s4, $0x11  }
0xaa: {  	s5 =	sor.u32 @p0 s6, s5  }
0xab: {  	[sflag:s5] =	ssyncadd.remote.s32 @p0 $0x1;
	_ =	sdelay $0x1  }
0xac: {  	s5 =	simm.s32 @p0 $0x1B8D  }
0xad: {  	_ =	swait.eq @p0 [sflag:s5], $0x1  }
0xae: {  	[sflag:s5] =	ssyncadd.s32 @p0 $0xFFFFFFFF  }
0xaf: {  	s6 =	sshll.u32 @!p0 s1, $0xE  }
0xb0: {  	s6 =	sor.u32 @!p0 $0x4000, s6;
	s5 =	simm.s32 @!p0 $0x1B8D  }
0xb1: {  	s4 =	sshll.u32 @!p0 s4, $0x11;
	s6 =	sadd.s32 @!p0 $0x11B8D, s6;
	_ =	swait.eq @!p0 [sflag:s5], $0x1  }
0xb2: {  	s4 =	sor.u32 @!p0 s4, s6;
	[sflag:s5] =	ssyncadd.s32 @!p0 $0xFFFFFFFF  }
0xb3: {  	s25 =	simm.s32 $0x1B8E;
	s24 =	sld [smem:$0x3FFE];
	[sflag:s4] =	ssyncadd.remote.s32 @!p0 $0x1  }
0xb4: {  	s26 =	simm.s32 $execute0_lowered;
	[smem:$0x3FD2] =	sst s25  }
0xb5: {  	s5 =	sshll.u32 s26, $0x1;
	_ =	strace $0x80000049;
	[dreg:$0x1] =	wrdreg $0xFFFFFFFF  }
0xb6: {  	s28 =	simm.s32 $_size_execute0_lowered;
	s3 =	sadd.s32 s3, s5;
	[dreg:$0x0] =	wrdreg $0x0  }
0xb7: {  	s5 =	sshll.u32 s28, $0x1;
	[dreg:$0x2] =	wrdreg s3  }
0xb8: {  	[dreg:$0x3] =	wrdreg s5  }
0xb9: {  	[dreg:$0x4] =	wrdreg $0xC0  }
0xba: {  	_ =	task [dreg:s22], $0x5FFFF  }
0xbb: {  	[dreg:$0x1] =	wrdreg $0xFFFFFFFF  }
0xbc: {  	[dreg:$0x0] =	wrdreg $0x60  }
0xbd: {  	[dreg:$0x2] =	wrdreg s24  }
0xbe: {  	[dreg:$0x3] =	wrdreg $0x68000  }
0xbf: {  	[dreg:$0x4] =	wrdreg $0xA  }
0xc0: {  	_ =	task.clear_ibuf [dreg:s22], $0x5FFFF;
	_ =	strace $0x90000049  }
0xc1: {  	s29 =	simm.s32 $0xA;
	_ =	strace $0x8000004B  }
0xc2: {  	_ =	swait.ge [sflag:s29], $0x1  }
0xc3: {  	[sflag:s29] =	ssyncadd.s32 $0xFFFFFFFF  }
0xc4: {  	_ =	strace $0x9000004B  }
0xc5: {  	_ =	sfence  }
0xc6: {  	s30 =	sld [smem:$0x0];
	_ =	sdelay $0x2  }
0xc7: {  	s31 =	sshll.u32 s1, $0xD;
	s1 =	sshrl.u32 s1, $0x2  }
0xc8: {  	s4 =	sand.u32 $0x4000, s31;
	s1 =	sadd.s32 s1, s30  }
0xc9: {  	s0 =	sor.u32 s4, s0;
	s1 =	sshll.u32 s1, $0x11  }
0xca: {  	s0 =	sor.u32 s1, s0  }
0xcb: {  	s0 =	sadd.s32 $0x8F2B, s0  }
0xcc: {  	[sflag:s0] =	ssyncadd.remote.s32 $0x1  }
0xcd: {  	_ =	sfence.sel $0xFFFF  }
0xce: {  	[dreg:$0x0] =	wrdreg $0xFFFFFFFF;
	(pc) =	sbr.abs _section_cstart, $3  }
0xcf: {  	[dreg:$0x1] =	wrdreg $0xFFFFFFFF  }
0xd0: {  	_ =	task.clear_ibuf [dreg:s22], $0x2FFFF;
	_ =	strace $0x9FFFFFFF  }
0xd1: {  	(tm) =	ssettm $0x7FFFFFFF  }
tec
execute0_lowered:
.L_overlay_start_1:
0x0: {  	(tag) =	ssettag $0x1  }
0x1: {  	s1 =	srdreg.scid  }
0x2: {  	s0 =	stileid.u32;
	s6 =	rddreg [dreg:$0x0]  }
0x3: {  	s2 =	rddreg [dreg:$0x1];
	s3 =	simm.s32 $0x0;
	s14 =	simm.s32 $0x80  }
0x4: {  	s15 =	simm.s32 $0x2800;
	s16 =	simm.s32 $0x1;
	s17 =	simm.s32 $0x0  }
0x5: {  	s5 =	sand.u32 $0x1, s1;
	s28 =	sshll.u32 s0, $0x1;
	s8 =	smul.u32 $0x13C00, s0  }
0x6: {  	[smem:$0x7FF] =	sst s3;
	s4 =	sadd.s32 $0x2D800, s6;
	s31 =	sshll.u32 s0, $0x6  }
0x7: {  	s1 =	sor.u32 s5, s28;
	s9 =	smul.u32 $0x13C000, s5;
	s5 =	ssub.s32 $0x2, s5  }
0x8: {  	s7 =	smul.u32 $0x280, s1;
	s1 =	rddreg [dreg:$0x2];
	_ =	strace $0x8000004A  }
0x9: {  	s30 =	sshrl.u32 s8, $0x3;
	s11 =	sshrl.u32 s5, $0x1;
	s13 =	sadd.s32 s8, s2  }
0xa: {  	s29 =	sadd.s32 s8, s9;
	s9 =	sadd.s32 s30, s6;
	s11 =	ssub.s32 s5, s11  }
0xb: {  	s10 =	sadd.s32 s7, s6;
	s7 =	sshrl.u32 s29, $0x3;
	s5 =	sadd.s32 $0x5F000, s9  }
0xc: {  	s12 =	sadd.s32 s7, s6;
	s6 =	sor.u32 $0x1C02, s31;
	s7 =	sadd.s32 $0x5A000, s10  }
0xd: {  	s8 =	sadd.s32 $0x55000, s10;
	s10 =	smax.u32 s11, $0x1;
	s11 =	sshrl.u32 s13, $0x3  }
0xe: {  	s13 =	simm.s32 $0x1400;
	s9 =	sadd.s32 $0xD5800, s12;
	s12 =	simm.s32 $0x2  }
.LBB2_1:
0xf: {  	[spmem:s11], [sflag:s6] =	dma.local [hbm:s5], $0x2780  }
0x10: {  	_ =	swait.ge [sflag:s12], $0x2780  }
0x11: {  	[sflag:s12] =	ssyncset.done $0x0  }
0x12: {  	[sflag:s12] =	ssyncadd.s32 $0xFFFFD880  }
0x13: {  	[tilespmem:s3], [sflag:$0x2] =	stream.linear.gather [hbm4b:s7+s3], $0x1400, $0x38;
	[tilespmem:$0x1A400] =	vst v63  }
0x14: {  	_ =	swait.ge [sflag:s12], $0x1400  }
0x15: {  	[sflag:s12] =	ssyncset.done $0x0  }
0x16: {  	[sflag:s12] =	ssyncadd.s32 $0xFFFFEC00  }
0x17: {  	[tilespmem:s13], [sflag:$0x2] =	stream.linear.gather [hbm4b:s8+s3], $0x1400, $0x38;
	[tilespmem:$0x1A400] =	vst v63  }
0x18: {  	_ =	swait.ge [sflag:s12], $0x1400  }
0x19: {  	[sflag:s12] =	ssyncset.done $0x0  }
0x1a: {  	[sflag:s12] =	ssyncadd.s32 $0xFFFFEC00  }
0x1b: {  	s18 =	simm.s32 $0x0;
	[bflag:$0x0] =	sbarrier.arrive $0xFFFF  }
0x1c: {  	[tilespmem:s15], [sflag:$0x1] =	stream.indirect.gather [hbm4b:s4+s14], $0x80, s18, s14, $0xb8;
	[tilespmem:$0x1A400] =	vst v63  }
0x1d: {  	_ =	swait.ge [sflag:s16], $0x4000  }
0x1e: {  	[sflag:s16] =	ssyncset.done $0x0  }
0x1f: {  	s31 =	simm.s32 $0x1400;
	[sflag:s16] =	ssyncadd.s32 $0xFFFFC000  }
0x20: {  	[spmem:s2] =	stream.indirect.scatter.add.f32 [tilespmem:s15], [sflag:$0x2], $0x80, s31, s14, $0xb8;
	[tilespmem:$0x1A400] =	vst v63  }
0x21: {  	_ =	swait.ge [sflag:s12], $0x4000  }
0x22: {  	s19 =	simm.s32 $0x400;
	s18 =	simm.s32 $0x200;
	[sflag:s12] =	ssyncset.done $0x0  }
.LBB2_2:
0x23: {  	s20 =	sshra.s32 s18, $0x2  }
0x24: {  	[sflag:s12] =	ssyncadd.s32 $0xFFFFC000;
	s18 =	smov.u32 s19;
	s21 =	sadd.s32 $0x200, s19  }
0x25: {  	[tilespmem:s15], [sflag:$0x1] =	stream.indirect.gather [hbm4b:s4+s14], $0x80, s20, s14, $0xb8;
	[tilespmem:$0x1A400] =	vst v63  }
0x26: {  	p0 =	sne.s32 s19, $0x4E00;
	_ =	swait.ge [sflag:s16], $0x4000  }
.Ltmp0:
0x27: {  	[sflag:s16] =	ssyncset.done $0x0;
	(pc) =	sbr.rel @p0 .LBB2_2-.Ltmp0, $4  }
0x28: {  	s19 =	sadd.s32 $0x1400, s20;
	[sflag:s16] =	ssyncadd.s32 $0xFFFFC000  }
0x29: {  	[spmem:s2] =	stream.indirect.scatter.add.f32 [tilespmem:s15], [sflag:$0x2], $0x80, s19, s14, $0xb8;
	[tilespmem:$0x1A400] =	vst v63  }
0x2a: {  	_ =	swait.ge [sflag:s12], $0x4000  }
0x2b: {  	s19 =	smov.u32 s21;
	[sflag:s12] =	ssyncset.done $0x0  }
0x2c: {  	s18 =	sshra.s32 s18, $0x2;
	[sflag:s12] =	ssyncadd.s32 $0xFFFFC000  }
0x2d: {  	[tilespmem:s15], [sflag:$0x1] =	stream.indirect.gather [hbm4b:s4+s14], $0x80, s18, s14, $0xb8;
	[tilespmem:$0x1A400] =	vst v63  }
0x2e: {  	_ =	swait.ge [sflag:s16], $0x4000  }
0x2f: {  	[sflag:s16] =	ssyncset.done $0x0  }
0x30: {  	s18 =	sadd.s32 $0x1400, s18;
	[sflag:s16] =	ssyncadd.s32 $0xFFFFC000  }
0x31: {  	[spmem:s2] =	stream.indirect.scatter.add.f32 [tilespmem:s15], [sflag:$0x2], $0x80, s18, s14, $0xb8;
	[tilespmem:$0x1A400] =	vst v63  }
0x32: {  	_ =	swait.ge [sflag:s12], $0x4000  }
0x33: {  	s17 =	sadd.s32 $0x1, s17;
	[sflag:s12] =	ssyncset.done $0x0  }
0x34: {  	p0 =	sne.s32 s17, s10;
	[sflag:s12] =	ssyncadd.s32 $0xFFFFC000  }
.Ltmp1:
0x35: {  	[bflag:$0x0] =	sbarrier.arrive $0xFFFF;
	(pc) =	sbr.rel @p0 .LBB2_1-.Ltmp1, $4  }
0x36: {  	[hbm:s9], [sflag:s6] =	dma.local [spmem:s11], $0x2780  }
0x37: {  	_ =	swait.ge [sflag:s12], $0x2780  }
0x38: {  	[sflag:s12] =	ssyncset.done $0x0  }
0x39: {  	[sflag:s12] =	ssyncadd.s32 $0xFFFFD880  }
0x3a: {  	_ =	sfence.sel $0x180000  }
0x3b: {  	[bflag:$0x0] =	sbarrier.arrive $0xFFFF  }
0x3c: {  	p0 =	sne.s32 s0, $0x0;
	_ =	strace $0x9000004A  }
0x3d: {  	s0 =	sadd.s32 @!p0 $0x100000, s1;
	[bflag:$0x2] =	sbarrier.arrive $0xFFFF  }
0x3e: {  	[sflag:s0] =	ssyncadd.tile.s32 @!p0 $0x1;
	_ =	shalt  }
.Lfunc_end2:
_tile_overlayer_lowered:
.L_overlay_start_2:
0x3f: {  	(tag) =	ssettag $0x2  }
0x40: {  	s0 =	rddreg [dreg:$0x0];
	s2 =	stileid.u32  }
0x41: {  	s1 =	rddreg [dreg:$0x1];
	p0 =	sne.s32 s2, $0x0  }
0x42: {  	s3 =	rddreg [dreg:$0x2];
	[bflag:$0x3] =	sbarrier.arrive $0xFFFF;
	s2 =	simm.s32 @!p0 $0x1C02  }
0x43: {  	[timem:s3], [sflag:s2] =	dma.local @!p0 [hbm:s0], s1  }
0x44: {  	s0 =	simm.s32 @!p0 $0x2  }
0x45: {  	_ =	swait.ge @!p0 [sflag:s0], s1  }
0x46: {  	s1 =	ssub.s32 @!p0 $0x0, s1;
	[sflag:s0] =	ssyncset.done @!p0 $0x0  }
0x47: {  	[sflag:s0] =	ssyncadd.s32 @!p0 s1  }
0x48: {  	[bflag:$0x3] =	sbarrier.arrive $0xFFFF  }
0x49: {  	_ =	shalt  }

// kernel: kernel.19.cloned.1.call-start
scs
__scs_entry_jumppad:
0x0: {  	(pc) =	sbr.rel $0x88, $3  }
0x1: {  	(tag) =	ssettag $0x0;
	lr =	simm.s32 $0x1  }
0x2: {  	[smem:$0x3F79] =	sst lr;
	_ =	strace $0xD0000000  }
0x3: {  	_ = 	snop  }
0x4: {  	_ = 	snop  }
0x5: {  	_ = 	snop  }
0x6: {  	_ = 	snop  }
0x7: {  	_ = 	snop  }
__scs_overlays_trampoline_lowered:
0x8: {  	[smem:$0x3F88] =	sst s0  }
0x9: {  	[smem:$0x3F89] =	sst s1  }
0xa: {  	[smem:$0x3F8A] =	sst s2  }
0xb: {  	[smem:$0x3F8B] =	sst s3  }
0xc: {  	[smem:$0x3F8C] =	sst s4  }
0xd: {  	[smem:$0x3F8D] =	sst s5  }
0xe: {  	[smem:$0x3F8E] =	sst s6  }
0xf: {  	[smem:$0x3F8F] =	sst s7  }
0x10: {  	[smem:$0x3F90] =	sst s8  }
0x11: {  	[smem:$0x3F91] =	sst s9;
	s0 =	simm.s32 @!p0 $0x0  }
0x12: {  	s1 =	sld [smem:$0x3F77];
	s0 =	simm.s32 @p0 $0x1  }
0x13: {  	[smem:$0x3F92] =	sst s0;
	s0 =	simm.s32 @!p1 $0x0  }
0x14: {  	s2 =	sld [smem:$0x3F76];
	s0 =	simm.s32 @p1 $0x1  }
0x15: {  	[smem:$0x3F93] =	sst s0;
	s0 =	simm.s32 @!p2 $0x0  }
0x16: {  	s3 =	sld [smem:$0x3FDB];
	s0 =	simm.s32 @p2 $0x1  }
0x17: {  	s4 =	simm.s32 $0x1BF5;
	[smem:$0x3F95] =	sst s0  }
0x18: {  	s0 =	sld [smem:$0x3F78];
	_ =	swait.ge [sflag:s4], $0x0  }
0x19: {  	s7 =	sld [smem:$0x3F79]  }
0x1a: {  	s8 =	sadd.s32 $0xFFFFE003, lr  }
0x1b: {  	s9 =	sadd.s32 $0xFFFFFEF7, lr;
	s5 =	simm.s32 $0xFFFFFFFF;
	p2 =	slt.u32 s8, $0xFFFFF086  }
0x1c: {  	p1 =	slt.u32 s9, $0xF7A;
	s5 =	simm.s32 @!p2 $0x0  }
0x1d: {  	s5 =	simm.s32 @p1 $0x1;
	p0 =	seq.s32 s7, s2  }
0x1e: {  	s7 =	smul.u32 @!p0 $0xF7A, s2;
	p2 =	seq.s32 @!p0 s5, $0x0  }
0x1f: {  	s9 =	smul.u32 $0xF7A, s1;
	s8 =	simm.s32 @!p0 $0x1BF5;
	p2 =	por !p2, p0  }
0x20: {  	[sflag:s8] =	ssyncset.s32 @!p0 $0xFFFFF086;
	s6 =	sadd.s32 @!p0 s3, s7;
	s7 =	simm.s32 @!p0 $0x108  }
0x21: {  	s3 =	sadd.s32 s3, s9;
	s6 =	sadd.s32 @!p0 $0x88, s6;
	s7 =	simm.s32 @p2 $0x1082  }
0x22: {  	[simem:s7], [sflag:s8] =	dma.local @!p0 [hbm:s6], $0xF7A  }
0x23: {  	s9 =	sor.u32 $0xD0000000, s2;
	s6 =	simm.s32 $0x108;
	_ =	swait.ge @!p0 [sflag:s8], $0x0  }
0x24: {  	s3 =	sadd.s32 $0x88, s3;
	s6 =	simm.s32 @!p1 $0x1082;
	[sflag:s4] =	ssyncset.s32 $0xFFFFF086  }
0x25: {  	[simem:s6], [sflag:s4] =	dma.local [hbm:s3], $0xF7A  }
0x26: {  	[smem:$0x3F79] =	sst s1;
	(tag) =	ssettag s2;
	_ =	strace s9  }
0x27: {  	s1 =	sld [smem:$0x3F89]  }
0x28: {  	s2 =	sld [smem:$0x3F8A]  }
0x29: {  	s4 =	sld [smem:$0x3F8C]  }
0x2a: {  	p0 =	seq.s32 s5, $0x0;
	s5 =	sld [smem:$0x3F8D]  }
0x2b: {  	s6 =	sld [smem:$0x3F8E]  }
0x2c: {  	s7 =	sld [smem:$0x3F8F]  }
0x2d: {  	s3 =	simm.s32 $0x108;
	s8 =	sld [smem:$0x3F90]  }
0x2e: {  	s3 =	simm.s32 @!p0 $0x1082;
	s9 =	sld [smem:$0x3F91]  }
0x2f: {  	lr =	sadd.s32 s0, s3;
	s0 =	sld [smem:$0x3F88]  }
0x30: {  	s3 =	sld [smem:$0x3F8B]  }
0x31: {  	[smem:$0x3F94] =	sst s10  }
0x32: {  	s10 =	sld [smem:$0x3F92];
	_ =	sdelay $0x3  }
0x33: {  	p0 =	seq.s32 s10, $0x1;
	s10 =	sld [smem:$0x3F94];
	_ =	sdelay $0x3  }
0x34: {  	[smem:$0x3F94] =	sst s10  }
0x35: {  	s10 =	sld [smem:$0x3F93];
	_ =	sdelay $0x3  }
0x36: {  	p1 =	seq.s32 s10, $0x1;
	s10 =	sld [smem:$0x3F94];
	_ =	sdelay $0x3  }
0x37: {  	[smem:$0x3F94] =	sst s10  }
0x38: {  	s10 =	sld [smem:$0x3F95]  }
0x39: {  	_ = 	snop;
	(pc) =	sbr.ind lr, $3  }
0x3a: {  	_ = 	snop  }
0x3b: {  	_ = 	snop  }
0x3c: {  	p2 =	seq.s32 s10, $0x1;
	s10 =	sld [smem:$0x3F94]  }
0x3d: {  	_ =	shalt  }
0x3e: {  	_ =	shalt  }
0x3f: {  	_ =	shalt  }
0x40: {  	_ =	shalt  }
0x41: {  	_ =	shalt  }
0x42: {  	_ =	shalt  }
0x43: {  	_ =	shalt  }
0x44: {  	_ =	shalt  }
0x45: {  	_ =	shalt  }
0x46: {  	_ =	shalt  }
0x47: {  	_ =	shalt  }
0x48: {  	_ =	shalt  }
0x49: {  	_ =	shalt  }
0x4a: {  	_ =	shalt  }
0x4b: {  	_ =	shalt  }
0x4c: {  	_ =	shalt  }
0x4d: {  	_ =	shalt  }
0x4e: {  	_ =	shalt  }
0x4f: {  	_ =	shalt  }
0x50: {  	_ =	shalt  }
0x51: {  	_ =	shalt  }
0x52: {  	_ =	shalt  }
0x53: {  	_ =	shalt  }
0x54: {  	_ =	shalt  }
0x55: {  	_ =	shalt  }
0x56: {  	_ =	shalt  }
0x57: {  	_ =	shalt  }
0x58: {  	_ =	shalt  }
0x59: {  	_ =	shalt  }
0x5a: {  	_ =	shalt  }
0x5b: {  	_ =	shalt  }
0x5c: {  	_ =	shalt  }
0x5d: {  	_ =	shalt  }
0x5e: {  	_ =	shalt  }
0x5f: {  	_ =	shalt  }
0x60: {  	_ =	shalt  }
0x61: {  	_ =	shalt  }
0x62: {  	_ =	shalt  }
0x63: {  	_ =	shalt  }
0x64: {  	_ =	shalt  }
0x65: {  	_ =	shalt  }
0x66: {  	_ =	shalt  }
0x67: {  	_ =	shalt  }
0x68: {  	_ =	shalt  }
0x69: {  	_ =	shalt  }
0x6a: {  	_ =	shalt  }
0x6b: {  	_ =	shalt  }
0x6c: {  	_ =	shalt  }
0x6d: {  	_ =	shalt  }
0x6e: {  	_ =	shalt  }
0x6f: {  	_ =	shalt  }
0x70: {  	_ =	shalt  }
0x71: {  	_ =	shalt  }
0x72: {  	_ =	shalt  }
0x73: {  	_ =	shalt  }
0x74: {  	_ =	shalt  }
0x75: {  	_ =	shalt  }
0x76: {  	_ =	shalt  }
0x77: {  	_ =	shalt  }
0x78: {  	_ =	shalt  }
0x79: {  	_ =	shalt  }
0x7a: {  	_ =	shalt  }
0x7b: {  	_ =	shalt  }
0x7c: {  	_ =	shalt  }
0x7d: {  	_ =	shalt  }
0x7e: {  	_ =	shalt  }
0x7f: {  	_ =	shalt  }
0x80: {  	_ =	shalt  }
0x81: {  	_ =	shalt  }
0x82: {  	_ =	shalt  }
0x83: {  	_ =	shalt  }
0x84: {  	_ =	shalt  }
0x85: {  	_ =	shalt  }
0x86: {  	_ =	shalt  }
0x87: {  	_ =	shalt  }
.Lfunc_end0:
.L_simem_size_0:
called_computation.2_lowered:
.L_overlay_start_0:
0x88: {  	s2 =	sld [smem:$0x3FD9]  }
0x89: {  	s3 =	sld [smem:$0x3FFE];
	_ =	sdelay $0x1  }
0x8a: {  	s1 =	srdreg.scid  }
0x8b: {  	s0 =	sand.u32 $0x1, s1  }
0x8c: {  	s16 =	sshll.u32 s0, $0xA;
	s2 =	sadd.s32 s3, s2  }
0x8d: {  	s2 =	sadd.s32 s2, s16  }
0x8e: {  	[smem:$0x3FA0] =	sst s2  }
0x8f: {  	_ = 	snop  }
0x90: {  	(tm) =	ssettm $0x1  }
0x91: {  	s17 =	sld [smem:$0x3FFB];
	_ =	sdelay $0x3  }
0x92: {  	_ =	strace s17  }
0x93: {  	s2 =	sld [smem:$0x3FFC];
	_ =	sdelay $0x3  }
0x94: {  	_ =	strace s2  }
0x95: {  	s2 =	sld [smem:$0x3FFD];
	_ =	sdelay $0x3  }
0x96: {  	_ =	strace s2  }
0x97: {  	_ =	strace $0x8FFFFFFF  }
0x98: {  	s18 =	sld [smem:$0x3FDB];
	_ =	sdelay $0x1  }
0x99: {  	s19 =	simm.s32 $_scs_section_size  }
0x9a: {  	s4 =	simm.s32 $_size__tile_overlayer_lowered;
	s5 =	simm.s32 $_tile_overlayer_lowered  }
0x9b: {  	s22 =	simm.s32 $0x1BFF;
	s21 =	sshll.u32 s5, $0x1;
	s2 =	sadd.s32 s19, s18  }
0x9c: {  	s6 =	simm.s32 $0x0;
	s20 =	sshll.u32 s4, $0x1;
	s4 =	sadd.s32 s21, s2  }
0x9d: {  	[timem:s6], [sflag:s22] =	dma.local [hbm:s4], s20  }
0x9e: {  	_ =	swait.ge [sflag:s22], s20  }
0x9f: {  	s3 =	ssub.s32 $0x0, s20;
	[sflag:s22] =	ssyncset.done $0x0  }
0xa0: {  	[sflag:s22] =	ssyncadd.s32 s3;
	_ =	sdelay $0x1  }
0xa1: {  	s23 =	simm.s32 $0x1B8B  }
0xa2: {  	_ =	swait.ge [sflag:s23], $0x1  }
0xa3: {  	[sflag:s23] =	ssyncset.done $0x0  }
0xa4: {  	s25 =	simm.s32 $0x1B8E;
	s24 =	sld [smem:$0x3FFE];
	[sflag:s23] =	ssyncadd.s32 $0xFFFFFFFF  }
0xa5: {  	s26 =	simm.s32 $execute0_lowered;
	[smem:$0x3FD2] =	sst s25  }
0xa6: {  	s4 =	sshll.u32 s26, $0x1;
	_ =	strace $0x8000004C;
	[dreg:$0x1] =	wrdreg $0xFFFFFFFF  }
0xa7: {  	s28 =	simm.s32 $_size_execute0_lowered;
	s2 =	sadd.s32 s2, s4;
	[dreg:$0x0] =	wrdreg $0x0  }
0xa8: {  	s4 =	sshll.u32 s28, $0x1;
	[dreg:$0x2] =	wrdreg s2  }
0xa9: {  	[dreg:$0x3] =	wrdreg s4  }
0xaa: {  	[dreg:$0x4] =	wrdreg $0xC0  }
0xab: {  	_ =	task [dreg:s6], $0x5FFFF  }
0xac: {  	[dreg:$0x1] =	wrdreg $0xFFFFFFFF  }
0xad: {  	[dreg:$0x0] =	wrdreg $0x60  }
0xae: {  	[dreg:$0x2] =	wrdreg s24  }
0xaf: {  	[dreg:$0x3] =	wrdreg $0x48000  }
0xb0: {  	[dreg:$0x4] =	wrdreg $0x9  }
0xb1: {  	_ =	task.clear_ibuf [dreg:s6], $0x5FFFF;
	_ =	strace $0x9000004C  }
0xb2: {  	s29 =	simm.s32 $0x9;
	_ =	strace $0x8000004E  }
0xb3: {  	_ =	swait.ge [sflag:s29], $0x1  }
0xb4: {  	[sflag:s29] =	ssyncadd.s32 $0xFFFFFFFF  }
0xb5: {  	_ =	strace $0x9000004E  }
0xb6: {  	_ =	sfence  }
0xb7: {  	s30 =	sld [smem:$0x0];
	_ =	sdelay $0x2  }
0xb8: {  	s31 =	sshll.u32 s1, $0xD;
	s1 =	sshrl.u32 s1, $0x2  }
0xb9: {  	s3 =	sand.u32 $0x4000, s31;
	s1 =	sadd.s32 s1, s30  }
0xba: {  	s0 =	sor.u32 s3, s0;
	s1 =	sshll.u32 s1, $0x11  }
0xbb: {  	s0 =	sor.u32 s1, s0  }
0xbc: {  	s0 =	sadd.s32 $0x8F2B, s0  }
0xbd: {  	[sflag:s0] =	ssyncadd.remote.s32 $0x1  }
0xbe: {  	_ =	sfence.sel $0xFFFF  }
0xbf: {  	[dreg:$0x0] =	wrdreg $0xFFFFFFFF;
	(pc) =	sbr.abs _section_cstart, $3  }
0xc0: {  	[dreg:$0x1] =	wrdreg $0xFFFFFFFF  }
0xc1: {  	_ =	task.clear_ibuf [dreg:s6], $0x2FFFF;
	_ =	strace $0x9FFFFFFF  }
0xc2: {  	(tm) =	ssettm $0x7FFFFFFF  }
0xc3: {  	_ =	shalt  }
tec
execute0_lowered:
.L_overlay_start_1:
0x0: {  	(tag) =	ssettag $0x1  }
0x1: {  	s1 =	srdreg.scid  }
0x2: {  	s0 =	stileid.u32;
	s6 =	rddreg [dreg:$0x0]  }
0x3: {  	s2 =	rddreg [dreg:$0x1];
	s3 =	simm.s32 $0x0;
	s14 =	simm.s32 $0x80  }
0x4: {  	s15 =	simm.s32 $0x2800;
	s16 =	simm.s32 $0x1;
	s17 =	simm.s32 $0x0  }
0x5: {  	s5 =	sand.u32 $0x1, s1;
	s28 =	sshll.u32 s0, $0x1;
	s8 =	smul.u32 $0x9E00, s0  }
0x6: {  	[smem:$0x7FF] =	sst s3;
	s4 =	sadd.s32 $0x6000, s6;
	s31 =	sshll.u32 s0, $0x6  }
0x7: {  	s1 =	sor.u32 s5, s28;
	s9 =	smul.u32 $0x9E000, s5;
	s5 =	ssub.s32 $0x2, s5  }
0x8: {  	s7 =	smul.u32 $0x280, s1;
	s1 =	rddreg [dreg:$0x2];
	_ =	strace $0x8000004D  }
0x9: {  	s30 =	sshrl.u32 s8, $0x3;
	s11 =	sshrl.u32 s5, $0x1;
	s13 =	sadd.s32 s8, s2  }
0xa: {  	s29 =	sadd.s32 s8, s9;
	s9 =	sadd.s32 s30, s6;
	s11 =	ssub.s32 s5, s11  }
0xb: {  	s10 =	sadd.s32 s7, s6;
	s7 =	sshrl.u32 s29, $0x3;
	s5 =	sadd.s32 $0x19C00, s9  }
0xc: {  	s12 =	sadd.s32 s7, s6;
	s6 =	sor.u32 $0x1C02, s31;
	s7 =	sadd.s32 $0x5A000, s10  }
0xd: {  	s8 =	sadd.s32 $0x55000, s10;
	s10 =	smax.u32 s11, $0x1;
	s11 =	sshrl.u32 s13, $0x3  }
0xe: {  	s13 =	simm.s32 $0x1400;
	s9 =	sadd.s32 $0x2D800, s12;
	s12 =	simm.s32 $0x2  }
.LBB2_1:
0xf: {  	[spmem:s11], [sflag:s6] =	dma.local [hbm:s5], $0x13C0  }
0x10: {  	_ =	swait.ge [sflag:s12], $0x13C0  }
0x11: {  	[sflag:s12] =	ssyncset.done $0x0  }
0x12: {  	[sflag:s12] =	ssyncadd.s32 $0xFFFFEC40  }
0x13: {  	[tilespmem:s3], [sflag:$0x2] =	stream.linear.gather [hbm4b:s7+s3], $0x1400, $0x38;
	[tilespmem:$0xE600] =	vst v63  }
0x14: {  	_ =	swait.ge [sflag:s12], $0x1400  }
0x15: {  	[sflag:s12] =	ssyncset.done $0x0  }
0x16: {  	[sflag:s12] =	ssyncadd.s32 $0xFFFFEC00  }
0x17: {  	[tilespmem:s13], [sflag:$0x2] =	stream.linear.gather [hbm4b:s8+s3], $0x1400, $0x38;
	[tilespmem:$0xE600] =	vst v63  }
0x18: {  	_ =	swait.ge [sflag:s12], $0x1400  }
0x19: {  	[sflag:s12] =	ssyncset.done $0x0  }
0x1a: {  	[sflag:s12] =	ssyncadd.s32 $0xFFFFEC00  }
0x1b: {  	s18 =	simm.s32 $0x0;
	[bflag:$0x0] =	sbarrier.arrive $0xFFFF  }
0x1c: {  	[tilespmem:s15], [sflag:$0x1] =	stream.indirect.gather [hbm4b:s4+s14], $0x40, s18, s14, $0xb8;
	[tilespmem:$0xE600] =	vst v63  }
0x1d: {  	_ =	swait.ge [sflag:s16], $0x2000  }
0x1e: {  	[sflag:s16] =	ssyncset.done $0x0  }
0x1f: {  	s31 =	simm.s32 $0x1400;
	[sflag:s16] =	ssyncadd.s32 $0xFFFFE000  }
0x20: {  	[spmem:s2] =	stream.indirect.scatter.add.f32 [tilespmem:s15], [sflag:$0x2], $0x40, s31, s14, $0xb8;
	[tilespmem:$0xE600] =	vst v63  }
0x21: {  	_ =	swait.ge [sflag:s12], $0x2000  }
0x22: {  	s19 =	simm.s32 $0x400;
	s18 =	simm.s32 $0x200;
	[sflag:s12] =	ssyncset.done $0x0  }
.LBB2_2:
0x23: {  	s20 =	sshra.s32 s18, $0x2  }
0x24: {  	[sflag:s12] =	ssyncadd.s32 $0xFFFFE000;
	s18 =	smov.u32 s19;
	s21 =	sadd.s32 $0x200, s19  }
0x25: {  	[tilespmem:s15], [sflag:$0x1] =	stream.indirect.gather [hbm4b:s4+s14], $0x40, s20, s14, $0xb8;
	[tilespmem:$0xE600] =	vst v63  }
0x26: {  	p0 =	sne.s32 s19, $0x4E00;
	_ =	swait.ge [sflag:s16], $0x2000  }
.Ltmp0:
0x27: {  	[sflag:s16] =	ssyncset.done $0x0;
	(pc) =	sbr.rel @p0 .LBB2_2-.Ltmp0, $4  }
0x28: {  	s19 =	sadd.s32 $0x1400, s20;
	[sflag:s16] =	ssyncadd.s32 $0xFFFFE000  }
0x29: {  	[spmem:s2] =	stream.indirect.scatter.add.f32 [tilespmem:s15], [sflag:$0x2], $0x40, s19, s14, $0xb8;
	[tilespmem:$0xE600] =	vst v63  }
0x2a: {  	_ =	swait.ge [sflag:s12], $0x2000  }
0x2b: {  	s19 =	smov.u32 s21;
	[sflag:s12] =	ssyncset.done $0x0  }
0x2c: {  	s18 =	sshra.s32 s18, $0x2;
	[sflag:s12] =	ssyncadd.s32 $0xFFFFE000  }
0x2d: {  	[tilespmem:s15], [sflag:$0x1] =	stream.indirect.gather [hbm4b:s4+s14], $0x40, s18, s14, $0xb8;
	[tilespmem:$0xE600] =	vst v63  }
0x2e: {  	_ =	swait.ge [sflag:s16], $0x2000  }
0x2f: {  	[sflag:s16] =	ssyncset.done $0x0  }
0x30: {  	s18 =	sadd.s32 $0x1400, s18;
	[sflag:s16] =	ssyncadd.s32 $0xFFFFE000  }
0x31: {  	[spmem:s2] =	stream.indirect.scatter.add.f32 [tilespmem:s15], [sflag:$0x2], $0x40, s18, s14, $0xb8;
	[tilespmem:$0xE600] =	vst v63  }
0x32: {  	_ =	swait.ge [sflag:s12], $0x2000  }
0x33: {  	s17 =	sadd.s32 $0x1, s17;
	[sflag:s12] =	ssyncset.done $0x0  }
0x34: {  	p0 =	sne.s32 s17, s10;
	[sflag:s12] =	ssyncadd.s32 $0xFFFFE000  }
.Ltmp1:
0x35: {  	[bflag:$0x0] =	sbarrier.arrive $0xFFFF;
	(pc) =	sbr.rel @p0 .LBB2_1-.Ltmp1, $4  }
0x36: {  	[hbm:s9], [sflag:s6] =	dma.local [spmem:s11], $0x13C0  }
0x37: {  	_ =	swait.ge [sflag:s12], $0x13C0  }
0x38: {  	[sflag:s12] =	ssyncset.done $0x0  }
0x39: {  	[sflag:s12] =	ssyncadd.s32 $0xFFFFEC40  }
0x3a: {  	_ =	sfence.sel $0x180000  }
0x3b: {  	[bflag:$0x0] =	sbarrier.arrive $0xFFFF  }
0x3c: {  	p0 =	sne.s32 s0, $0x0;
	_ =	strace $0x9000004D  }
0x3d: {  	s0 =	sadd.s32 @!p0 $0x100000, s1;
	[bflag:$0x2] =	sbarrier.arrive $0xFFFF  }
0x3e: {  	[sflag:s0] =	ssyncadd.tile.s32 @!p0 $0x1;
	_ =	shalt  }
.Lfunc_end2:
_tile_overlayer_lowered:
.L_overlay_start_2:
0x3f: {  	(tag) =	ssettag $0x2  }
0x40: {  	s0 =	rddreg [dreg:$0x0];
	s2 =	stileid.u32  }
0x41: {  	s1 =	rddreg [dreg:$0x1];
	p0 =	sne.s32 s2, $0x0  }
0x42: {  	s3 =	rddreg [dreg:$0x2];
	[bflag:$0x3] =	sbarrier.arrive $0xFFFF;
	s2 =	simm.s32 @!p0 $0x1C02  }
0x43: {  	[timem:s3], [sflag:s2] =	dma.local @!p0 [hbm:s0], s1  }
0x44: {  	s0 =	simm.s32 @!p0 $0x2  }
0x45: {  	_ =	swait.ge @!p0 [sflag:s0], s1  }
0x46: {  	s1 =	ssub.s32 @!p0 $0x0, s1;
	[sflag:s0] =	ssyncset.done @!p0 $0x0  }
0x47: {  	[sflag:s0] =	ssyncadd.s32 @!p0 s1  }
0x48: {  	[bflag:$0x3] =	sbarrier.arrive $0xFFFF  }
0x49: {  	_ =	shalt  }

// kernel: kernel.22.cloned.1.call-start
scs
__scs_entry_jumppad:
0x0: {  	(pc) =	sbr.rel $0x88, $3  }
0x1: {  	(tag) =	ssettag $0x0;
	lr =	simm.s32 $0x1  }
0x2: {  	[smem:$0x3F79] =	sst lr;
	_ =	strace $0xD0000000  }
0x3: {  	_ = 	snop  }
0x4: {  	_ = 	snop  }
0x5: {  	_ = 	snop  }
0x6: {  	_ = 	snop  }
0x7: {  	_ = 	snop  }
__scs_overlays_trampoline_lowered:
0x8: {  	[smem:$0x3F88] =	sst s0  }
0x9: {  	[smem:$0x3F89] =	sst s1  }
0xa: {  	[smem:$0x3F8A] =	sst s2  }
0xb: {  	[smem:$0x3F8B] =	sst s3  }
0xc: {  	[smem:$0x3F8C] =	sst s4  }
0xd: {  	[smem:$0x3F8D] =	sst s5  }
0xe: {  	[smem:$0x3F8E] =	sst s6  }
0xf: {  	[smem:$0x3F8F] =	sst s7  }
0x10: {  	[smem:$0x3F90] =	sst s8  }
0x11: {  	[smem:$0x3F91] =	sst s9;
	s0 =	simm.s32 @!p0 $0x0  }
0x12: {  	s1 =	sld [smem:$0x3F77];
	s0 =	simm.s32 @p0 $0x1  }
0x13: {  	[smem:$0x3F92] =	sst s0;
	s0 =	simm.s32 @!p1 $0x0  }
0x14: {  	s2 =	sld [smem:$0x3F76];
	s0 =	simm.s32 @p1 $0x1  }
0x15: {  	[smem:$0x3F93] =	sst s0;
	s0 =	simm.s32 @!p2 $0x0  }
0x16: {  	s3 =	sld [smem:$0x3FDB];
	s0 =	simm.s32 @p2 $0x1  }
0x17: {  	s4 =	simm.s32 $0x1BF5;
	[smem:$0x3F95] =	sst s0  }
0x18: {  	s0 =	sld [smem:$0x3F78];
	_ =	swait.ge [sflag:s4], $0x0  }
0x19: {  	s7 =	sld [smem:$0x3F79]  }
0x1a: {  	s8 =	sadd.s32 $0xFFFFE003, lr  }
0x1b: {  	s9 =	sadd.s32 $0xFFFFFEF7, lr;
	s5 =	simm.s32 $0xFFFFFFFF;
	p2 =	slt.u32 s8, $0xFFFFF086  }
0x1c: {  	p1 =	slt.u32 s9, $0xF7A;
	s5 =	simm.s32 @!p2 $0x0  }
0x1d: {  	s5 =	simm.s32 @p1 $0x1;
	p0 =	seq.s32 s7, s2  }
0x1e: {  	s7 =	smul.u32 @!p0 $0xF7A, s2;
	p2 =	seq.s32 @!p0 s5, $0x0  }
0x1f: {  	s9 =	smul.u32 $0xF7A, s1;
	s8 =	simm.s32 @!p0 $0x1BF5;
	p2 =	por !p2, p0  }
0x20: {  	[sflag:s8] =	ssyncset.s32 @!p0 $0xFFFFF086;
	s6 =	sadd.s32 @!p0 s3, s7;
	s7 =	simm.s32 @!p0 $0x108  }
0x21: {  	s3 =	sadd.s32 s3, s9;
	s6 =	sadd.s32 @!p0 $0x88, s6;
	s7 =	simm.s32 @p2 $0x1082  }
0x22: {  	[simem:s7], [sflag:s8] =	dma.local @!p0 [hbm:s6], $0xF7A  }
0x23: {  	s9 =	sor.u32 $0xD0000000, s2;
	s6 =	simm.s32 $0x108;
	_ =	swait.ge @!p0 [sflag:s8], $0x0  }
0x24: {  	s3 =	sadd.s32 $0x88, s3;
	s6 =	simm.s32 @!p1 $0x1082;
	[sflag:s4] =	ssyncset.s32 $0xFFFFF086  }
0x25: {  	[simem:s6], [sflag:s4] =	dma.local [hbm:s3], $0xF7A  }
0x26: {  	[smem:$0x3F79] =	sst s1;
	(tag) =	ssettag s2;
	_ =	strace s9  }
0x27: {  	s1 =	sld [smem:$0x3F89]  }
0x28: {  	s2 =	sld [smem:$0x3F8A]  }
0x29: {  	s4 =	sld [smem:$0x3F8C]  }
0x2a: {  	p0 =	seq.s32 s5, $0x0;
	s5 =	sld [smem:$0x3F8D]  }
0x2b: {  	s6 =	sld [smem:$0x3F8E]  }
0x2c: {  	s7 =	sld [smem:$0x3F8F]  }
0x2d: {  	s3 =	simm.s32 $0x108;
	s8 =	sld [smem:$0x3F90]  }
0x2e: {  	s3 =	simm.s32 @!p0 $0x1082;
	s9 =	sld [smem:$0x3F91]  }
0x2f: {  	lr =	sadd.s32 s0, s3;
	s0 =	sld [smem:$0x3F88]  }
0x30: {  	s3 =	sld [smem:$0x3F8B]  }
0x31: {  	[smem:$0x3F94] =	sst s10  }
0x32: {  	s10 =	sld [smem:$0x3F92];
	_ =	sdelay $0x3  }
0x33: {  	p0 =	seq.s32 s10, $0x1;
	s10 =	sld [smem:$0x3F94];
	_ =	sdelay $0x3  }
0x34: {  	[smem:$0x3F94] =	sst s10  }
0x35: {  	s10 =	sld [smem:$0x3F93];
	_ =	sdelay $0x3  }
0x36: {  	p1 =	seq.s32 s10, $0x1;
	s10 =	sld [smem:$0x3F94];
	_ =	sdelay $0x3  }
0x37: {  	[smem:$0x3F94] =	sst s10  }
0x38: {  	s10 =	sld [smem:$0x3F95]  }
0x39: {  	_ = 	snop;
	(pc) =	sbr.ind lr, $3  }
0x3a: {  	_ = 	snop  }
0x3b: {  	_ = 	snop  }
0x3c: {  	p2 =	seq.s32 s10, $0x1;
	s10 =	sld [smem:$0x3F94]  }
0x3d: {  	_ =	shalt  }
0x3e: {  	_ =	shalt  }
0x3f: {  	_ =	shalt  }
0x40: {  	_ =	shalt  }
0x41: {  	_ =	shalt  }
0x42: {  	_ =	shalt  }
0x43: {  	_ =	shalt  }
0x44: {  	_ =	shalt  }
0x45: {  	_ =	shalt  }
0x46: {  	_ =	shalt  }
0x47: {  	_ =	shalt  }
0x48: {  	_ =	shalt  }
0x49: {  	_ =	shalt  }
0x4a: {  	_ =	shalt  }
0x4b: {  	_ =	shalt  }
0x4c: {  	_ =	shalt  }
0x4d: {  	_ =	shalt  }
0x4e: {  	_ =	shalt  }
0x4f: {  	_ =	shalt  }
0x50: {  	_ =	shalt  }
0x51: {  	_ =	shalt  }
0x52: {  	_ =	shalt  }
0x53: {  	_ =	shalt  }
0x54: {  	_ =	shalt  }
0x55: {  	_ =	shalt  }
0x56: {  	_ =	shalt  }
0x57: {  	_ =	shalt  }
0x58: {  	_ =	shalt  }
0x59: {  	_ =	shalt  }
0x5a: {  	_ =	shalt  }
0x5b: {  	_ =	shalt  }
0x5c: {  	_ =	shalt  }
0x5d: {  	_ =	shalt  }
0x5e: {  	_ =	shalt  }
0x5f: {  	_ =	shalt  }
0x60: {  	_ =	shalt  }
0x61: {  	_ =	shalt  }
0x62: {  	_ =	shalt  }
0x63: {  	_ =	shalt  }
0x64: {  	_ =	shalt  }
0x65: {  	_ =	shalt  }
0x66: {  	_ =	shalt  }
0x67: {  	_ =	shalt  }
0x68: {  	_ =	shalt  }
0x69: {  	_ =	shalt  }
0x6a: {  	_ =	shalt  }
0x6b: {  	_ =	shalt  }
0x6c: {  	_ =	shalt  }
0x6d: {  	_ =	shalt  }
0x6e: {  	_ =	shalt  }
0x6f: {  	_ =	shalt  }
0x70: {  	_ =	shalt  }
0x71: {  	_ =	shalt  }
0x72: {  	_ =	shalt  }
0x73: {  	_ =	shalt  }
0x74: {  	_ =	shalt  }
0x75: {  	_ =	shalt  }
0x76: {  	_ =	shalt  }
0x77: {  	_ =	shalt  }
0x78: {  	_ =	shalt  }
0x79: {  	_ =	shalt  }
0x7a: {  	_ =	shalt  }
0x7b: {  	_ =	shalt  }
0x7c: {  	_ =	shalt  }
0x7d: {  	_ =	shalt  }
0x7e: {  	_ =	shalt  }
0x7f: {  	_ =	shalt  }
0x80: {  	_ =	shalt  }
0x81: {  	_ =	shalt  }
0x82: {  	_ =	shalt  }
0x83: {  	_ =	shalt  }
0x84: {  	_ =	shalt  }
0x85: {  	_ =	shalt  }
0x86: {  	_ =	shalt  }
0x87: {  	_ =	shalt  }
.Lfunc_end0:
.L_simem_size_0:
called_computation.3_lowered:
.L_overlay_start_0:
0x88: {  	s2 =	sld [smem:$0x3FD9]  }
0x89: {  	s3 =	sld [smem:$0x3FFE];
	_ =	sdelay $0x1  }
0x8a: {  	s1 =	srdreg.scid  }
0x8b: {  	s0 =	sand.u32 $0x1, s1  }
0x8c: {  	s16 =	sshll.u32 s0, $0xA;
	s2 =	sadd.s32 s3, s2  }
0x8d: {  	s2 =	sadd.s32 s2, s16  }
0x8e: {  	[smem:$0x3FA0] =	sst s2  }
0x8f: {  	_ = 	snop  }
0x90: {  	(tm) =	ssettm $0x1  }
0x91: {  	s17 =	sld [smem:$0x3FFB];
	_ =	sdelay $0x3  }
0x92: {  	_ =	strace s17  }
0x93: {  	s2 =	sld [smem:$0x3FFC];
	_ =	sdelay $0x3  }
0x94: {  	_ =	strace s2  }
0x95: {  	s2 =	sld [smem:$0x3FFD];
	_ =	sdelay $0x3  }
0x96: {  	_ =	strace s2  }
0x97: {  	_ =	strace $0x8FFFFFFF  }
0x98: {  	s18 =	sld [smem:$0x3FDB];
	_ =	sdelay $0x1  }
0x99: {  	s19 =	simm.s32 $_scs_section_size  }
0x9a: {  	s4 =	simm.s32 $_size__tile_overlayer_lowered;
	s5 =	simm.s32 $_tile_overlayer_lowered  }
0x9b: {  	s22 =	simm.s32 $0x1BFF;
	s21 =	sshll.u32 s5, $0x1;
	s2 =	sadd.s32 s19, s18  }
0x9c: {  	s6 =	simm.s32 $0x0;
	s20 =	sshll.u32 s4, $0x1;
	s4 =	sadd.s32 s21, s2  }
0x9d: {  	[timem:s6], [sflag:s22] =	dma.local [hbm:s4], s20  }
0x9e: {  	_ =	swait.ge [sflag:s22], s20  }
0x9f: {  	s3 =	ssub.s32 $0x0, s20;
	[sflag:s22] =	ssyncset.done $0x0  }
0xa0: {  	[sflag:s22] =	ssyncadd.s32 s3;
	_ =	sdelay $0x1  }
0xa1: {  	s23 =	simm.s32 $0x1B8B  }
0xa2: {  	_ =	swait.ge [sflag:s23], $0x1  }
0xa3: {  	[sflag:s23] =	ssyncset.done $0x0  }
0xa4: {  	s25 =	simm.s32 $0x1B8E;
	s24 =	sld [smem:$0x3FFE];
	[sflag:s23] =	ssyncadd.s32 $0xFFFFFFFF  }
0xa5: {  	s26 =	simm.s32 $execute0_lowered;
	[smem:$0x3FD2] =	sst s25  }
0xa6: {  	s4 =	sshll.u32 s26, $0x1;
	_ =	strace $0x8000004F;
	[dreg:$0x1] =	wrdreg $0xFFFFFFFF  }
0xa7: {  	s28 =	simm.s32 $_size_execute0_lowered;
	s2 =	sadd.s32 s2, s4;
	[dreg:$0x0] =	wrdreg $0x0  }
0xa8: {  	s4 =	sshll.u32 s28, $0x1;
	[dreg:$0x2] =	wrdreg s2  }
0xa9: {  	[dreg:$0x3] =	wrdreg s4  }
0xaa: {  	[dreg:$0x4] =	wrdreg $0xC0  }
0xab: {  	_ =	task [dreg:s6], $0x5FFFF  }
0xac: {  	[dreg:$0x1] =	wrdreg $0xFFFFFFFF  }
0xad: {  	[dreg:$0x0] =	wrdreg $0x60  }
0xae: {  	[dreg:$0x2] =	wrdreg s24  }
0xaf: {  	[dreg:$0x3] =	wrdreg $0x48000  }
0xb0: {  	[dreg:$0x4] =	wrdreg $0x9  }
0xb1: {  	_ =	task.clear_ibuf [dreg:s6], $0x5FFFF;
	_ =	strace $0x9000004F  }
0xb2: {  	s29 =	simm.s32 $0x9;
	_ =	strace $0x80000051  }
0xb3: {  	_ =	swait.ge [sflag:s29], $0x1  }
0xb4: {  	[sflag:s29] =	ssyncadd.s32 $0xFFFFFFFF  }
0xb5: {  	_ =	strace $0x90000051  }
0xb6: {  	_ =	sfence  }
0xb7: {  	s30 =	sld [smem:$0x0];
	_ =	sdelay $0x2  }
0xb8: {  	s31 =	sshll.u32 s1, $0xD;
	s1 =	sshrl.u32 s1, $0x2  }
0xb9: {  	s3 =	sand.u32 $0x4000, s31;
	s1 =	sadd.s32 s1, s30  }
0xba: {  	s0 =	sor.u32 s3, s0;
	s1 =	sshll.u32 s1, $0x11  }
0xbb: {  	s0 =	sor.u32 s1, s0  }
0xbc: {  	s0 =	sadd.s32 $0x8F2B, s0  }
0xbd: {  	[sflag:s0] =	ssyncadd.remote.s32 $0x1  }
0xbe: {  	_ =	sfence.sel $0xFFFF  }
0xbf: {  	[dreg:$0x0] =	wrdreg $0xFFFFFFFF;
	(pc) =	sbr.abs _section_cstart, $3  }
0xc0: {  	[dreg:$0x1] =	wrdreg $0xFFFFFFFF  }
0xc1: {  	_ =	task.clear_ibuf [dreg:s6], $0x2FFFF;
	_ =	strace $0x9FFFFFFF  }
0xc2: {  	(tm) =	ssettm $0x7FFFFFFF  }
0xc3: {  	_ =	shalt  }
tec
execute0_lowered:
.L_overlay_start_1:
0x0: {  	(tag) =	ssettag $0x1  }
0x1: {  	s1 =	srdreg.scid  }
0x2: {  	s0 =	stileid.u32;
	s6 =	rddreg [dreg:$0x0]  }
0x3: {  	s2 =	rddreg [dreg:$0x1];
	s3 =	simm.s32 $0x0;
	s14 =	simm.s32 $0x80  }
0x4: {  	s15 =	simm.s32 $0x2800;
	s16 =	simm.s32 $0x1;
	s17 =	simm.s32 $0x0  }
0x5: {  	s5 =	sand.u32 $0x1, s1;
	s28 =	sshll.u32 s0, $0x1;
	s8 =	smul.u32 $0x9E00, s0  }
0x6: {  	[smem:$0x7FF] =	sst s3;
	s4 =	sadd.s32 $0x6000, s6;
	s31 =	sshll.u32 s0, $0x6  }
0x7: {  	s1 =	sor.u32 s5, s28;
	s9 =	smul.u32 $0x9E000, s5;
	s5 =	ssub.s32 $0x2, s5  }
0x8: {  	s7 =	smul.u32 $0x280, s1;
	s1 =	rddreg [dreg:$0x2];
	_ =	strace $0x80000050  }
0x9: {  	s30 =	sshrl.u32 s8, $0x3;
	s11 =	sshrl.u32 s5, $0x1;
	s13 =	sadd.s32 s8, s2  }
0xa: {  	s29 =	sadd.s32 s8, s9;
	s9 =	sadd.s32 s30, s6;
	s11 =	ssub.s32 s5, s11  }
0xb: {  	s10 =	sadd.s32 s7, s6;
	s7 =	sshrl.u32 s29, $0x3;
	s5 =	sadd.s32 $0x19C00, s9  }
0xc: {  	s12 =	sadd.s32 s7, s6;
	s6 =	sor.u32 $0x1C02, s31;
	s7 =	sadd.s32 $0x5A000, s10  }
0xd: {  	s8 =	sadd.s32 $0x55000, s10;
	s10 =	smax.u32 s11, $0x1;
	s11 =	sshrl.u32 s13, $0x3  }
0xe: {  	s13 =	simm.s32 $0x1400;
	s9 =	sadd.s32 $0x2D800, s12;
	s12 =	simm.s32 $0x2  }
.LBB2_1:
0xf: {  	[spmem:s11], [sflag:s6] =	dma.local [hbm:s5], $0x13C0  }
0x10: {  	_ =	swait.ge [sflag:s12], $0x13C0  }
0x11: {  	[sflag:s12] =	ssyncset.done $0x0  }
0x12: {  	[sflag:s12] =	ssyncadd.s32 $0xFFFFEC40  }
0x13: {  	[tilespmem:s3], [sflag:$0x2] =	stream.linear.gather [hbm4b:s7+s3], $0x1400, $0x38;
	[tilespmem:$0xE600] =	vst v63  }
0x14: {  	_ =	swait.ge [sflag:s12], $0x1400  }
0x15: {  	[sflag:s12] =	ssyncset.done $0x0  }
0x16: {  	[sflag:s12] =	ssyncadd.s32 $0xFFFFEC00  }
0x17: {  	[tilespmem:s13], [sflag:$0x2] =	stream.linear.gather [hbm4b:s8+s3], $0x1400, $0x38;
	[tilespmem:$0xE600] =	vst v63  }
0x18: {  	_ =	swait.ge [sflag:s12], $0x1400  }
0x19: {  	[sflag:s12] =	ssyncset.done $0x0  }
0x1a: {  	[sflag:s12] =	ssyncadd.s32 $0xFFFFEC00  }
0x1b: {  	s18 =	simm.s32 $0x0;
	[bflag:$0x0] =	sbarrier.arrive $0xFFFF  }
0x1c: {  	[tilespmem:s15], [sflag:$0x1] =	stream.indirect.gather [hbm4b:s4+s14], $0x40, s18, s14, $0xb8;
	[tilespmem:$0xE600] =	vst v63  }
0x1d: {  	_ =	swait.ge [sflag:s16], $0x2000  }
0x1e: {  	[sflag:s16] =	ssyncset.done $0x0  }
0x1f: {  	s31 =	simm.s32 $0x1400;
	[sflag:s16] =	ssyncadd.s32 $0xFFFFE000  }
0x20: {  	[spmem:s2] =	stream.indirect.scatter.add.f32 [tilespmem:s15], [sflag:$0x2], $0x40, s31, s14, $0xb8;
	[tilespmem:$0xE600] =	vst v63  }
0x21: {  	_ =	swait.ge [sflag:s12], $0x2000  }
0x22: {  	s19 =	simm.s32 $0x400;
	s18 =	simm.s32 $0x200;
	[sflag:s12] =	ssyncset.done $0x0  }
.LBB2_2:
0x23: {  	s20 =	sshra.s32 s18, $0x2  }
0x24: {  	[sflag:s12] =	ssyncadd.s32 $0xFFFFE000;
	s18 =	smov.u32 s19;
	s21 =	sadd.s32 $0x200, s19  }
0x25: {  	[tilespmem:s15], [sflag:$0x1] =	stream.indirect.gather [hbm4b:s4+s14], $0x40, s20, s14, $0xb8;
	[tilespmem:$0xE600] =	vst v63  }
0x26: {  	p0 =	sne.s32 s19, $0x4E00;
	_ =	swait.ge [sflag:s16], $0x2000  }
.Ltmp0:
0x27: {  	[sflag:s16] =	ssyncset.done $0x0;
	(pc) =	sbr.rel @p0 .LBB2_2-.Ltmp0, $4  }
0x28: {  	s19 =	sadd.s32 $0x1400, s20;
	[sflag:s16] =	ssyncadd.s32 $0xFFFFE000  }
0x29: {  	[spmem:s2] =	stream.indirect.scatter.add.f32 [tilespmem:s15], [sflag:$0x2], $0x40, s19, s14, $0xb8;
	[tilespmem:$0xE600] =	vst v63  }
0x2a: {  	_ =	swait.ge [sflag:s12], $0x2000  }
0x2b: {  	s19 =	smov.u32 s21;
	[sflag:s12] =	ssyncset.done $0x0  }
0x2c: {  	s18 =	sshra.s32 s18, $0x2;
	[sflag:s12] =	ssyncadd.s32 $0xFFFFE000  }
0x2d: {  	[tilespmem:s15], [sflag:$0x1] =	stream.indirect.gather [hbm4b:s4+s14], $0x40, s18, s14, $0xb8;
	[tilespmem:$0xE600] =	vst v63  }
0x2e: {  	_ =	swait.ge [sflag:s16], $0x2000  }
0x2f: {  	[sflag:s16] =	ssyncset.done $0x0  }
0x30: {  	s18 =	sadd.s32 $0x1400, s18;
	[sflag:s16] =	ssyncadd.s32 $0xFFFFE000  }
0x31: {  	[spmem:s2] =	stream.indirect.scatter.add.f32 [tilespmem:s15], [sflag:$0x2], $0x40, s18, s14, $0xb8;
	[tilespmem:$0xE600] =	vst v63  }
0x32: {  	_ =	swait.ge [sflag:s12], $0x2000  }
0x33: {  	s17 =	sadd.s32 $0x1, s17;
	[sflag:s12] =	ssyncset.done $0x0  }
0x34: {  	p0 =	sne.s32 s17, s10;
	[sflag:s12] =	ssyncadd.s32 $0xFFFFE000  }
.Ltmp1:
0x35: {  	[bflag:$0x0] =	sbarrier.arrive $0xFFFF;
	(pc) =	sbr.rel @p0 .LBB2_1-.Ltmp1, $4  }
0x36: {  	[hbm:s9], [sflag:s6] =	dma.local [spmem:s11], $0x13C0  }
0x37: {  	_ =	swait.ge [sflag:s12], $0x13C0  }
0x38: {  	[sflag:s12] =	ssyncset.done $0x0  }
0x39: {  	[sflag:s12] =	ssyncadd.s32 $0xFFFFEC40  }
0x3a: {  	_ =	sfence.sel $0x180000  }
0x3b: {  	[bflag:$0x0] =	sbarrier.arrive $0xFFFF  }
0x3c: {  	p0 =	sne.s32 s0, $0x0;
	_ =	strace $0x90000050  }
0x3d: {  	s0 =	sadd.s32 @!p0 $0x100000, s1;
	[bflag:$0x2] =	sbarrier.arrive $0xFFFF  }
0x3e: {  	[sflag:s0] =	ssyncadd.tile.s32 @!p0 $0x1;
	_ =	shalt  }
.Lfunc_end2:
_tile_overlayer_lowered:
.L_overlay_start_2:
0x3f: {  	(tag) =	ssettag $0x2  }
0x40: {  	s0 =	rddreg [dreg:$0x0];
	s2 =	stileid.u32  }
0x41: {  	s1 =	rddreg [dreg:$0x1];
	p0 =	sne.s32 s2, $0x0  }
0x42: {  	s3 =	rddreg [dreg:$0x2];
	[bflag:$0x3] =	sbarrier.arrive $0xFFFF;
	s2 =	simm.s32 @!p0 $0x1C02  }
0x43: {  	[timem:s3], [sflag:s2] =	dma.local @!p0 [hbm:s0], s1  }
0x44: {  	s0 =	simm.s32 @!p0 $0x2  }
0x45: {  	_ =	swait.ge @!p0 [sflag:s0], s1  }
0x46: {  	s1 =	ssub.s32 @!p0 $0x0, s1;
	[sflag:s0] =	ssyncset.done @!p0 $0x0  }
0x47: {  	[sflag:s0] =	ssyncadd.s32 @!p0 s1  }
0x48: {  	[bflag:$0x3] =	sbarrier.arrive $0xFFFF  }
0x49: {  	_ =	shalt  }

// kernel: kernel.25.cloned.1.call-start
scs
__scs_entry_jumppad:
0x0: {  	(pc) =	sbr.rel $0x88, $3  }
0x1: {  	(tag) =	ssettag $0x0;
	lr =	simm.s32 $0x1  }
0x2: {  	[smem:$0x3F79] =	sst lr;
	_ =	strace $0xD0000000  }
0x3: {  	_ = 	snop  }
0x4: {  	_ = 	snop  }
0x5: {  	_ = 	snop  }
0x6: {  	_ = 	snop  }
0x7: {  	_ = 	snop  }
__scs_overlays_trampoline_lowered:
0x8: {  	[smem:$0x3F88] =	sst s0  }
0x9: {  	[smem:$0x3F89] =	sst s1  }
0xa: {  	[smem:$0x3F8A] =	sst s2  }
0xb: {  	[smem:$0x3F8B] =	sst s3  }
0xc: {  	[smem:$0x3F8C] =	sst s4  }
0xd: {  	[smem:$0x3F8D] =	sst s5  }
0xe: {  	[smem:$0x3F8E] =	sst s6  }
0xf: {  	[smem:$0x3F8F] =	sst s7  }
0x10: {  	[smem:$0x3F90] =	sst s8  }
0x11: {  	[smem:$0x3F91] =	sst s9;
	s0 =	simm.s32 @!p0 $0x0  }
0x12: {  	s1 =	sld [smem:$0x3F77];
	s0 =	simm.s32 @p0 $0x1  }
0x13: {  	[smem:$0x3F92] =	sst s0;
	s0 =	simm.s32 @!p1 $0x0  }
0x14: {  	s2 =	sld [smem:$0x3F76];
	s0 =	simm.s32 @p1 $0x1  }
0x15: {  	[smem:$0x3F93] =	sst s0;
	s0 =	simm.s32 @!p2 $0x0  }
0x16: {  	s3 =	sld [smem:$0x3FDB];
	s0 =	simm.s32 @p2 $0x1  }
0x17: {  	s4 =	simm.s32 $0x1BF5;
	[smem:$0x3F95] =	sst s0  }
0x18: {  	s0 =	sld [smem:$0x3F78];
	_ =	swait.ge [sflag:s4], $0x0  }
0x19: {  	s7 =	sld [smem:$0x3F79]  }
0x1a: {  	s8 =	sadd.s32 $0xFFFFE003, lr  }
0x1b: {  	s9 =	sadd.s32 $0xFFFFFEF7, lr;
	s5 =	simm.s32 $0xFFFFFFFF;
	p2 =	slt.u32 s8, $0xFFFFF086  }
0x1c: {  	p1 =	slt.u32 s9, $0xF7A;
	s5 =	simm.s32 @!p2 $0x0  }
0x1d: {  	s5 =	simm.s32 @p1 $0x1;
	p0 =	seq.s32 s7, s2  }
0x1e: {  	s7 =	smul.u32 @!p0 $0xF7A, s2;
	p2 =	seq.s32 @!p0 s5, $0x0  }
0x1f: {  	s9 =	smul.u32 $0xF7A, s1;
	s8 =	simm.s32 @!p0 $0x1BF5;
	p2 =	por !p2, p0  }
0x20: {  	[sflag:s8] =	ssyncset.s32 @!p0 $0xFFFFF086;
	s6 =	sadd.s32 @!p0 s3, s7;
	s7 =	simm.s32 @!p0 $0x108  }
0x21: {  	s3 =	sadd.s32 s3, s9;
	s6 =	sadd.s32 @!p0 $0x88, s6;
	s7 =	simm.s32 @p2 $0x1082  }
0x22: {  	[simem:s7], [sflag:s8] =	dma.local @!p0 [hbm:s6], $0xF7A  }
0x23: {  	s9 =	sor.u32 $0xD0000000, s2;
	s6 =	simm.s32 $0x108;
	_ =	swait.ge @!p0 [sflag:s8], $0x0  }
0x24: {  	s3 =	sadd.s32 $0x88, s3;
	s6 =	simm.s32 @!p1 $0x1082;
	[sflag:s4] =	ssyncset.s32 $0xFFFFF086  }
0x25: {  	[simem:s6], [sflag:s4] =	dma.local [hbm:s3], $0xF7A  }
0x26: {  	[smem:$0x3F79] =	sst s1;
	(tag) =	ssettag s2;
	_ =	strace s9  }
0x27: {  	s1 =	sld [smem:$0x3F89]  }
0x28: {  	s2 =	sld [smem:$0x3F8A]  }
0x29: {  	s4 =	sld [smem:$0x3F8C]  }
0x2a: {  	p0 =	seq.s32 s5, $0x0;
	s5 =	sld [smem:$0x3F8D]  }
0x2b: {  	s6 =	sld [smem:$0x3F8E]  }
0x2c: {  	s7 =	sld [smem:$0x3F8F]  }
0x2d: {  	s3 =	simm.s32 $0x108;
	s8 =	sld [smem:$0x3F90]  }
0x2e: {  	s3 =	simm.s32 @!p0 $0x1082;
	s9 =	sld [smem:$0x3F91]  }
0x2f: {  	lr =	sadd.s32 s0, s3;
	s0 =	sld [smem:$0x3F88]  }
0x30: {  	s3 =	sld [smem:$0x3F8B]  }
0x31: {  	[smem:$0x3F94] =	sst s10  }
0x32: {  	s10 =	sld [smem:$0x3F92];
	_ =	sdelay $0x3  }
0x33: {  	p0 =	seq.s32 s10, $0x1;
	s10 =	sld [smem:$0x3F94];
	_ =	sdelay $0x3  }
0x34: {  	[smem:$0x3F94] =	sst s10  }
0x35: {  	s10 =	sld [smem:$0x3F93];
	_ =	sdelay $0x3  }
0x36: {  	p1 =	seq.s32 s10, $0x1;
	s10 =	sld [smem:$0x3F94];
	_ =	sdelay $0x3  }
0x37: {  	[smem:$0x3F94] =	sst s10  }
0x38: {  	s10 =	sld [smem:$0x3F95]  }
0x39: {  	_ = 	snop;
	(pc) =	sbr.ind lr, $3  }
0x3a: {  	_ = 	snop  }
0x3b: {  	_ = 	snop  }
0x3c: {  	p2 =	seq.s32 s10, $0x1;
	s10 =	sld [smem:$0x3F94]  }
0x3d: {  	_ =	shalt  }
0x3e: {  	_ =	shalt  }
0x3f: {  	_ =	shalt  }
0x40: {  	_ =	shalt  }
0x41: {  	_ =	shalt  }
0x42: {  	_ =	shalt  }
0x43: {  	_ =	shalt  }
0x44: {  	_ =	shalt  }
0x45: {  	_ =	shalt  }
0x46: {  	_ =	shalt  }
0x47: {  	_ =	shalt  }
0x48: {  	_ =	shalt  }
0x49: {  	_ =	shalt  }
0x4a: {  	_ =	shalt  }
0x4b: {  	_ =	shalt  }
0x4c: {  	_ =	shalt  }
0x4d: {  	_ =	shalt  }
0x4e: {  	_ =	shalt  }
0x4f: {  	_ =	shalt  }
0x50: {  	_ =	shalt  }
0x51: {  	_ =	shalt  }
0x52: {  	_ =	shalt  }
0x53: {  	_ =	shalt  }
0x54: {  	_ =	shalt  }
0x55: {  	_ =	shalt  }
0x56: {  	_ =	shalt  }
0x57: {  	_ =	shalt  }
0x58: {  	_ =	shalt  }
0x59: {  	_ =	shalt  }
0x5a: {  	_ =	shalt  }
0x5b: {  	_ =	shalt  }
0x5c: {  	_ =	shalt  }
0x5d: {  	_ =	shalt  }
0x5e: {  	_ =	shalt  }
0x5f: {  	_ =	shalt  }
0x60: {  	_ =	shalt  }
0x61: {  	_ =	shalt  }
0x62: {  	_ =	shalt  }
0x63: {  	_ =	shalt  }
0x64: {  	_ =	shalt  }
0x65: {  	_ =	shalt  }
0x66: {  	_ =	shalt  }
0x67: {  	_ =	shalt  }
0x68: {  	_ =	shalt  }
0x69: {  	_ =	shalt  }
0x6a: {  	_ =	shalt  }
0x6b: {  	_ =	shalt  }
0x6c: {  	_ =	shalt  }
0x6d: {  	_ =	shalt  }
0x6e: {  	_ =	shalt  }
0x6f: {  	_ =	shalt  }
0x70: {  	_ =	shalt  }
0x71: {  	_ =	shalt  }
0x72: {  	_ =	shalt  }
0x73: {  	_ =	shalt  }
0x74: {  	_ =	shalt  }
0x75: {  	_ =	shalt  }
0x76: {  	_ =	shalt  }
0x77: {  	_ =	shalt  }
0x78: {  	_ =	shalt  }
0x79: {  	_ =	shalt  }
0x7a: {  	_ =	shalt  }
0x7b: {  	_ =	shalt  }
0x7c: {  	_ =	shalt  }
0x7d: {  	_ =	shalt  }
0x7e: {  	_ =	shalt  }
0x7f: {  	_ =	shalt  }
0x80: {  	_ =	shalt  }
0x81: {  	_ =	shalt  }
0x82: {  	_ =	shalt  }
0x83: {  	_ =	shalt  }
0x84: {  	_ =	shalt  }
0x85: {  	_ =	shalt  }
0x86: {  	_ =	shalt  }
0x87: {  	_ =	shalt  }
.Lfunc_end0:
.L_simem_size_0:
called_computation.4_lowered:
.L_overlay_start_0:
0x88: {  	s2 =	sld [smem:$0x3FD9]  }
0x89: {  	s3 =	sld [smem:$0x3FFE];
	_ =	sdelay $0x1  }
0x8a: {  	s1 =	srdreg.scid  }
0x8b: {  	s0 =	sand.u32 $0x1, s1  }
0x8c: {  	s16 =	sshll.u32 s0, $0xA;
	s2 =	sadd.s32 s3, s2  }
0x8d: {  	s2 =	sadd.s32 s2, s16  }
0x8e: {  	[smem:$0x3FA0] =	sst s2  }
0x8f: {  	_ = 	snop  }
0x90: {  	(tm) =	ssettm $0x1  }
0x91: {  	s17 =	sld [smem:$0x3FFB];
	_ =	sdelay $0x3  }
0x92: {  	_ =	strace s17  }
0x93: {  	s2 =	sld [smem:$0x3FFC];
	_ =	sdelay $0x3  }
0x94: {  	_ =	strace s2  }
0x95: {  	s2 =	sld [smem:$0x3FFD];
	_ =	sdelay $0x3  }
0x96: {  	_ =	strace s2  }
0x97: {  	_ =	strace $0x8FFFFFFF  }
0x98: {  	s18 =	sld [smem:$0x3FDB];
	_ =	sdelay $0x1  }
0x99: {  	s19 =	simm.s32 $_scs_section_size  }
0x9a: {  	s4 =	simm.s32 $_size__tile_overlayer_lowered;
	s5 =	simm.s32 $_tile_overlayer_lowered  }
0x9b: {  	s22 =	simm.s32 $0x1BFF;
	s21 =	sshll.u32 s5, $0x1;
	s2 =	sadd.s32 s19, s18  }
0x9c: {  	s6 =	simm.s32 $0x0;
	s20 =	sshll.u32 s4, $0x1;
	s4 =	sadd.s32 s21, s2  }
0x9d: {  	[timem:s6], [sflag:s22] =	dma.local [hbm:s4], s20  }
0x9e: {  	_ =	swait.ge [sflag:s22], s20  }
0x9f: {  	s3 =	ssub.s32 $0x0, s20;
	[sflag:s22] =	ssyncset.done $0x0  }
0xa0: {  	[sflag:s22] =	ssyncadd.s32 s3;
	_ =	sdelay $0x1  }
0xa1: {  	s23 =	simm.s32 $0x1B8B  }
0xa2: {  	_ =	swait.ge [sflag:s23], $0x1  }
0xa3: {  	[sflag:s23] =	ssyncset.done $0x0  }
0xa4: {  	s25 =	simm.s32 $0x1B8E;
	s24 =	sld [smem:$0x3FFE];
	[sflag:s23] =	ssyncadd.s32 $0xFFFFFFFF  }
0xa5: {  	s26 =	simm.s32 $execute0_lowered;
	[smem:$0x3FD2] =	sst s25  }
0xa6: {  	s4 =	sshll.u32 s26, $0x1;
	_ =	strace $0x80000052;
	[dreg:$0x1] =	wrdreg $0xFFFFFFFF  }
0xa7: {  	s28 =	simm.s32 $_size_execute0_lowered;
	s2 =	sadd.s32 s2, s4;
	[dreg:$0x0] =	wrdreg $0x0  }
0xa8: {  	s4 =	sshll.u32 s28, $0x1;
	[dreg:$0x2] =	wrdreg s2  }
0xa9: {  	[dreg:$0x3] =	wrdreg s4  }
0xaa: {  	[dreg:$0x4] =	wrdreg $0xC0  }
0xab: {  	_ =	task [dreg:s6], $0x5FFFF  }
0xac: {  	[dreg:$0x1] =	wrdreg $0xFFFFFFFF  }
0xad: {  	[dreg:$0x0] =	wrdreg $0x60  }
0xae: {  	[dreg:$0x2] =	wrdreg s24  }
0xaf: {  	[dreg:$0x3] =	wrdreg $0x48000  }
0xb0: {  	[dreg:$0x4] =	wrdreg $0x9  }
0xb1: {  	_ =	task.clear_ibuf [dreg:s6], $0x5FFFF;
	_ =	strace $0x90000052  }
0xb2: {  	s29 =	simm.s32 $0x9;
	_ =	strace $0x80000054  }
0xb3: {  	_ =	swait.ge [sflag:s29], $0x1  }
0xb4: {  	[sflag:s29] =	ssyncadd.s32 $0xFFFFFFFF  }
0xb5: {  	_ =	strace $0x90000054  }
0xb6: {  	_ =	sfence  }
0xb7: {  	s30 =	sld [smem:$0x0];
	_ =	sdelay $0x2  }
0xb8: {  	s31 =	sshll.u32 s1, $0xD;
	s1 =	sshrl.u32 s1, $0x2  }
0xb9: {  	s3 =	sand.u32 $0x4000, s31;
	s1 =	sadd.s32 s1, s30  }
0xba: {  	s0 =	sor.u32 s3, s0;
	s1 =	sshll.u32 s1, $0x11  }
0xbb: {  	s0 =	sor.u32 s1, s0  }
0xbc: {  	s0 =	sadd.s32 $0x8F2B, s0  }
0xbd: {  	[sflag:s0] =	ssyncadd.remote.s32 $0x1  }
0xbe: {  	_ =	sfence.sel $0xFFFF  }
0xbf: {  	[dreg:$0x0] =	wrdreg $0xFFFFFFFF;
	(pc) =	sbr.abs _section_cstart, $3  }
0xc0: {  	[dreg:$0x1] =	wrdreg $0xFFFFFFFF  }
0xc1: {  	_ =	task.clear_ibuf [dreg:s6], $0x2FFFF;
	_ =	strace $0x9FFFFFFF  }
0xc2: {  	(tm) =	ssettm $0x7FFFFFFF  }
0xc3: {  	_ =	shalt  }
tec
execute0_lowered:
.L_overlay_start_1:
0x0: {  	(tag) =	ssettag $0x1  }
0x1: {  	s1 =	srdreg.scid  }
0x2: {  	s0 =	stileid.u32;
	s6 =	rddreg [dreg:$0x0]  }
0x3: {  	s2 =	rddreg [dreg:$0x1];
	s3 =	simm.s32 $0x0;
	s14 =	simm.s32 $0x80  }
0x4: {  	s15 =	simm.s32 $0x2800;
	s16 =	simm.s32 $0x1;
	s17 =	simm.s32 $0x0  }
0x5: {  	s5 =	sand.u32 $0x1, s1;
	s28 =	sshll.u32 s0, $0x1;
	s8 =	smul.u32 $0x9E00, s0  }
0x6: {  	[smem:$0x7FF] =	sst s3;
	s4 =	sadd.s32 $0x6000, s6;
	s31 =	sshll.u32 s0, $0x6  }
0x7: {  	s1 =	sor.u32 s5, s28;
	s9 =	smul.u32 $0x9E000, s5;
	s5 =	ssub.s32 $0x2, s5  }
0x8: {  	s7 =	smul.u32 $0x280, s1;
	s1 =	rddreg [dreg:$0x2];
	_ =	strace $0x80000053  }
0x9: {  	s30 =	sshrl.u32 s8, $0x3;
	s11 =	sshrl.u32 s5, $0x1;
	s13 =	sadd.s32 s8, s2  }
0xa: {  	s29 =	sadd.s32 s8, s9;
	s9 =	sadd.s32 s30, s6;
	s11 =	ssub.s32 s5, s11  }
0xb: {  	s10 =	sadd.s32 s7, s6;
	s7 =	sshrl.u32 s29, $0x3;
	s5 =	sadd.s32 $0x19C00, s9  }
0xc: {  	s12 =	sadd.s32 s7, s6;
	s6 =	sor.u32 $0x1C02, s31;
	s7 =	sadd.s32 $0x5A000, s10  }
0xd: {  	s8 =	sadd.s32 $0x55000, s10;
	s10 =	smax.u32 s11, $0x1;
	s11 =	sshrl.u32 s13, $0x3  }
0xe: {  	s13 =	simm.s32 $0x1400;
	s9 =	sadd.s32 $0x2D800, s12;
	s12 =	simm.s32 $0x2  }
.LBB2_1:
0xf: {  	[spmem:s11], [sflag:s6] =	dma.local [hbm:s5], $0x13C0  }
0x10: {  	_ =	swait.ge [sflag:s12], $0x13C0  }
0x11: {  	[sflag:s12] =	ssyncset.done $0x0  }
0x12: {  	[sflag:s12] =	ssyncadd.s32 $0xFFFFEC40  }
0x13: {  	[tilespmem:s3], [sflag:$0x2] =	stream.linear.gather [hbm4b:s7+s3], $0x1400, $0x38;
	[tilespmem:$0xE600] =	vst v63  }
0x14: {  	_ =	swait.ge [sflag:s12], $0x1400  }
0x15: {  	[sflag:s12] =	ssyncset.done $0x0  }
0x16: {  	[sflag:s12] =	ssyncadd.s32 $0xFFFFEC00  }
0x17: {  	[tilespmem:s13], [sflag:$0x2] =	stream.linear.gather [hbm4b:s8+s3], $0x1400, $0x38;
	[tilespmem:$0xE600] =	vst v63  }
0x18: {  	_ =	swait.ge [sflag:s12], $0x1400  }
0x19: {  	[sflag:s12] =	ssyncset.done $0x0  }
0x1a: {  	[sflag:s12] =	ssyncadd.s32 $0xFFFFEC00  }
0x1b: {  	s18 =	simm.s32 $0x0;
	[bflag:$0x0] =	sbarrier.arrive $0xFFFF  }
0x1c: {  	[tilespmem:s15], [sflag:$0x1] =	stream.indirect.gather [hbm4b:s4+s14], $0x40, s18, s14, $0xb8;
	[tilespmem:$0xE600] =	vst v63  }
0x1d: {  	_ =	swait.ge [sflag:s16], $0x2000  }
0x1e: {  	[sflag:s16] =	ssyncset.done $0x0  }
0x1f: {  	s31 =	simm.s32 $0x1400;
	[sflag:s16] =	ssyncadd.s32 $0xFFFFE000  }
0x20: {  	[spmem:s2] =	stream.indirect.scatter.add.f32 [tilespmem:s15], [sflag:$0x2], $0x40, s31, s14, $0xb8;
	[tilespmem:$0xE600] =	vst v63  }
0x21: {  	_ =	swait.ge [sflag:s12], $0x2000  }
0x22: {  	s19 =	simm.s32 $0x400;
	s18 =	simm.s32 $0x200;
	[sflag:s12] =	ssyncset.done $0x0  }
.LBB2_2:
0x23: {  	s20 =	sshra.s32 s18, $0x2  }
0x24: {  	[sflag:s12] =	ssyncadd.s32 $0xFFFFE000;
	s18 =	smov.u32 s19;
	s21 =	sadd.s32 $0x200, s19  }
0x25: {  	[tilespmem:s15], [sflag:$0x1] =	stream.indirect.gather [hbm4b:s4+s14], $0x40, s20, s14, $0xb8;
	[tilespmem:$0xE600] =	vst v63  }
0x26: {  	p0 =	sne.s32 s19, $0x4E00;
	_ =	swait.ge [sflag:s16], $0x2000  }
.Ltmp0:
0x27: {  	[sflag:s16] =	ssyncset.done $0x0;
	(pc) =	sbr.rel @p0 .LBB2_2-.Ltmp0, $4  }
0x28: {  	s19 =	sadd.s32 $0x1400, s20;
	[sflag:s16] =	ssyncadd.s32 $0xFFFFE000  }
0x29: {  	[spmem:s2] =	stream.indirect.scatter.add.f32 [tilespmem:s15], [sflag:$0x2], $0x40, s19, s14, $0xb8;
	[tilespmem:$0xE600] =	vst v63  }
0x2a: {  	_ =	swait.ge [sflag:s12], $0x2000  }
0x2b: {  	s19 =	smov.u32 s21;
	[sflag:s12] =	ssyncset.done $0x0  }
0x2c: {  	s18 =	sshra.s32 s18, $0x2;
	[sflag:s12] =	ssyncadd.s32 $0xFFFFE000  }
0x2d: {  	[tilespmem:s15], [sflag:$0x1] =	stream.indirect.gather [hbm4b:s4+s14], $0x40, s18, s14, $0xb8;
	[tilespmem:$0xE600] =	vst v63  }
0x2e: {  	_ =	swait.ge [sflag:s16], $0x2000  }
0x2f: {  	[sflag:s16] =	ssyncset.done $0x0  }
0x30: {  	s18 =	sadd.s32 $0x1400, s18;
	[sflag:s16] =	ssyncadd.s32 $0xFFFFE000  }
0x31: {  	[spmem:s2] =	stream.indirect.scatter.add.f32 [tilespmem:s15], [sflag:$0x2], $0x40, s18, s14, $0xb8;
	[tilespmem:$0xE600] =	vst v63  }
0x32: {  	_ =	swait.ge [sflag:s12], $0x2000  }
0x33: {  	s17 =	sadd.s32 $0x1, s17;
	[sflag:s12] =	ssyncset.done $0x0  }
0x34: {  	p0 =	sne.s32 s17, s10;
	[sflag:s12] =	ssyncadd.s32 $0xFFFFE000  }
.Ltmp1:
0x35: {  	[bflag:$0x0] =	sbarrier.arrive $0xFFFF;
	(pc) =	sbr.rel @p0 .LBB2_1-.Ltmp1, $4  }
0x36: {  	[hbm:s9], [sflag:s6] =	dma.local [spmem:s11], $0x13C0  }
0x37: {  	_ =	swait.ge [sflag:s12], $0x13C0  }
0x38: {  	[sflag:s12] =	ssyncset.done $0x0  }
0x39: {  	[sflag:s12] =	ssyncadd.s32 $0xFFFFEC40  }
0x3a: {  	_ =	sfence.sel $0x180000  }
0x3b: {  	[bflag:$0x0] =	sbarrier.arrive $0xFFFF  }
0x3c: {  	p0 =	sne.s32 s0, $0x0;
	_ =	strace $0x90000053  }
0x3d: {  	s0 =	sadd.s32 @!p0 $0x100000, s1;
	[bflag:$0x2] =	sbarrier.arrive $0xFFFF  }
0x3e: {  	[sflag:s0] =	ssyncadd.tile.s32 @!p0 $0x1;
	_ =	shalt  }
.Lfunc_end2:
_tile_overlayer_lowered:
.L_overlay_start_2:
0x3f: {  	(tag) =	ssettag $0x2  }
0x40: {  	s0 =	rddreg [dreg:$0x0];
	s2 =	stileid.u32  }
0x41: {  	s1 =	rddreg [dreg:$0x1];
	p0 =	sne.s32 s2, $0x0  }
0x42: {  	s3 =	rddreg [dreg:$0x2];
	[bflag:$0x3] =	sbarrier.arrive $0xFFFF;
	s2 =	simm.s32 @!p0 $0x1C02  }
0x43: {  	[timem:s3], [sflag:s2] =	dma.local @!p0 [hbm:s0], s1  }
0x44: {  	s0 =	simm.s32 @!p0 $0x2  }
0x45: {  	_ =	swait.ge @!p0 [sflag:s0], s1  }
0x46: {  	s1 =	ssub.s32 @!p0 $0x0, s1;
	[sflag:s0] =	ssyncset.done @!p0 $0x0  }
0x47: {  	[sflag:s0] =	ssyncadd.s32 @!p0 s1  }
0x48: {  	[bflag:$0x3] =	sbarrier.arrive $0xFFFF  }
0x49: {  	_ =	shalt  }

// kernel: kernel.28.cloned.1.call-start
scs
__scs_entry_jumppad:
0x0: {  	(pc) =	sbr.rel $0x88, $3  }
0x1: {  	(tag) =	ssettag $0x0;
	lr =	simm.s32 $0x1  }
0x2: {  	[smem:$0x3F79] =	sst lr;
	_ =	strace $0xD0000000  }
0x3: {  	_ = 	snop  }
0x4: {  	_ = 	snop  }
0x5: {  	_ = 	snop  }
0x6: {  	_ = 	snop  }
0x7: {  	_ = 	snop  }
__scs_overlays_trampoline_lowered:
0x8: {  	[smem:$0x3F88] =	sst s0  }
0x9: {  	[smem:$0x3F89] =	sst s1  }
0xa: {  	[smem:$0x3F8A] =	sst s2  }
0xb: {  	[smem:$0x3F8B] =	sst s3  }
0xc: {  	[smem:$0x3F8C] =	sst s4  }
0xd: {  	[smem:$0x3F8D] =	sst s5  }
0xe: {  	[smem:$0x3F8E] =	sst s6  }
0xf: {  	[smem:$0x3F8F] =	sst s7  }
0x10: {  	[smem:$0x3F90] =	sst s8  }
0x11: {  	[smem:$0x3F91] =	sst s9;
	s0 =	simm.s32 @!p0 $0x0  }
0x12: {  	s1 =	sld [smem:$0x3F77];
	s0 =	simm.s32 @p0 $0x1  }
0x13: {  	[smem:$0x3F92] =	sst s0;
	s0 =	simm.s32 @!p1 $0x0  }
0x14: {  	s2 =	sld [smem:$0x3F76];
	s0 =	simm.s32 @p1 $0x1  }
0x15: {  	[smem:$0x3F93] =	sst s0;
	s0 =	simm.s32 @!p2 $0x0  }
0x16: {  	s3 =	sld [smem:$0x3FDB];
	s0 =	simm.s32 @p2 $0x1  }
0x17: {  	s4 =	simm.s32 $0x1BF5;
	[smem:$0x3F95] =	sst s0  }
0x18: {  	s0 =	sld [smem:$0x3F78];
	_ =	swait.ge [sflag:s4], $0x0  }
0x19: {  	s7 =	sld [smem:$0x3F79]  }
0x1a: {  	s8 =	sadd.s32 $0xFFFFE003, lr  }
0x1b: {  	s9 =	sadd.s32 $0xFFFFFEF7, lr;
	s5 =	simm.s32 $0xFFFFFFFF;
	p2 =	slt.u32 s8, $0xFFFFF086  }
0x1c: {  	p1 =	slt.u32 s9, $0xF7A;
	s5 =	simm.s32 @!p2 $0x0  }
0x1d: {  	s5 =	simm.s32 @p1 $0x1;
	p0 =	seq.s32 s7, s2  }
0x1e: {  	s7 =	smul.u32 @!p0 $0xF7A, s2;
	p2 =	seq.s32 @!p0 s5, $0x0  }
0x1f: {  	s9 =	smul.u32 $0xF7A, s1;
	s8 =	simm.s32 @!p0 $0x1BF5;
	p2 =	por !p2, p0  }
0x20: {  	[sflag:s8] =	ssyncset.s32 @!p0 $0xFFFFF086;
	s6 =	sadd.s32 @!p0 s3, s7;
	s7 =	simm.s32 @!p0 $0x108  }
0x21: {  	s3 =	sadd.s32 s3, s9;
	s6 =	sadd.s32 @!p0 $0x88, s6;
	s7 =	simm.s32 @p2 $0x1082  }
0x22: {  	[simem:s7], [sflag:s8] =	dma.local @!p0 [hbm:s6], $0xF7A  }
0x23: {  	s9 =	sor.u32 $0xD0000000, s2;
	s6 =	simm.s32 $0x108;
	_ =	swait.ge @!p0 [sflag:s8], $0x0  }
0x24: {  	s3 =	sadd.s32 $0x88, s3;
	s6 =	simm.s32 @!p1 $0x1082;
	[sflag:s4] =	ssyncset.s32 $0xFFFFF086  }
0x25: {  	[simem:s6], [sflag:s4] =	dma.local [hbm:s3], $0xF7A  }
0x26: {  	[smem:$0x3F79] =	sst s1;
	(tag) =	ssettag s2;
	_ =	strace s9  }
0x27: {  	s1 =	sld [smem:$0x3F89]  }
0x28: {  	s2 =	sld [smem:$0x3F8A]  }
0x29: {  	s4 =	sld [smem:$0x3F8C]  }
0x2a: {  	p0 =	seq.s32 s5, $0x0;
	s5 =	sld [smem:$0x3F8D]  }
0x2b: {  	s6 =	sld [smem:$0x3F8E]  }
0x2c: {  	s7 =	sld [smem:$0x3F8F]  }
0x2d: {  	s3 =	simm.s32 $0x108;
	s8 =	sld [smem:$0x3F90]  }
0x2e: {  	s3 =	simm.s32 @!p0 $0x1082;
	s9 =	sld [smem:$0x3F91]  }
0x2f: {  	lr =	sadd.s32 s0, s3;
	s0 =	sld [smem:$0x3F88]  }
0x30: {  	s3 =	sld [smem:$0x3F8B]  }
0x31: {  	[smem:$0x3F94] =	sst s10  }
0x32: {  	s10 =	sld [smem:$0x3F92];
	_ =	sdelay $0x3  }
0x33: {  	p0 =	seq.s32 s10, $0x1;
	s10 =	sld [smem:$0x3F94];
	_ =	sdelay $0x3  }
0x34: {  	[smem:$0x3F94] =	sst s10  }
0x35: {  	s10 =	sld [smem:$0x3F93];
	_ =	sdelay $0x3  }
0x36: {  	p1 =	seq.s32 s10, $0x1;
	s10 =	sld [smem:$0x3F94];
	_ =	sdelay $0x3  }
0x37: {  	[smem:$0x3F94] =	sst s10  }
0x38: {  	s10 =	sld [smem:$0x3F95]  }
0x39: {  	_ = 	snop;
	(pc) =	sbr.ind lr, $3  }
0x3a: {  	_ = 	snop  }
0x3b: {  	_ = 	snop  }
0x3c: {  	p2 =	seq.s32 s10, $0x1;
	s10 =	sld [smem:$0x3F94]  }
0x3d: {  	_ =	shalt  }
0x3e: {  	_ =	shalt  }
0x3f: {  	_ =	shalt  }
0x40: {  	_ =	shalt  }
0x41: {  	_ =	shalt  }
0x42: {  	_ =	shalt  }
0x43: {  	_ =	shalt  }
0x44: {  	_ =	shalt  }
0x45: {  	_ =	shalt  }
0x46: {  	_ =	shalt  }
0x47: {  	_ =	shalt  }
0x48: {  	_ =	shalt  }
0x49: {  	_ =	shalt  }
0x4a: {  	_ =	shalt  }
0x4b: {  	_ =	shalt  }
0x4c: {  	_ =	shalt  }
0x4d: {  	_ =	shalt  }
0x4e: {  	_ =	shalt  }
0x4f: {  	_ =	shalt  }
0x50: {  	_ =	shalt  }
0x51: {  	_ =	shalt  }
0x52: {  	_ =	shalt  }
0x53: {  	_ =	shalt  }
0x54: {  	_ =	shalt  }
0x55: {  	_ =	shalt  }
0x56: {  	_ =	shalt  }
0x57: {  	_ =	shalt  }
0x58: {  	_ =	shalt  }
0x59: {  	_ =	shalt  }
0x5a: {  	_ =	shalt  }
0x5b: {  	_ =	shalt  }
0x5c: {  	_ =	shalt  }
0x5d: {  	_ =	shalt  }
0x5e: {  	_ =	shalt  }
0x5f: {  	_ =	shalt  }
0x60: {  	_ =	shalt  }
0x61: {  	_ =	shalt  }
0x62: {  	_ =	shalt  }
0x63: {  	_ =	shalt  }
0x64: {  	_ =	shalt  }
0x65: {  	_ =	shalt  }
0x66: {  	_ =	shalt  }
0x67: {  	_ =	shalt  }
0x68: {  	_ =	shalt  }
0x69: {  	_ =	shalt  }
0x6a: {  	_ =	shalt  }
0x6b: {  	_ =	shalt  }
0x6c: {  	_ =	shalt  }
0x6d: {  	_ =	shalt  }
0x6e: {  	_ =	shalt  }
0x6f: {  	_ =	shalt  }
0x70: {  	_ =	shalt  }
0x71: {  	_ =	shalt  }
0x72: {  	_ =	shalt  }
0x73: {  	_ =	shalt  }
0x74: {  	_ =	shalt  }
0x75: {  	_ =	shalt  }
0x76: {  	_ =	shalt  }
0x77: {  	_ =	shalt  }
0x78: {  	_ =	shalt  }
0x79: {  	_ =	shalt  }
0x7a: {  	_ =	shalt  }
0x7b: {  	_ =	shalt  }
0x7c: {  	_ =	shalt  }
0x7d: {  	_ =	shalt  }
0x7e: {  	_ =	shalt  }
0x7f: {  	_ =	shalt  }
0x80: {  	_ =	shalt  }
0x81: {  	_ =	shalt  }
0x82: {  	_ =	shalt  }
0x83: {  	_ =	shalt  }
0x84: {  	_ =	shalt  }
0x85: {  	_ =	shalt  }
0x86: {  	_ =	shalt  }
0x87: {  	_ =	shalt  }
.Lfunc_end0:
.L_simem_size_0:
called_computation.5_lowered:
.L_overlay_start_0:
0x88: {  	s2 =	sld [smem:$0x3FD9]  }
0x89: {  	s3 =	sld [smem:$0x3FFE];
	_ =	sdelay $0x1  }
0x8a: {  	s1 =	srdreg.scid  }
0x8b: {  	s0 =	sand.u32 $0x1, s1  }
0x8c: {  	s16 =	sshll.u32 s0, $0xA;
	s2 =	sadd.s32 s3, s2  }
0x8d: {  	s2 =	sadd.s32 s2, s16  }
0x8e: {  	[smem:$0x3FA0] =	sst s2  }
0x8f: {  	_ = 	snop  }
0x90: {  	(tm) =	ssettm $0x1  }
0x91: {  	s17 =	sld [smem:$0x3FFB];
	_ =	sdelay $0x3  }
0x92: {  	_ =	strace s17  }
0x93: {  	s2 =	sld [smem:$0x3FFC];
	_ =	sdelay $0x3  }
0x94: {  	_ =	strace s2  }
0x95: {  	s2 =	sld [smem:$0x3FFD];
	_ =	sdelay $0x3  }
0x96: {  	_ =	strace s2  }
0x97: {  	_ =	strace $0x8FFFFFFF  }
0x98: {  	s18 =	sld [smem:$0x3FDB];
	_ =	sdelay $0x1  }
0x99: {  	s19 =	simm.s32 $_scs_section_size  }
0x9a: {  	s4 =	simm.s32 $_size__tile_overlayer_lowered;
	s5 =	simm.s32 $_tile_overlayer_lowered  }
0x9b: {  	s22 =	simm.s32 $0x1BFF;
	s21 =	sshll.u32 s5, $0x1;
	s2 =	sadd.s32 s19, s18  }
0x9c: {  	s6 =	simm.s32 $0x0;
	s20 =	sshll.u32 s4, $0x1;
	s4 =	sadd.s32 s21, s2  }
0x9d: {  	[timem:s6], [sflag:s22] =	dma.local [hbm:s4], s20  }
0x9e: {  	_ =	swait.ge [sflag:s22], s20  }
0x9f: {  	s3 =	ssub.s32 $0x0, s20;
	[sflag:s22] =	ssyncset.done $0x0  }
0xa0: {  	[sflag:s22] =	ssyncadd.s32 s3;
	_ =	sdelay $0x1  }
0xa1: {  	s23 =	simm.s32 $0x1B8B  }
0xa2: {  	_ =	swait.ge [sflag:s23], $0x1  }
0xa3: {  	[sflag:s23] =	ssyncset.done $0x0  }
0xa4: {  	s25 =	simm.s32 $0x1B8E;
	s24 =	sld [smem:$0x3FFE];
	[sflag:s23] =	ssyncadd.s32 $0xFFFFFFFF  }
0xa5: {  	s26 =	simm.s32 $execute0_lowered;
	[smem:$0x3FD2] =	sst s25  }
0xa6: {  	s4 =	sshll.u32 s26, $0x1;
	_ =	strace $0x80000055;
	[dreg:$0x1] =	wrdreg $0xFFFFFFFF  }
0xa7: {  	s28 =	simm.s32 $_size_execute0_lowered;
	s2 =	sadd.s32 s2, s4;
	[dreg:$0x0] =	wrdreg $0x0  }
0xa8: {  	s4 =	sshll.u32 s28, $0x1;
	[dreg:$0x2] =	wrdreg s2  }
0xa9: {  	[dreg:$0x3] =	wrdreg s4  }
0xaa: {  	[dreg:$0x4] =	wrdreg $0xC0  }
0xab: {  	_ =	task [dreg:s6], $0x5FFFF  }
0xac: {  	[dreg:$0x1] =	wrdreg $0xFFFFFFFF  }
0xad: {  	[dreg:$0x0] =	wrdreg $0x60  }
0xae: {  	[dreg:$0x2] =	wrdreg s24  }
0xaf: {  	[dreg:$0x3] =	wrdreg $0x48000  }
0xb0: {  	[dreg:$0x4] =	wrdreg $0x9  }
0xb1: {  	_ =	task.clear_ibuf [dreg:s6], $0x5FFFF;
	_ =	strace $0x90000055  }
0xb2: {  	s29 =	simm.s32 $0x9;
	_ =	strace $0x80000057  }
0xb3: {  	_ =	swait.ge [sflag:s29], $0x1  }
0xb4: {  	[sflag:s29] =	ssyncadd.s32 $0xFFFFFFFF  }
0xb5: {  	_ =	strace $0x90000057  }
0xb6: {  	_ =	sfence  }
0xb7: {  	s30 =	sld [smem:$0x0];
	_ =	sdelay $0x2  }
0xb8: {  	s31 =	sshll.u32 s1, $0xD;
	s1 =	sshrl.u32 s1, $0x2  }
0xb9: {  	s3 =	sand.u32 $0x4000, s31;
	s1 =	sadd.s32 s1, s30  }
0xba: {  	s0 =	sor.u32 s3, s0;
	s1 =	sshll.u32 s1, $0x11  }
0xbb: {  	s0 =	sor.u32 s1, s0  }
0xbc: {  	s0 =	sadd.s32 $0x8F2B, s0  }
0xbd: {  	[sflag:s0] =	ssyncadd.remote.s32 $0x1  }
0xbe: {  	_ =	sfence.sel $0xFFFF  }
0xbf: {  	[dreg:$0x0] =	wrdreg $0xFFFFFFFF;
	(pc) =	sbr.abs _section_cstart, $3  }
0xc0: {  	[dreg:$0x1] =	wrdreg $0xFFFFFFFF  }
0xc1: {  	_ =	task.clear_ibuf [dreg:s6], $0x2FFFF;
	_ =	strace $0x9FFFFFFF  }
0xc2: {  	(tm) =	ssettm $0x7FFFFFFF  }
0xc3: {  	_ =	shalt  }
tec
execute0_lowered:
.L_overlay_start_1:
0x0: {  	(tag) =	ssettag $0x1  }
0x1: {  	s1 =	srdreg.scid  }
0x2: {  	s0 =	stileid.u32;
	s6 =	rddreg [dreg:$0x0]  }
0x3: {  	s2 =	rddreg [dreg:$0x1];
	s3 =	simm.s32 $0x0;
	s14 =	simm.s32 $0x80  }
0x4: {  	s15 =	simm.s32 $0x2800;
	s16 =	simm.s32 $0x1;
	s17 =	simm.s32 $0x0  }
0x5: {  	s5 =	sand.u32 $0x1, s1;
	s28 =	sshll.u32 s0, $0x1;
	s8 =	smul.u32 $0x9E00, s0  }
0x6: {  	[smem:$0x7FF] =	sst s3;
	s4 =	sadd.s32 $0x6000, s6;
	s31 =	sshll.u32 s0, $0x6  }
0x7: {  	s1 =	sor.u32 s5, s28;
	s9 =	smul.u32 $0x9E000, s5;
	s5 =	ssub.s32 $0x2, s5  }
0x8: {  	s7 =	smul.u32 $0x280, s1;
	s1 =	rddreg [dreg:$0x2];
	_ =	strace $0x80000056  }
0x9: {  	s30 =	sshrl.u32 s8, $0x3;
	s11 =	sshrl.u32 s5, $0x1;
	s13 =	sadd.s32 s8, s2  }
0xa: {  	s29 =	sadd.s32 s8, s9;
	s9 =	sadd.s32 s30, s6;
	s11 =	ssub.s32 s5, s11  }
0xb: {  	s10 =	sadd.s32 s7, s6;
	s7 =	sshrl.u32 s29, $0x3;
	s5 =	sadd.s32 $0x19C00, s9  }
0xc: {  	s12 =	sadd.s32 s7, s6;
	s6 =	sor.u32 $0x1C02, s31;
	s7 =	sadd.s32 $0x5A000, s10  }
0xd: {  	s8 =	sadd.s32 $0x55000, s10;
	s10 =	smax.u32 s11, $0x1;
	s11 =	sshrl.u32 s13, $0x3  }
0xe: {  	s13 =	simm.s32 $0x1400;
	s9 =	sadd.s32 $0x2D800, s12;
	s12 =	simm.s32 $0x2  }
.LBB2_1:
0xf: {  	[spmem:s11], [sflag:s6] =	dma.local [hbm:s5], $0x13C0  }
0x10: {  	_ =	swait.ge [sflag:s12], $0x13C0  }
0x11: {  	[sflag:s12] =	ssyncset.done $0x0  }
0x12: {  	[sflag:s12] =	ssyncadd.s32 $0xFFFFEC40  }
0x13: {  	[tilespmem:s3], [sflag:$0x2] =	stream.linear.gather [hbm4b:s7+s3], $0x1400, $0x38;
	[tilespmem:$0xE600] =	vst v63  }
0x14: {  	_ =	swait.ge [sflag:s12], $0x1400  }
0x15: {  	[sflag:s12] =	ssyncset.done $0x0  }
0x16: {  	[sflag:s12] =	ssyncadd.s32 $0xFFFFEC00  }
0x17: {  	[tilespmem:s13], [sflag:$0x2] =	stream.linear.gather [hbm4b:s8+s3], $0x1400, $0x38;
	[tilespmem:$0xE600] =	vst v63  }
0x18: {  	_ =	swait.ge [sflag:s12], $0x1400  }
0x19: {  	[sflag:s12] =	ssyncset.done $0x0  }
0x1a: {  	[sflag:s12] =	ssyncadd.s32 $0xFFFFEC00  }
0x1b: {  	s18 =	simm.s32 $0x0;
	[bflag:$0x0] =	sbarrier.arrive $0xFFFF  }
0x1c: {  	[tilespmem:s15], [sflag:$0x1] =	stream.indirect.gather [hbm4b:s4+s14], $0x40, s18, s14, $0xb8;
	[tilespmem:$0xE600] =	vst v63  }
0x1d: {  	_ =	swait.ge [sflag:s16], $0x2000  }
0x1e: {  	[sflag:s16] =	ssyncset.done $0x0  }
0x1f: {  	s31 =	simm.s32 $0x1400;
	[sflag:s16] =	ssyncadd.s32 $0xFFFFE000  }
0x20: {  	[spmem:s2] =	stream.indirect.scatter.add.f32 [tilespmem:s15], [sflag:$0x2], $0x40, s31, s14, $0xb8;
	[tilespmem:$0xE600] =	vst v63  }
0x21: {  	_ =	swait.ge [sflag:s12], $0x2000  }
0x22: {  	s19 =	simm.s32 $0x400;
	s18 =	simm.s32 $0x200;
	[sflag:s12] =	ssyncset.done $0x0  }
.LBB2_2:
0x23: {  	s20 =	sshra.s32 s18, $0x2  }
0x24: {  	[sflag:s12] =	ssyncadd.s32 $0xFFFFE000;
	s18 =	smov.u32 s19;
	s21 =	sadd.s32 $0x200, s19  }
0x25: {  	[tilespmem:s15], [sflag:$0x1] =	stream.indirect.gather [hbm4b:s4+s14], $0x40, s20, s14, $0xb8;
	[tilespmem:$0xE600] =	vst v63  }
0x26: {  	p0 =	sne.s32 s19, $0x4E00;
	_ =	swait.ge [sflag:s16], $0x2000  }
.Ltmp0:
0x27: {  	[sflag:s16] =	ssyncset.done $0x0;
	(pc) =	sbr.rel @p0 .LBB2_2-.Ltmp0, $4  }
0x28: {  	s19 =	sadd.s32 $0x1400, s20;
	[sflag:s16] =	ssyncadd.s32 $0xFFFFE000  }
0x29: {  	[spmem:s2] =	stream.indirect.scatter.add.f32 [tilespmem:s15], [sflag:$0x2], $0x40, s19, s14, $0xb8;
	[tilespmem:$0xE600] =	vst v63  }
0x2a: {  	_ =	swait.ge [sflag:s12], $0x2000  }
0x2b: {  	s19 =	smov.u32 s21;
	[sflag:s12] =	ssyncset.done $0x0  }
0x2c: {  	s18 =	sshra.s32 s18, $0x2;
	[sflag:s12] =	ssyncadd.s32 $0xFFFFE000  }
0x2d: {  	[tilespmem:s15], [sflag:$0x1] =	stream.indirect.gather [hbm4b:s4+s14], $0x40, s18, s14, $0xb8;
	[tilespmem:$0xE600] =	vst v63  }
0x2e: {  	_ =	swait.ge [sflag:s16], $0x2000  }
0x2f: {  	[sflag:s16] =	ssyncset.done $0x0  }
0x30: {  	s18 =	sadd.s32 $0x1400, s18;
	[sflag:s16] =	ssyncadd.s32 $0xFFFFE000  }
0x31: {  	[spmem:s2] =	stream.indirect.scatter.add.f32 [tilespmem:s15], [sflag:$0x2], $0x40, s18, s14, $0xb8;
	[tilespmem:$0xE600] =	vst v63  }
0x32: {  	_ =	swait.ge [sflag:s12], $0x2000  }
0x33: {  	s17 =	sadd.s32 $0x1, s17;
	[sflag:s12] =	ssyncset.done $0x0  }
0x34: {  	p0 =	sne.s32 s17, s10;
	[sflag:s12] =	ssyncadd.s32 $0xFFFFE000  }
.Ltmp1:
0x35: {  	[bflag:$0x0] =	sbarrier.arrive $0xFFFF;
	(pc) =	sbr.rel @p0 .LBB2_1-.Ltmp1, $4  }
0x36: {  	[hbm:s9], [sflag:s6] =	dma.local [spmem:s11], $0x13C0  }
0x37: {  	_ =	swait.ge [sflag:s12], $0x13C0  }
0x38: {  	[sflag:s12] =	ssyncset.done $0x0  }
0x39: {  	[sflag:s12] =	ssyncadd.s32 $0xFFFFEC40  }
0x3a: {  	_ =	sfence.sel $0x180000  }
0x3b: {  	[bflag:$0x0] =	sbarrier.arrive $0xFFFF  }
0x3c: {  	p0 =	sne.s32 s0, $0x0;
	_ =	strace $0x90000056  }
0x3d: {  	s0 =	sadd.s32 @!p0 $0x100000, s1;
	[bflag:$0x2] =	sbarrier.arrive $0xFFFF  }
0x3e: {  	[sflag:s0] =	ssyncadd.tile.s32 @!p0 $0x1;
	_ =	shalt  }
.Lfunc_end2:
_tile_overlayer_lowered:
.L_overlay_start_2:
0x3f: {  	(tag) =	ssettag $0x2  }
0x40: {  	s0 =	rddreg [dreg:$0x0];
	s2 =	stileid.u32  }
0x41: {  	s1 =	rddreg [dreg:$0x1];
	p0 =	sne.s32 s2, $0x0  }
0x42: {  	s3 =	rddreg [dreg:$0x2];
	[bflag:$0x3] =	sbarrier.arrive $0xFFFF;
	s2 =	simm.s32 @!p0 $0x1C02  }
0x43: {  	[timem:s3], [sflag:s2] =	dma.local @!p0 [hbm:s0], s1  }
0x44: {  	s0 =	simm.s32 @!p0 $0x2  }
0x45: {  	_ =	swait.ge @!p0 [sflag:s0], s1  }
0x46: {  	s1 =	ssub.s32 @!p0 $0x0, s1;
	[sflag:s0] =	ssyncset.done @!p0 $0x0  }
0x47: {  	[sflag:s0] =	ssyncadd.s32 @!p0 s1  }
0x48: {  	[bflag:$0x3] =	sbarrier.arrive $0xFFFF  }
0x49: {  	_ =	shalt  }

</sc_bundles>
